<compile_context>
chip_gen: v7x
topology: tpu7x:2x2x1
jax: 0.10.2.dev20260603
libtpu: 0.0.44.dev20260713+nightly
codegen_flags: <defaults>
</compile_context>

<pallas_src>
import functools

import jax
import jax.numpy as jnp
from jax import lax
from jax.experimental import pallas as pl
from jax.experimental.pallas import tpu as pltpu
from jax.experimental.pallas import tpu_sc as plsc

N = 10000
E = 160000
V = 1000
F = 256
C = 256
HALF = C // 2
NCORE = 2
NSUB = 16
EPW = E // NSUB
B = 40
NCHUNK = EPW // B
ROWS_PT = N // NSUB
FCH = 25
NF = ROWS_PT // FCH
ETAW = 6 * B + 16


def _mm_body(emb_ref, wp_ref, out_ref):
    out_ref[0] = jnp.dot(emb_ref[...], wp_ref[0],
                         preferred_element_type=jnp.float32)


def _make_table(emb, Wp):
    return pl.pallas_call(
        _mm_body,
        grid=(NCORE,),
        in_specs=[
            pl.BlockSpec((V, F), lambda s: (0, 0)),
            pl.BlockSpec((1, F, 3 * HALF), lambda s: (s, 0, 0)),
        ],
        out_specs=pl.BlockSpec((1, V, 3 * HALF), lambda s: (s, 0, 0)),
        out_shape=jax.ShapeDtypeStruct((NCORE, V, 3 * HALF), jnp.float32),
    )(emb, Wp)


_sc_mesh = plsc.VectorSubcoreMesh(core_axis_name="c", subcore_axis_name="s")


@functools.partial(
    pl.kernel,
    out_type=jax.ShapeDtypeStruct((NCORE * NSUB, 16), jnp.float32),
    mesh=_sc_mesh,
    scratch_types=[
        pltpu.VMEM((2, 2 * B), jnp.int32),
        pltpu.VMEM((3, 2, B), jnp.int32),
        pltpu.VMEM((3, 2 * B), jnp.int32),
        pltpu.VMEM((3 * ETAW,), jnp.float32),
        pltpu.VMEM((2, B, 3 * HALF), jnp.float32),
        pltpu.VMEM((B, HALF), jnp.float32),
        pltpu.VMEM((FCH, HALF), jnp.float32),
        pltpu.VMEM((HALF,), jnp.float32),
        pltpu.VMEM((16,), jnp.float32),
        pltpu.VMEM_SHARED((N, HALF), jnp.float32),
        pltpu.SemaphoreType.DMA,
        pltpu.SemaphoreType.DMA,
        pltpu.SemaphoreType.DMA,
    ],
)
def _sc_edge(src_hbm, dst_hbm, eta_hbm, tok_hbm, t_hbm, bias_hbm, out_hbm,
             src_v, dst_v, tp_v, eta_v, rows_v, msgs_v, fbuf, bias_v,
             accst, agg_sh, sem_a, sem_b, sem_c):
    cid = lax.axis_index("c")
    sid = lax.axis_index("s")
    wid = cid * NSUB + sid

    pltpu.sync_copy(bias_hbm.at[cid], bias_v)

    zero16 = jnp.zeros((16,), jnp.float32)

    def _zrow(r, carry):
        for j in range(HALF // 16):
            fbuf[r, pl.ds(16 * j, 16)] = zero16
        return carry

    lax.fori_loop(0, FCH, _zrow, 0)
    for p in range(NF):
        pltpu.sync_copy(
            fbuf, agg_sh.at[pl.ds(sid * ROWS_PT + p * FCH, FCH), :])
    plsc.subcore_barrier()

    ebase = sid * EPW

    def _a_copies(g):
        base = ebase + g * 2 * B
        return (
            (src_hbm.at[pl.ds(base, 2 * B)], src_v.at[g % 2]),
            (dst_hbm.at[pl.ds(base, B)], dst_v.at[g % 3, 0]),
            (dst_hbm.at[pl.ds(base + B, B)], dst_v.at[g % 3, 1]),
            (eta_hbm.at[pl.ds(base * 3, 6 * B)],
             eta_v.at[pl.ds((g % 3) * ETAW, 6 * B)]),
        )

    def _b_copy(g):
        return (tok_hbm.at[src_v.at[g % 2]], tp_v.at[g % 3])

    def _c_copy(ch):
        g = ch // 2
        return (
            t_hbm.at[cid].at[tp_v.at[g % 3].at[pl.ds((ch % 2) * B, B)]],
            rows_v.at[ch % 2])

    def _pipe(j, carry):
        @pl.when(j >= 3)
        def _():
            pltpu.make_async_copy(*_c_copy(j - 3), sem_c).wait()

        @pl.when(jnp.logical_and(j >= 2, j <= NCHUNK + 1))
        def _():
            @pl.when((j - 2) % 2 == 0)
            def _():
                pltpu.make_async_copy(*_b_copy((j - 2) // 2), sem_b).wait()

            pltpu.async_copy(*_c_copy(j - 2), sem_c)

        @pl.when(jnp.logical_and(j % 2 == 1, j <= NCHUNK - 1))
        def _():
            g = (j - 1) // 2
            for s_d in _a_copies(g):
                pltpu.make_async_copy(*s_d, sem_a).wait()
            pltpu.async_copy(*_b_copy(g), sem_b)

        @pl.when(jnp.logical_and(j % 2 == 0, j <= NCHUNK - 2))
        def _():
            for s_d in _a_copies(j // 2):
                pltpu.async_copy(*s_d, sem_a)

        @pl.when(j >= 3)
        def _():
            ch = j - 3
            r2 = ch % 2
            g3 = (ch // 2) % 3
            ebo = g3 * ETAW + (ch % 2) * 3 * B

            @plsc.parallel_loop(0, B, 1, unroll=8)
            def _edge(b):
                ev = eta_v[pl.ds(ebo + 3 * b, 16)]
                e0 = ev[0]
                e1 = ev[1]
                e2 = ev[2]
                for j2 in range(HALF // 16):
                    r0 = rows_v[r2, b, pl.ds(16 * j2, 16)]
                    r1 = rows_v[r2, b, pl.ds(HALF + 16 * j2, 16)]
                    r2v = rows_v[r2, b, pl.ds(2 * HALF + 16 * j2, 16)]
                    msgs_v[b, pl.ds(16 * j2, 16)] = (
                        e0 * r0 + e1 * r1 + e2 * r2v)

            pltpu.sync_copy(msgs_v, agg_sh.at[dst_v.at[g3, ch % 2]],
                            add=True)

        return carry

    lax.fori_loop(0, NCHUNK + 3, _pipe, 0)
    plsc.subcore_barrier()

    def _piece(p, acc):
        pltpu.sync_copy(
            agg_sh.at[pl.ds(sid * ROWS_PT + p * FCH, FCH), :], fbuf)

        @plsc.parallel_loop(0, FCH, 1, unroll=2, carry=acc)
        def _row(r, acc2):
            out = []
            for j in range(HALF // 16):
                x = fbuf[r, pl.ds(16 * j, 16)] + bias_v[pl.ds(16 * j, 16)]
                ex = jnp.exp(2.0 * x)
                th = 1.0 - 2.0 / (ex + 1.0)
                out.append(acc2[j] + th)
            return tuple(out)

        return _row

    acc0 = tuple(jnp.zeros((16,), jnp.float32) for _ in range(HALF // 16))
    acc = lax.fori_loop(0, NF, _piece, acc0)
    total = acc[0]
    for j in range(1, HALF // 16):
        total = total + acc[j]
    accst[...] = total * (1.0 / (N * C))
    pltpu.sync_copy(accst, out_hbm.at[wid])


def kernel(tokens, edge_index, eta, emb, W, bias):
    eta_flat = eta.reshape(E * 3)
    Wp = (W.reshape(F, 3, NCORE, HALF)
          .transpose(2, 0, 1, 3)
          .reshape(NCORE, F, 3 * HALF))
    bias2 = bias.reshape(NCORE, HALF)
    table = _make_table(emb, Wp)
    partials = _sc_edge(edge_index[0], edge_index[1], eta_flat, tokens,
                        table, bias2)
    return jnp.sum(partials)

# --- scband reference (transcript-rebuilt; emitter-appended) ---
"""Pipeline reference for scband-tbcnn-52682068853235 (READ-ONLY COPY).

The authoritative reference and input builder live on the scoring server;
editing this copy changes nothing except your own understanding.
"""

import jax, jax.numpy as jnp
import numpy as np
import math

N = 10000
E = 160000
V = 1000
F = 256
C = 256


def setup_inputs(seed: int = 0) -> dict:
    key = jax.random.key(seed)
    k1, k2, k3, k4, k5, k6 = jax.random.split(key, 6)
    tokens = jax.random.randint(k1, (N,), 0, V, dtype=jnp.int64 if jax.config.jax_enable_x64 else jnp.int32).astype(jnp.int32)
    edge_index = jax.random.randint(k2, (2, E), 0, N).astype(jnp.int32)
    eta = jax.random.uniform(k3, (E, 3, 1), dtype=jnp.float32)
    emb = jax.random.normal(k4, (V, F), dtype=jnp.float32) * 0.02
    # xavier_normal_ for W[F, 3C]: std = sqrt(2 / (fan_in + fan_out))
    w_std = math.sqrt(2.0 / (F + 3 * C))
    W = jax.random.normal(k5, (F, 3 * C), dtype=jnp.float32) * w_std
    b_std = 1.0 / math.sqrt(C)
    bias = jax.random.uniform(k6, (C,), dtype=jnp.float32, minval=-b_std, maxval=b_std)
    return {"tokens": tokens, "edge_index": edge_index, "eta": eta, "emb": emb, "W": W, "bias": bias}


def reference(tokens, edge_index, eta, emb, W, bias):
    # fea = self.emb(tokens)
    fea = jnp.take(emb, tokens, axis=0)  # [N, F]
    # h = matmul(fea, W).view(-1, 3, conv_out)
    h = jnp.matmul(fea, W).reshape(-1, 3, C)  # [N, 3, C]
    src = edge_index[0]
    dst = edge_index[1]
    # message: src 'h' * edge 'eta' ; reduce: sum over incoming edges
    m = jnp.take(h, src, axis=0) * eta  # [E, 3, C] (eta broadcasts over C)
    agg = jax.ops.segment_sum(m, dst, num_segments=N)  # [N, 3, C]
    # conv_out = tanh(sum(h, dim=1) + bias)
    conv_out = jnp.tanh(jnp.sum(agg, axis=1) + bias)  # [N, C]
    return jnp.mean(conv_out)

if __name__ == "__main__":
    import jax
    _d = setup_inputs()
    print(jax.jit(kernel)(*tuple(_d.values())))

</pallas_src>

<mosaic_0001>
#map = affine_map<(d0, d1) -> (0)>
#map1 = affine_map<(d0, d1) -> (0, 0, 0)>
#map2 = affine_map<(d0, d1) -> (0, 0)>
module attributes {stable_mosaic.version = 14 : i64} {
  func.func @_sc_edge(%arg0: i32, %arg1: i32, %arg2: memref<160000xi32, #tpu.memory_space<hbm>>, %arg3: memref<160000xi32, #tpu.memory_space<hbm>>, %arg4: memref<480000xf32, #tpu.memory_space<hbm>>, %arg5: memref<10000xi32, #tpu.memory_space<hbm>>, %arg6: memref<2x1000x384xf32, #tpu.memory_space<hbm>>, %arg7: memref<2x128xf32, #tpu.memory_space<hbm>>, %arg8: memref<32x16xf32, #tpu.memory_space<hbm>>, %arg9: memref<2x80xi32, #tpu.memory_space<vmem>>, %arg10: memref<3x2x40xi32, #tpu.memory_space<vmem>>, %arg11: memref<3x80xi32, #tpu.memory_space<vmem>>, %arg12: memref<768xf32, #tpu.memory_space<vmem>>, %arg13: memref<2x40x384xf32, #tpu.memory_space<vmem>>, %arg14: memref<40x128xf32, #tpu.memory_space<vmem>>, %arg15: memref<25x128xf32, #tpu.memory_space<vmem>>, %arg16: memref<128xf32, #tpu.memory_space<vmem>>, %arg17: memref<16xf32, #tpu.memory_space<vmem>>, %arg18: memref<10000x128xf32, #tpu.memory_space<vmem_shared>>, %arg19: memref<!tpu.dma_semaphore, #tpu.memory_space<semaphore_mem>>, %arg20: memref<!tpu.dma_semaphore, #tpu.memory_space<semaphore_mem>>, %arg21: memref<!tpu.dma_semaphore, #tpu.memory_space<semaphore_mem>>) attributes {dimension_semantics = [#tpu.dimension_semantics<core_parallel>, #tpu.dimension_semantics<subcore_parallel>], iteration_bounds = array<i64: 2, 16>, scalar_prefetch = 0 : i64, scratch_operands = 13 : i64, tpu.core_type = #tpu.core_type<sc_vector_subcore>, window_params = [{transform_indices = #map}, {transform_indices = #map}, {transform_indices = #map}, {transform_indices = #map}, {transform_indices = #map1}, {transform_indices = #map2}, {transform_indices = #map2}]} {
    %mul3A = arith.constant 16 : i32
    %mul3A_0 = arith.muli %arg0, %mul3A : i32
    %add3A = arith.addi %mul3A_0, %arg1 : i32
    "tpu.region"() ({
      %run_scoped3A = tpu.sem_alloc : memref<!tpu.dma_semaphore, #tpu.memory_space<semaphore_mem>>
      %dma_start3A = arith.constant 0 : i32
      %dma_start3A_151 = tpu.memref_slice %arg7[%arg0, %dma_start3A] : memref<2x128xf32, #tpu.memory_space<hbm>> -> memref<1x128xf32, #tpu.memory_space<hbm>>
      %dma_start3A_152 = tpu.memref_squeeze %dma_start3A_151 : memref<1x128xf32, #tpu.memory_space<hbm>> -> memref<128xf32, #tpu.memory_space<hbm>>
      %dma_start3A_153 = arith.constant 0 : i32
      %dma_start3A_154 = tpu.memref_slice %arg7[%arg0, %dma_start3A_153] : memref<2x128xf32, #tpu.memory_space<hbm>> -> memref<1x128xf32, #tpu.memory_space<hbm>>
      %dma_start3A_155 = tpu.memref_squeeze %dma_start3A_154 : memref<1x128xf32, #tpu.memory_space<hbm>> -> memref<128xf32, #tpu.memory_space<hbm>>
      tpu.enqueue_dma source(%dma_start3A_155 : memref<128xf32, #tpu.memory_space<hbm>>) target(%arg16 : memref<128xf32, #tpu.memory_space<vmem>>) target_semaphore(%run_scoped3A : memref<!tpu.dma_semaphore, #tpu.memory_space<semaphore_mem>>)
      %dma_wait3A = arith.constant 0 : i32
      %dma_wait3A_156 = tpu.memref_slice %arg7[%arg0, %dma_wait3A] : memref<2x128xf32, #tpu.memory_space<hbm>> -> memref<1x128xf32, #tpu.memory_space<hbm>>
      %dma_wait3A_157 = tpu.memref_squeeze %dma_wait3A_156 : memref<1x128xf32, #tpu.memory_space<hbm>> -> memref<128xf32, #tpu.memory_space<hbm>>
      %dma_wait3A_158 = arith.constant 0 : i32
      %dma_wait3A_159 = tpu.memref_slice %arg7[%arg0, %dma_wait3A_158] : memref<2x128xf32, #tpu.memory_space<hbm>> -> memref<1x128xf32, #tpu.memory_space<hbm>>
      %dma_wait3A_160 = tpu.memref_squeeze %dma_wait3A_159 : memref<1x128xf32, #tpu.memory_space<hbm>> -> memref<128xf32, #tpu.memory_space<hbm>>
      tpu.wait_dma2 semaphore(%run_scoped3A : memref<!tpu.dma_semaphore, #tpu.memory_space<semaphore_mem>>) src(%dma_wait3A_160 : memref<128xf32, #tpu.memory_space<hbm>>) dst(%arg16 : memref<128xf32, #tpu.memory_space<vmem>>)
      tpu.yield
    }) : () -> ()
    %broadcast_in_dim3A = arith.constant 0.000000e+00 : f32
    %broadcast_in_dim3A_1 = vector.broadcast %broadcast_in_dim3A : f32 to vector<16xf32>
    %scan3A = arith.constant 0 : i32
    %scan3A_2 = arith.constant 0 : i32
    %scan3A_3 = arith.constant 25 : i32
    %scan3A_4 = arith.addi %scan3A_2, %scan3A_3 : i32
    %scan3A_5 = arith.constant 1 : i32
    scf.for %scan3A_151 = %scan3A_2 to %scan3A_4 step %scan3A_5  : i32 {
      %swap3A_152 = arith.index_cast %scan3A_151 : i32 to index
      %swap3A_153 = arith.constant 0 : index
      %swap3A_154 = tpu.vector_load %arg15[%swap3A_152, %swap3A_153] {strides = array<i32>} : memref<25x128xf32, #tpu.memory_space<vmem>>, vector<1x16xf32>,
      %swap3A_155 = vector.shape_cast %swap3A_154 : vector<1x16xf32> to vector<16xf32>
      %swap3A_156 = vector.shape_cast %broadcast_in_dim3A_1 : vector<16xf32> to vector<1x16xf32>
      tpu.vector_store %arg15[%swap3A_152, %swap3A_153], %swap3A_156 {strides = array<i32>} : memref<25x128xf32, #tpu.memory_space<vmem>>, vector<1x16xf32>,
      %swap3A_157 = arith.index_cast %scan3A_151 : i32 to index
      %swap3A_158 = arith.constant 16 : index
      %swap3A_159 = tpu.vector_load %arg15[%swap3A_157, %swap3A_158] {strides = array<i32>} : memref<25x128xf32, #tpu.memory_space<vmem>>, vector<1x16xf32>,
      %swap3A_160 = vector.shape_cast %swap3A_159 : vector<1x16xf32> to vector<16xf32>
      %swap3A_161 = vector.shape_cast %broadcast_in_dim3A_1 : vector<16xf32> to vector<1x16xf32>
      tpu.vector_store %arg15[%swap3A_157, %swap3A_158], %swap3A_161 {strides = array<i32>} : memref<25x128xf32, #tpu.memory_space<vmem>>, vector<1x16xf32>,
      %swap3A_162 = arith.index_cast %scan3A_151 : i32 to index
      %swap3A_163 = arith.constant 32 : index
      %swap3A_164 = tpu.vector_load %arg15[%swap3A_162, %swap3A_163] {strides = array<i32>} : memref<25x128xf32, #tpu.memory_space<vmem>>, vector<1x16xf32>,
      %swap3A_165 = vector.shape_cast %swap3A_164 : vector<1x16xf32> to vector<16xf32>
      %swap3A_166 = vector.shape_cast %broadcast_in_dim3A_1 : vector<16xf32> to vector<1x16xf32>
      tpu.vector_store %arg15[%swap3A_162, %swap3A_163], %swap3A_166 {strides = array<i32>} : memref<25x128xf32, #tpu.memory_space<vmem>>, vector<1x16xf32>,
      %swap3A_167 = arith.index_cast %scan3A_151 : i32 to index
      %swap3A_168 = arith.constant 48 : index
      %swap3A_169 = tpu.vector_load %arg15[%swap3A_167, %swap3A_168] {strides = array<i32>} : memref<25x128xf32, #tpu.memory_space<vmem>>, vector<1x16xf32>,
      %swap3A_170 = vector.shape_cast %swap3A_169 : vector<1x16xf32> to vector<16xf32>
      %swap3A_171 = vector.shape_cast %broadcast_in_dim3A_1 : vector<16xf32> to vector<1x16xf32>
      tpu.vector_store %arg15[%swap3A_167, %swap3A_168], %swap3A_171 {strides = array<i32>} : memref<25x128xf32, #tpu.memory_space<vmem>>, vector<1x16xf32>,
      %swap3A_172 = arith.index_cast %scan3A_151 : i32 to index
      %swap3A_173 = arith.constant 64 : index
      %swap3A_174 = tpu.vector_load %arg15[%swap3A_172, %swap3A_173] {strides = array<i32>} : memref<25x128xf32, #tpu.memory_space<vmem>>, vector<1x16xf32>,
      %swap3A_175 = vector.shape_cast %swap3A_174 : vector<1x16xf32> to vector<16xf32>
      %swap3A_176 = vector.shape_cast %broadcast_in_dim3A_1 : vector<16xf32> to vector<1x16xf32>
      tpu.vector_store %arg15[%swap3A_172, %swap3A_173], %swap3A_176 {strides = array<i32>} : memref<25x128xf32, #tpu.memory_space<vmem>>, vector<1x16xf32>,
      %swap3A_177 = arith.index_cast %scan3A_151 : i32 to index
      %swap3A_178 = arith.constant 80 : index
      %swap3A_179 = tpu.vector_load %arg15[%swap3A_177, %swap3A_178] {strides = array<i32>} : memref<25x128xf32, #tpu.memory_space<vmem>>, vector<1x16xf32>,
      %swap3A_180 = vector.shape_cast %swap3A_179 : vector<1x16xf32> to vector<16xf32>
      %swap3A_181 = vector.shape_cast %broadcast_in_dim3A_1 : vector<16xf32> to vector<1x16xf32>
      tpu.vector_store %arg15[%swap3A_177, %swap3A_178], %swap3A_181 {strides = array<i32>} : memref<25x128xf32, #tpu.memory_space<vmem>>, vector<1x16xf32>,
      %swap3A_182 = arith.index_cast %scan3A_151 : i32 to index
      %swap3A_183 = arith.constant 96 : index
      %swap3A_184 = tpu.vector_load %arg15[%swap3A_182, %swap3A_183] {strides = array<i32>} : memref<25x128xf32, #tpu.memory_space<vmem>>, vector<1x16xf32>,
      %swap3A_185 = vector.shape_cast %swap3A_184 : vector<1x16xf32> to vector<16xf32>
      %swap3A_186 = vector.shape_cast %broadcast_in_dim3A_1 : vector<16xf32> to vector<1x16xf32>
      tpu.vector_store %arg15[%swap3A_182, %swap3A_183], %swap3A_186 {strides = array<i32>} : memref<25x128xf32, #tpu.memory_space<vmem>>, vector<1x16xf32>,
      %swap3A_187 = arith.index_cast %scan3A_151 : i32 to index
      %swap3A_188 = arith.constant 112 : index
      %swap3A_189 = tpu.vector_load %arg15[%swap3A_187, %swap3A_188] {strides = array<i32>} : memref<25x128xf32, #tpu.memory_space<vmem>>, vector<1x16xf32>,
      %swap3A_190 = vector.shape_cast %swap3A_189 : vector<1x16xf32> to vector<16xf32>
      %swap3A_191 = vector.shape_cast %broadcast_in_dim3A_1 : vector<16xf32> to vector<1x16xf32>
      tpu.vector_store %arg15[%swap3A_187, %swap3A_188], %swap3A_191 {strides = array<i32>} : memref<25x128xf32, #tpu.memory_space<vmem>>, vector<1x16xf32>,
    }
    %scan3A_6 = arith.constant 25 : i32
    %mul3A_7 = arith.constant 625 : i32
    %mul3A_8 = arith.muli %arg1, %mul3A_7 : i32
    %add3A_9 = arith.constant 0 : i32
    %add3A_10 = arith.addi %mul3A_8, %add3A_9 : i32
    "tpu.region"() ({
      %run_scoped3A = tpu.sem_alloc : memref<!tpu.dma_semaphore, #tpu.memory_space<semaphore_mem>>
      %dma_start3A = arith.constant 0 : i32
      %dma_start3A_151 = tpu.memref_slice %arg18[%add3A_10, %dma_start3A] : memref<10000x128xf32, #tpu.memory_space<vmem_shared>> -> memref<25x128xf32, #tpu.memory_space<vmem_shared>>
      %dma_start3A_152 = arith.constant 0 : i32
      %dma_start3A_153 = tpu.memref_slice %arg18[%add3A_10, %dma_start3A_152] : memref<10000x128xf32, #tpu.memory_space<vmem_shared>> -> memref<25x128xf32, #tpu.memory_space<vmem_shared>>
      tpu.enqueue_dma source(%arg15 : memref<25x128xf32, #tpu.memory_space<vmem>>) target(%dma_start3A_153 : memref<25x128xf32, #tpu.memory_space<vmem_shared>>) target_semaphore(%run_scoped3A : memref<!tpu.dma_semaphore, #tpu.memory_space<semaphore_mem>>)
      %dma_wait3A = arith.constant 0 : i32
      %dma_wait3A_154 = tpu.memref_slice %arg18[%add3A_10, %dma_wait3A] : memref<10000x128xf32, #tpu.memory_space<vmem_shared>> -> memref<25x128xf32, #tpu.memory_space<vmem_shared>>
      %dma_wait3A_155 = arith.constant 0 : i32
      %dma_wait3A_156 = tpu.memref_slice %arg18[%add3A_10, %dma_wait3A_155] : memref<10000x128xf32, #tpu.memory_space<vmem_shared>> -> memref<25x128xf32, #tpu.memory_space<vmem_shared>>
      tpu.wait_dma2 semaphore(%run_scoped3A : memref<!tpu.dma_semaphore, #tpu.memory_space<semaphore_mem>>) src(%arg15 : memref<25x128xf32, #tpu.memory_space<vmem>>) dst(%dma_wait3A_156 : memref<25x128xf32, #tpu.memory_space<vmem_shared>>)
      tpu.yield
    }) : () -> ()
    %mul3A_11 = arith.constant 625 : i32
    %mul3A_12 = arith.muli %arg1, %mul3A_11 : i32
    %add3A_13 = arith.constant 25 : i32
    %add3A_14 = arith.addi %mul3A_12, %add3A_13 : i32
    "tpu.region"() ({
      %run_scoped3A = tpu.sem_alloc : memref<!tpu.dma_semaphore, #tpu.memory_space<semaphore_mem>>
      %dma_start3A = arith.constant 0 : i32
      %dma_start3A_151 = tpu.memref_slice %arg18[%add3A_14, %dma_start3A] : memref<10000x128xf32, #tpu.memory_space<vmem_shared>> -> memref<25x128xf32, #tpu.memory_space<vmem_shared>>
      %dma_start3A_152 = arith.constant 0 : i32
      %dma_start3A_153 = tpu.memref_slice %arg18[%add3A_14, %dma_start3A_152] : memref<10000x128xf32, #tpu.memory_space<vmem_shared>> -> memref<25x128xf32, #tpu.memory_space<vmem_shared>>
      tpu.enqueue_dma source(%arg15 : memref<25x128xf32, #tpu.memory_space<vmem>>) target(%dma_start3A_153 : memref<25x128xf32, #tpu.memory_space<vmem_shared>>) target_semaphore(%run_scoped3A : memref<!tpu.dma_semaphore, #tpu.memory_space<semaphore_mem>>)
      %dma_wait3A = arith.constant 0 : i32
      %dma_wait3A_154 = tpu.memref_slice %arg18[%add3A_14, %dma_wait3A] : memref<10000x128xf32, #tpu.memory_space<vmem_shared>> -> memref<25x128xf32, #tpu.memory_space<vmem_shared>>
      %dma_wait3A_155 = arith.constant 0 : i32
      %dma_wait3A_156 = tpu.memref_slice %arg18[%add3A_14, %dma_wait3A_155] : memref<10000x128xf32, #tpu.memory_space<vmem_shared>> -> memref<25x128xf32, #tpu.memory_space<vmem_shared>>
      tpu.wait_dma2 semaphore(%run_scoped3A : memref<!tpu.dma_semaphore, #tpu.memory_space<semaphore_mem>>) src(%arg15 : memref<25x128xf32, #tpu.memory_space<vmem>>) dst(%dma_wait3A_156 : memref<25x128xf32, #tpu.memory_space<vmem_shared>>)
      tpu.yield
    }) : () -> ()
    %mul3A_15 = arith.constant 625 : i32
    %mul3A_16 = arith.muli %arg1, %mul3A_15 : i32
    %add3A_17 = arith.constant 50 : i32
    %add3A_18 = arith.addi %mul3A_16, %add3A_17 : i32
    "tpu.region"() ({
      %run_scoped3A = tpu.sem_alloc : memref<!tpu.dma_semaphore, #tpu.memory_space<semaphore_mem>>
      %dma_start3A = arith.constant 0 : i32
      %dma_start3A_151 = tpu.memref_slice %arg18[%add3A_18, %dma_start3A] : memref<10000x128xf32, #tpu.memory_space<vmem_shared>> -> memref<25x128xf32, #tpu.memory_space<vmem_shared>>
      %dma_start3A_152 = arith.constant 0 : i32
      %dma_start3A_153 = tpu.memref_slice %arg18[%add3A_18, %dma_start3A_152] : memref<10000x128xf32, #tpu.memory_space<vmem_shared>> -> memref<25x128xf32, #tpu.memory_space<vmem_shared>>
      tpu.enqueue_dma source(%arg15 : memref<25x128xf32, #tpu.memory_space<vmem>>) target(%dma_start3A_153 : memref<25x128xf32, #tpu.memory_space<vmem_shared>>) target_semaphore(%run_scoped3A : memref<!tpu.dma_semaphore, #tpu.memory_space<semaphore_mem>>)
      %dma_wait3A = arith.constant 0 : i32
      %dma_wait3A_154 = tpu.memref_slice %arg18[%add3A_18, %dma_wait3A] : memref<10000x128xf32, #tpu.memory_space<vmem_shared>> -> memref<25x128xf32, #tpu.memory_space<vmem_shared>>
      %dma_wait3A_155 = arith.constant 0 : i32
      %dma_wait3A_156 = tpu.memref_slice %arg18[%add3A_18, %dma_wait3A_155] : memref<10000x128xf32, #tpu.memory_space<vmem_shared>> -> memref<25x128xf32, #tpu.memory_space<vmem_shared>>
      tpu.wait_dma2 semaphore(%run_scoped3A : memref<!tpu.dma_semaphore, #tpu.memory_space<semaphore_mem>>) src(%arg15 : memref<25x128xf32, #tpu.memory_space<vmem>>) dst(%dma_wait3A_156 : memref<25x128xf32, #tpu.memory_space<vmem_shared>>)
      tpu.yield
    }) : () -> ()
    %mul3A_19 = arith.constant 625 : i32
    %mul3A_20 = arith.muli %arg1, %mul3A_19 : i32
    %add3A_21 = arith.constant 75 : i32
    %add3A_22 = arith.addi %mul3A_20, %add3A_21 : i32
    "tpu.region"() ({
      %run_scoped3A = tpu.sem_alloc : memref<!tpu.dma_semaphore, #tpu.memory_space<semaphore_mem>>
      %dma_start3A = arith.constant 0 : i32
      %dma_start3A_151 = tpu.memref_slice %arg18[%add3A_22, %dma_start3A] : memref<10000x128xf32, #tpu.memory_space<vmem_shared>> -> memref<25x128xf32, #tpu.memory_space<vmem_shared>>
      %dma_start3A_152 = arith.constant 0 : i32
      %dma_start3A_153 = tpu.memref_slice %arg18[%add3A_22, %dma_start3A_152] : memref<10000x128xf32, #tpu.memory_space<vmem_shared>> -> memref<25x128xf32, #tpu.memory_space<vmem_shared>>
      tpu.enqueue_dma source(%arg15 : memref<25x128xf32, #tpu.memory_space<vmem>>) target(%dma_start3A_153 : memref<25x128xf32, #tpu.memory_space<vmem_shared>>) target_semaphore(%run_scoped3A : memref<!tpu.dma_semaphore, #tpu.memory_space<semaphore_mem>>)
      %dma_wait3A = arith.constant 0 : i32
      %dma_wait3A_154 = tpu.memref_slice %arg18[%add3A_22, %dma_wait3A] : memref<10000x128xf32, #tpu.memory_space<vmem_shared>> -> memref<25x128xf32, #tpu.memory_space<vmem_shared>>
      %dma_wait3A_155 = arith.constant 0 : i32
      %dma_wait3A_156 = tpu.memref_slice %arg18[%add3A_22, %dma_wait3A_155] : memref<10000x128xf32, #tpu.memory_space<vmem_shared>> -> memref<25x128xf32, #tpu.memory_space<vmem_shared>>
      tpu.wait_dma2 semaphore(%run_scoped3A : memref<!tpu.dma_semaphore, #tpu.memory_space<semaphore_mem>>) src(%arg15 : memref<25x128xf32, #tpu.memory_space<vmem>>) dst(%dma_wait3A_156 : memref<25x128xf32, #tpu.memory_space<vmem_shared>>)
      tpu.yield
    }) : () -> ()
    %mul3A_23 = arith.constant 625 : i32
    %mul3A_24 = arith.muli %arg1, %mul3A_23 : i32
    %add3A_25 = arith.constant 100 : i32
    %add3A_26 = arith.addi %mul3A_24, %add3A_25 : i32
    "tpu.region"() ({
      %run_scoped3A = tpu.sem_alloc : memref<!tpu.dma_semaphore, #tpu.memory_space<semaphore_mem>>
      %dma_start3A = arith.constant 0 : i32
      %dma_start3A_151 = tpu.memref_slice %arg18[%add3A_26, %dma_start3A] : memref<10000x128xf32, #tpu.memory_space<vmem_shared>> -> memref<25x128xf32, #tpu.memory_space<vmem_shared>>
      %dma_start3A_152 = arith.constant 0 : i32
      %dma_start3A_153 = tpu.memref_slice %arg18[%add3A_26, %dma_start3A_152] : memref<10000x128xf32, #tpu.memory_space<vmem_shared>> -> memref<25x128xf32, #tpu.memory_space<vmem_shared>>
      tpu.enqueue_dma source(%arg15 : memref<25x128xf32, #tpu.memory_space<vmem>>) target(%dma_start3A_153 : memref<25x128xf32, #tpu.memory_space<vmem_shared>>) target_semaphore(%run_scoped3A : memref<!tpu.dma_semaphore, #tpu.memory_space<semaphore_mem>>)
      %dma_wait3A = arith.constant 0 : i32
      %dma_wait3A_154 = tpu.memref_slice %arg18[%add3A_26, %dma_wait3A] : memref<10000x128xf32, #tpu.memory_space<vmem_shared>> -> memref<25x128xf32, #tpu.memory_space<vmem_shared>>
      %dma_wait3A_155 = arith.constant 0 : i32
      %dma_wait3A_156 = tpu.memref_slice %arg18[%add3A_26, %dma_wait3A_155] : memref<10000x128xf32, #tpu.memory_space<vmem_shared>> -> memref<25x128xf32, #tpu.memory_space<vmem_shared>>
      tpu.wait_dma2 semaphore(%run_scoped3A : memref<!tpu.dma_semaphore, #tpu.memory_space<semaphore_mem>>) src(%arg15 : memref<25x128xf32, #tpu.memory_space<vmem>>) dst(%dma_wait3A_156 : memref<25x128xf32, #tpu.memory_space<vmem_shared>>)
      tpu.yield
    }) : () -> ()
    %mul3A_27 = arith.constant 625 : i32
    %mul3A_28 = arith.muli %arg1, %mul3A_27 : i32
    %add3A_29 = arith.constant 125 : i32
    %add3A_30 = arith.addi %mul3A_28, %add3A_29 : i32
    "tpu.region"() ({
      %run_scoped3A = tpu.sem_alloc : memref<!tpu.dma_semaphore, #tpu.memory_space<semaphore_mem>>
      %dma_start3A = arith.constant 0 : i32
      %dma_start3A_151 = tpu.memref_slice %arg18[%add3A_30, %dma_start3A] : memref<10000x128xf32, #tpu.memory_space<vmem_shared>> -> memref<25x128xf32, #tpu.memory_space<vmem_shared>>
      %dma_start3A_152 = arith.constant 0 : i32
      %dma_start3A_153 = tpu.memref_slice %arg18[%add3A_30, %dma_start3A_152] : memref<10000x128xf32, #tpu.memory_space<vmem_shared>> -> memref<25x128xf32, #tpu.memory_space<vmem_shared>>
      tpu.enqueue_dma source(%arg15 : memref<25x128xf32, #tpu.memory_space<vmem>>) target(%dma_start3A_153 : memref<25x128xf32, #tpu.memory_space<vmem_shared>>) target_semaphore(%run_scoped3A : memref<!tpu.dma_semaphore, #tpu.memory_space<semaphore_mem>>)
      %dma_wait3A = arith.constant 0 : i32
      %dma_wait3A_154 = tpu.memref_slice %arg18[%add3A_30, %dma_wait3A] : memref<10000x128xf32, #tpu.memory_space<vmem_shared>> -> memref<25x128xf32, #tpu.memory_space<vmem_shared>>
      %dma_wait3A_155 = arith.constant 0 : i32
      %dma_wait3A_156 = tpu.memref_slice %arg18[%add3A_30, %dma_wait3A_155] : memref<10000x128xf32, #tpu.memory_space<vmem_shared>> -> memref<25x128xf32, #tpu.memory_space<vmem_shared>>
      tpu.wait_dma2 semaphore(%run_scoped3A : memref<!tpu.dma_semaphore, #tpu.memory_space<semaphore_mem>>) src(%arg15 : memref<25x128xf32, #tpu.memory_space<vmem>>) dst(%dma_wait3A_156 : memref<25x128xf32, #tpu.memory_space<vmem_shared>>)
      tpu.yield
    }) : () -> ()
    %mul3A_31 = arith.constant 625 : i32
    %mul3A_32 = arith.muli %arg1, %mul3A_31 : i32
    %add3A_33 = arith.constant 150 : i32
    %add3A_34 = arith.addi %mul3A_32, %add3A_33 : i32
    "tpu.region"() ({
      %run_scoped3A = tpu.sem_alloc : memref<!tpu.dma_semaphore, #tpu.memory_space<semaphore_mem>>
      %dma_start3A = arith.constant 0 : i32
      %dma_start3A_151 = tpu.memref_slice %arg18[%add3A_34, %dma_start3A] : memref<10000x128xf32, #tpu.memory_space<vmem_shared>> -> memref<25x128xf32, #tpu.memory_space<vmem_shared>>
      %dma_start3A_152 = arith.constant 0 : i32
      %dma_start3A_153 = tpu.memref_slice %arg18[%add3A_34, %dma_start3A_152] : memref<10000x128xf32, #tpu.memory_space<vmem_shared>> -> memref<25x128xf32, #tpu.memory_space<vmem_shared>>
      tpu.enqueue_dma source(%arg15 : memref<25x128xf32, #tpu.memory_space<vmem>>) target(%dma_start3A_153 : memref<25x128xf32, #tpu.memory_space<vmem_shared>>) target_semaphore(%run_scoped3A : memref<!tpu.dma_semaphore, #tpu.memory_space<semaphore_mem>>)
      %dma_wait3A = arith.constant 0 : i32
      %dma_wait3A_154 = tpu.memref_slice %arg18[%add3A_34, %dma_wait3A] : memref<10000x128xf32, #tpu.memory_space<vmem_shared>> -> memref<25x128xf32, #tpu.memory_space<vmem_shared>>
      %dma_wait3A_155 = arith.constant 0 : i32
      %dma_wait3A_156 = tpu.memref_slice %arg18[%add3A_34, %dma_wait3A_155] : memref<10000x128xf32, #tpu.memory_space<vmem_shared>> -> memref<25x128xf32, #tpu.memory_space<vmem_shared>>
      tpu.wait_dma2 semaphore(%run_scoped3A : memref<!tpu.dma_semaphore, #tpu.memory_space<semaphore_mem>>) src(%arg15 : memref<25x128xf32, #tpu.memory_space<vmem>>) dst(%dma_wait3A_156 : memref<25x128xf32, #tpu.memory_space<vmem_shared>>)
      tpu.yield
    }) : () -> ()
    %mul3A_35 = arith.constant 625 : i32
    %mul3A_36 = arith.muli %arg1, %mul3A_35 : i32
    %add3A_37 = arith.constant 175 : i32
    %add3A_38 = arith.addi %mul3A_36, %add3A_37 : i32
    "tpu.region"() ({
      %run_scoped3A = tpu.sem_alloc : memref<!tpu.dma_semaphore, #tpu.memory_space<semaphore_mem>>
      %dma_start3A = arith.constant 0 : i32
      %dma_start3A_151 = tpu.memref_slice %arg18[%add3A_38, %dma_start3A] : memref<10000x128xf32, #tpu.memory_space<vmem_shared>> -> memref<25x128xf32, #tpu.memory_space<vmem_shared>>
      %dma_start3A_152 = arith.constant 0 : i32
      %dma_start3A_153 = tpu.memref_slice %arg18[%add3A_38, %dma_start3A_152] : memref<10000x128xf32, #tpu.memory_space<vmem_shared>> -> memref<25x128xf32, #tpu.memory_space<vmem_shared>>
      tpu.enqueue_dma source(%arg15 : memref<25x128xf32, #tpu.memory_space<vmem>>) target(%dma_start3A_153 : memref<25x128xf32, #tpu.memory_space<vmem_shared>>) target_semaphore(%run_scoped3A : memref<!tpu.dma_semaphore, #tpu.memory_space<semaphore_mem>>)
      %dma_wait3A = arith.constant 0 : i32
      %dma_wait3A_154 = tpu.memref_slice %arg18[%add3A_38, %dma_wait3A] : memref<10000x128xf32, #tpu.memory_space<vmem_shared>> -> memref<25x128xf32, #tpu.memory_space<vmem_shared>>
      %dma_wait3A_155 = arith.constant 0 : i32
      %dma_wait3A_156 = tpu.memref_slice %arg18[%add3A_38, %dma_wait3A_155] : memref<10000x128xf32, #tpu.memory_space<vmem_shared>> -> memref<25x128xf32, #tpu.memory_space<vmem_shared>>
      tpu.wait_dma2 semaphore(%run_scoped3A : memref<!tpu.dma_semaphore, #tpu.memory_space<semaphore_mem>>) src(%arg15 : memref<25x128xf32, #tpu.memory_space<vmem>>) dst(%dma_wait3A_156 : memref<25x128xf32, #tpu.memory_space<vmem_shared>>)
      tpu.yield
    }) : () -> ()
    %mul3A_39 = arith.constant 625 : i32
    %mul3A_40 = arith.muli %arg1, %mul3A_39 : i32
    %add3A_41 = arith.constant 200 : i32
    %add3A_42 = arith.addi %mul3A_40, %add3A_41 : i32
    "tpu.region"() ({
      %run_scoped3A = tpu.sem_alloc : memref<!tpu.dma_semaphore, #tpu.memory_space<semaphore_mem>>
      %dma_start3A = arith.constant 0 : i32
      %dma_start3A_151 = tpu.memref_slice %arg18[%add3A_42, %dma_start3A] : memref<10000x128xf32, #tpu.memory_space<vmem_shared>> -> memref<25x128xf32, #tpu.memory_space<vmem_shared>>
      %dma_start3A_152 = arith.constant 0 : i32
      %dma_start3A_153 = tpu.memref_slice %arg18[%add3A_42, %dma_start3A_152] : memref<10000x128xf32, #tpu.memory_space<vmem_shared>> -> memref<25x128xf32, #tpu.memory_space<vmem_shared>>
      tpu.enqueue_dma source(%arg15 : memref<25x128xf32, #tpu.memory_space<vmem>>) target(%dma_start3A_153 : memref<25x128xf32, #tpu.memory_space<vmem_shared>>) target_semaphore(%run_scoped3A : memref<!tpu.dma_semaphore, #tpu.memory_space<semaphore_mem>>)
      %dma_wait3A = arith.constant 0 : i32
      %dma_wait3A_154 = tpu.memref_slice %arg18[%add3A_42, %dma_wait3A] : memref<10000x128xf32, #tpu.memory_space<vmem_shared>> -> memref<25x128xf32, #tpu.memory_space<vmem_shared>>
      %dma_wait3A_155 = arith.constant 0 : i32
      %dma_wait3A_156 = tpu.memref_slice %arg18[%add3A_42, %dma_wait3A_155] : memref<10000x128xf32, #tpu.memory_space<vmem_shared>> -> memref<25x128xf32, #tpu.memory_space<vmem_shared>>
      tpu.wait_dma2 semaphore(%run_scoped3A : memref<!tpu.dma_semaphore, #tpu.memory_space<semaphore_mem>>) src(%arg15 : memref<25x128xf32, #tpu.memory_space<vmem>>) dst(%dma_wait3A_156 : memref<25x128xf32, #tpu.memory_space<vmem_shared>>)
      tpu.yield
    }) : () -> ()
    %mul3A_43 = arith.constant 625 : i32
    %mul3A_44 = arith.muli %arg1, %mul3A_43 : i32
    %add3A_45 = arith.constant 225 : i32
    %add3A_46 = arith.addi %mul3A_44, %add3A_45 : i32
    "tpu.region"() ({
      %run_scoped3A = tpu.sem_alloc : memref<!tpu.dma_semaphore, #tpu.memory_space<semaphore_mem>>
      %dma_start3A = arith.constant 0 : i32
      %dma_start3A_151 = tpu.memref_slice %arg18[%add3A_46, %dma_start3A] : memref<10000x128xf32, #tpu.memory_space<vmem_shared>> -> memref<25x128xf32, #tpu.memory_space<vmem_shared>>
      %dma_start3A_152 = arith.constant 0 : i32
      %dma_start3A_153 = tpu.memref_slice %arg18[%add3A_46, %dma_start3A_152] : memref<10000x128xf32, #tpu.memory_space<vmem_shared>> -> memref<25x128xf32, #tpu.memory_space<vmem_shared>>
      tpu.enqueue_dma source(%arg15 : memref<25x128xf32, #tpu.memory_space<vmem>>) target(%dma_start3A_153 : memref<25x128xf32, #tpu.memory_space<vmem_shared>>) target_semaphore(%run_scoped3A : memref<!tpu.dma_semaphore, #tpu.memory_space<semaphore_mem>>)
      %dma_wait3A = arith.constant 0 : i32
      %dma_wait3A_154 = tpu.memref_slice %arg18[%add3A_46, %dma_wait3A] : memref<10000x128xf32, #tpu.memory_space<vmem_shared>> -> memref<25x128xf32, #tpu.memory_space<vmem_shared>>
      %dma_wait3A_155 = arith.constant 0 : i32
      %dma_wait3A_156 = tpu.memref_slice %arg18[%add3A_46, %dma_wait3A_155] : memref<10000x128xf32, #tpu.memory_space<vmem_shared>> -> memref<25x128xf32, #tpu.memory_space<vmem_shared>>
      tpu.wait_dma2 semaphore(%run_scoped3A : memref<!tpu.dma_semaphore, #tpu.memory_space<semaphore_mem>>) src(%arg15 : memref<25x128xf32, #tpu.memory_space<vmem>>) dst(%dma_wait3A_156 : memref<25x128xf32, #tpu.memory_space<vmem_shared>>)
      tpu.yield
    }) : () -> ()
    %mul3A_47 = arith.constant 625 : i32
    %mul3A_48 = arith.muli %arg1, %mul3A_47 : i32
    %add3A_49 = arith.constant 250 : i32
    %add3A_50 = arith.addi %mul3A_48, %add3A_49 : i32
    "tpu.region"() ({
      %run_scoped3A = tpu.sem_alloc : memref<!tpu.dma_semaphore, #tpu.memory_space<semaphore_mem>>
      %dma_start3A = arith.constant 0 : i32
      %dma_start3A_151 = tpu.memref_slice %arg18[%add3A_50, %dma_start3A] : memref<10000x128xf32, #tpu.memory_space<vmem_shared>> -> memref<25x128xf32, #tpu.memory_space<vmem_shared>>
      %dma_start3A_152 = arith.constant 0 : i32
      %dma_start3A_153 = tpu.memref_slice %arg18[%add3A_50, %dma_start3A_152] : memref<10000x128xf32, #tpu.memory_space<vmem_shared>> -> memref<25x128xf32, #tpu.memory_space<vmem_shared>>
      tpu.enqueue_dma source(%arg15 : memref<25x128xf32, #tpu.memory_space<vmem>>) target(%dma_start3A_153 : memref<25x128xf32, #tpu.memory_space<vmem_shared>>) target_semaphore(%run_scoped3A : memref<!tpu.dma_semaphore, #tpu.memory_space<semaphore_mem>>)
      %dma_wait3A = arith.constant 0 : i32
      %dma_wait3A_154 = tpu.memref_slice %arg18[%add3A_50, %dma_wait3A] : memref<10000x128xf32, #tpu.memory_space<vmem_shared>> -> memref<25x128xf32, #tpu.memory_space<vmem_shared>>
      %dma_wait3A_155 = arith.constant 0 : i32
      %dma_wait3A_156 = tpu.memref_slice %arg18[%add3A_50, %dma_wait3A_155] : memref<10000x128xf32, #tpu.memory_space<vmem_shared>> -> memref<25x128xf32, #tpu.memory_space<vmem_shared>>
      tpu.wait_dma2 semaphore(%run_scoped3A : memref<!tpu.dma_semaphore, #tpu.memory_space<semaphore_mem>>) src(%arg15 : memref<25x128xf32, #tpu.memory_space<vmem>>) dst(%dma_wait3A_156 : memref<25x128xf32, #tpu.memory_space<vmem_shared>>)
      tpu.yield
    }) : () -> ()
    %mul3A_51 = arith.constant 625 : i32
    %mul3A_52 = arith.muli %arg1, %mul3A_51 : i32
    %add3A_53 = arith.constant 275 : i32
    %add3A_54 = arith.addi %mul3A_52, %add3A_53 : i32
    "tpu.region"() ({
      %run_scoped3A = tpu.sem_alloc : memref<!tpu.dma_semaphore, #tpu.memory_space<semaphore_mem>>
      %dma_start3A = arith.constant 0 : i32
      %dma_start3A_151 = tpu.memref_slice %arg18[%add3A_54, %dma_start3A] : memref<10000x128xf32, #tpu.memory_space<vmem_shared>> -> memref<25x128xf32, #tpu.memory_space<vmem_shared>>
      %dma_start3A_152 = arith.constant 0 : i32
      %dma_start3A_153 = tpu.memref_slice %arg18[%add3A_54, %dma_start3A_152] : memref<10000x128xf32, #tpu.memory_space<vmem_shared>> -> memref<25x128xf32, #tpu.memory_space<vmem_shared>>
      tpu.enqueue_dma source(%arg15 : memref<25x128xf32, #tpu.memory_space<vmem>>) target(%dma_start3A_153 : memref<25x128xf32, #tpu.memory_space<vmem_shared>>) target_semaphore(%run_scoped3A : memref<!tpu.dma_semaphore, #tpu.memory_space<semaphore_mem>>)
      %dma_wait3A = arith.constant 0 : i32
      %dma_wait3A_154 = tpu.memref_slice %arg18[%add3A_54, %dma_wait3A] : memref<10000x128xf32, #tpu.memory_space<vmem_shared>> -> memref<25x128xf32, #tpu.memory_space<vmem_shared>>
      %dma_wait3A_155 = arith.constant 0 : i32
      %dma_wait3A_156 = tpu.memref_slice %arg18[%add3A_54, %dma_wait3A_155] : memref<10000x128xf32, #tpu.memory_space<vmem_shared>> -> memref<25x128xf32, #tpu.memory_space<vmem_shared>>
      tpu.wait_dma2 semaphore(%run_scoped3A : memref<!tpu.dma_semaphore, #tpu.memory_space<semaphore_mem>>) src(%arg15 : memref<25x128xf32, #tpu.memory_space<vmem>>) dst(%dma_wait3A_156 : memref<25x128xf32, #tpu.memory_space<vmem_shared>>)
      tpu.yield
    }) : () -> ()
    %mul3A_55 = arith.constant 625 : i32
    %mul3A_56 = arith.muli %arg1, %mul3A_55 : i32
    %add3A_57 = arith.constant 300 : i32
    %add3A_58 = arith.addi %mul3A_56, %add3A_57 : i32
    "tpu.region"() ({
      %run_scoped3A = tpu.sem_alloc : memref<!tpu.dma_semaphore, #tpu.memory_space<semaphore_mem>>
      %dma_start3A = arith.constant 0 : i32
      %dma_start3A_151 = tpu.memref_slice %arg18[%add3A_58, %dma_start3A] : memref<10000x128xf32, #tpu.memory_space<vmem_shared>> -> memref<25x128xf32, #tpu.memory_space<vmem_shared>>
      %dma_start3A_152 = arith.constant 0 : i32
      %dma_start3A_153 = tpu.memref_slice %arg18[%add3A_58, %dma_start3A_152] : memref<10000x128xf32, #tpu.memory_space<vmem_shared>> -> memref<25x128xf32, #tpu.memory_space<vmem_shared>>
      tpu.enqueue_dma source(%arg15 : memref<25x128xf32, #tpu.memory_space<vmem>>) target(%dma_start3A_153 : memref<25x128xf32, #tpu.memory_space<vmem_shared>>) target_semaphore(%run_scoped3A : memref<!tpu.dma_semaphore, #tpu.memory_space<semaphore_mem>>)
      %dma_wait3A = arith.constant 0 : i32
      %dma_wait3A_154 = tpu.memref_slice %arg18[%add3A_58, %dma_wait3A] : memref<10000x128xf32, #tpu.memory_space<vmem_shared>> -> memref<25x128xf32, #tpu.memory_space<vmem_shared>>
      %dma_wait3A_155 = arith.constant 0 : i32
      %dma_wait3A_156 = tpu.memref_slice %arg18[%add3A_58, %dma_wait3A_155] : memref<10000x128xf32, #tpu.memory_space<vmem_shared>> -> memref<25x128xf32, #tpu.memory_space<vmem_shared>>
      tpu.wait_dma2 semaphore(%run_scoped3A : memref<!tpu.dma_semaphore, #tpu.memory_space<semaphore_mem>>) src(%arg15 : memref<25x128xf32, #tpu.memory_space<vmem>>) dst(%dma_wait3A_156 : memref<25x128xf32, #tpu.memory_space<vmem_shared>>)
      tpu.yield
    }) : () -> ()
    %mul3A_59 = arith.constant 625 : i32
    %mul3A_60 = arith.muli %arg1, %mul3A_59 : i32
    %add3A_61 = arith.constant 325 : i32
    %add3A_62 = arith.addi %mul3A_60, %add3A_61 : i32
    "tpu.region"() ({
      %run_scoped3A = tpu.sem_alloc : memref<!tpu.dma_semaphore, #tpu.memory_space<semaphore_mem>>
      %dma_start3A = arith.constant 0 : i32
      %dma_start3A_151 = tpu.memref_slice %arg18[%add3A_62, %dma_start3A] : memref<10000x128xf32, #tpu.memory_space<vmem_shared>> -> memref<25x128xf32, #tpu.memory_space<vmem_shared>>
      %dma_start3A_152 = arith.constant 0 : i32
      %dma_start3A_153 = tpu.memref_slice %arg18[%add3A_62, %dma_start3A_152] : memref<10000x128xf32, #tpu.memory_space<vmem_shared>> -> memref<25x128xf32, #tpu.memory_space<vmem_shared>>
      tpu.enqueue_dma source(%arg15 : memref<25x128xf32, #tpu.memory_space<vmem>>) target(%dma_start3A_153 : memref<25x128xf32, #tpu.memory_space<vmem_shared>>) target_semaphore(%run_scoped3A : memref<!tpu.dma_semaphore, #tpu.memory_space<semaphore_mem>>)
      %dma_wait3A = arith.constant 0 : i32
      %dma_wait3A_154 = tpu.memref_slice %arg18[%add3A_62, %dma_wait3A] : memref<10000x128xf32, #tpu.memory_space<vmem_shared>> -> memref<25x128xf32, #tpu.memory_space<vmem_shared>>
      %dma_wait3A_155 = arith.constant 0 : i32
      %dma_wait3A_156 = tpu.memref_slice %arg18[%add3A_62, %dma_wait3A_155] : memref<10000x128xf32, #tpu.memory_space<vmem_shared>> -> memref<25x128xf32, #tpu.memory_space<vmem_shared>>
      tpu.wait_dma2 semaphore(%run_scoped3A : memref<!tpu.dma_semaphore, #tpu.memory_space<semaphore_mem>>) src(%arg15 : memref<25x128xf32, #tpu.memory_space<vmem>>) dst(%dma_wait3A_156 : memref<25x128xf32, #tpu.memory_space<vmem_shared>>)
      tpu.yield
    }) : () -> ()
    %mul3A_63 = arith.constant 625 : i32
    %mul3A_64 = arith.muli %arg1, %mul3A_63 : i32
    %add3A_65 = arith.constant 350 : i32
    %add3A_66 = arith.addi %mul3A_64, %add3A_65 : i32
    "tpu.region"() ({
      %run_scoped3A = tpu.sem_alloc : memref<!tpu.dma_semaphore, #tpu.memory_space<semaphore_mem>>
      %dma_start3A = arith.constant 0 : i32
      %dma_start3A_151 = tpu.memref_slice %arg18[%add3A_66, %dma_start3A] : memref<10000x128xf32, #tpu.memory_space<vmem_shared>> -> memref<25x128xf32, #tpu.memory_space<vmem_shared>>
      %dma_start3A_152 = arith.constant 0 : i32
      %dma_start3A_153 = tpu.memref_slice %arg18[%add3A_66, %dma_start3A_152] : memref<10000x128xf32, #tpu.memory_space<vmem_shared>> -> memref<25x128xf32, #tpu.memory_space<vmem_shared>>
      tpu.enqueue_dma source(%arg15 : memref<25x128xf32, #tpu.memory_space<vmem>>) target(%dma_start3A_153 : memref<25x128xf32, #tpu.memory_space<vmem_shared>>) target_semaphore(%run_scoped3A : memref<!tpu.dma_semaphore, #tpu.memory_space<semaphore_mem>>)
      %dma_wait3A = arith.constant 0 : i32
      %dma_wait3A_154 = tpu.memref_slice %arg18[%add3A_66, %dma_wait3A] : memref<10000x128xf32, #tpu.memory_space<vmem_shared>> -> memref<25x128xf32, #tpu.memory_space<vmem_shared>>
      %dma_wait3A_155 = arith.constant 0 : i32
      %dma_wait3A_156 = tpu.memref_slice %arg18[%add3A_66, %dma_wait3A_155] : memref<10000x128xf32, #tpu.memory_space<vmem_shared>> -> memref<25x128xf32, #tpu.memory_space<vmem_shared>>
      tpu.wait_dma2 semaphore(%run_scoped3A : memref<!tpu.dma_semaphore, #tpu.memory_space<semaphore_mem>>) src(%arg15 : memref<25x128xf32, #tpu.memory_space<vmem>>) dst(%dma_wait3A_156 : memref<25x128xf32, #tpu.memory_space<vmem_shared>>)
      tpu.yield
    }) : () -> ()
    %mul3A_67 = arith.constant 625 : i32
    %mul3A_68 = arith.muli %arg1, %mul3A_67 : i32
    %add3A_69 = arith.constant 375 : i32
    %add3A_70 = arith.addi %mul3A_68, %add3A_69 : i32
    "tpu.region"() ({
      %run_scoped3A = tpu.sem_alloc : memref<!tpu.dma_semaphore, #tpu.memory_space<semaphore_mem>>
      %dma_start3A = arith.constant 0 : i32
      %dma_start3A_151 = tpu.memref_slice %arg18[%add3A_70, %dma_start3A] : memref<10000x128xf32, #tpu.memory_space<vmem_shared>> -> memref<25x128xf32, #tpu.memory_space<vmem_shared>>
      %dma_start3A_152 = arith.constant 0 : i32
      %dma_start3A_153 = tpu.memref_slice %arg18[%add3A_70, %dma_start3A_152] : memref<10000x128xf32, #tpu.memory_space<vmem_shared>> -> memref<25x128xf32, #tpu.memory_space<vmem_shared>>
      tpu.enqueue_dma source(%arg15 : memref<25x128xf32, #tpu.memory_space<vmem>>) target(%dma_start3A_153 : memref<25x128xf32, #tpu.memory_space<vmem_shared>>) target_semaphore(%run_scoped3A : memref<!tpu.dma_semaphore, #tpu.memory_space<semaphore_mem>>)
      %dma_wait3A = arith.constant 0 : i32
      %dma_wait3A_154 = tpu.memref_slice %arg18[%add3A_70, %dma_wait3A] : memref<10000x128xf32, #tpu.memory_space<vmem_shared>> -> memref<25x128xf32, #tpu.memory_space<vmem_shared>>
      %dma_wait3A_155 = arith.constant 0 : i32
      %dma_wait3A_156 = tpu.memref_slice %arg18[%add3A_70, %dma_wait3A_155] : memref<10000x128xf32, #tpu.memory_space<vmem_shared>> -> memref<25x128xf32, #tpu.memory_space<vmem_shared>>
      tpu.wait_dma2 semaphore(%run_scoped3A : memref<!tpu.dma_semaphore, #tpu.memory_space<semaphore_mem>>) src(%arg15 : memref<25x128xf32, #tpu.memory_space<vmem>>) dst(%dma_wait3A_156 : memref<25x128xf32, #tpu.memory_space<vmem_shared>>)
      tpu.yield
    }) : () -> ()
    %mul3A_71 = arith.constant 625 : i32
    %mul3A_72 = arith.muli %arg1, %mul3A_71 : i32
    %add3A_73 = arith.constant 400 : i32
    %add3A_74 = arith.addi %mul3A_72, %add3A_73 : i32
    "tpu.region"() ({
      %run_scoped3A = tpu.sem_alloc : memref<!tpu.dma_semaphore, #tpu.memory_space<semaphore_mem>>
      %dma_start3A = arith.constant 0 : i32
      %dma_start3A_151 = tpu.memref_slice %arg18[%add3A_74, %dma_start3A] : memref<10000x128xf32, #tpu.memory_space<vmem_shared>> -> memref<25x128xf32, #tpu.memory_space<vmem_shared>>
      %dma_start3A_152 = arith.constant 0 : i32
      %dma_start3A_153 = tpu.memref_slice %arg18[%add3A_74, %dma_start3A_152] : memref<10000x128xf32, #tpu.memory_space<vmem_shared>> -> memref<25x128xf32, #tpu.memory_space<vmem_shared>>
      tpu.enqueue_dma source(%arg15 : memref<25x128xf32, #tpu.memory_space<vmem>>) target(%dma_start3A_153 : memref<25x128xf32, #tpu.memory_space<vmem_shared>>) target_semaphore(%run_scoped3A : memref<!tpu.dma_semaphore, #tpu.memory_space<semaphore_mem>>)
      %dma_wait3A = arith.constant 0 : i32
      %dma_wait3A_154 = tpu.memref_slice %arg18[%add3A_74, %dma_wait3A] : memref<10000x128xf32, #tpu.memory_space<vmem_shared>> -> memref<25x128xf32, #tpu.memory_space<vmem_shared>>
      %dma_wait3A_155 = arith.constant 0 : i32
      %dma_wait3A_156 = tpu.memref_slice %arg18[%add3A_74, %dma_wait3A_155] : memref<10000x128xf32, #tpu.memory_space<vmem_shared>> -> memref<25x128xf32, #tpu.memory_space<vmem_shared>>
      tpu.wait_dma2 semaphore(%run_scoped3A : memref<!tpu.dma_semaphore, #tpu.memory_space<semaphore_mem>>) src(%arg15 : memref<25x128xf32, #tpu.memory_space<vmem>>) dst(%dma_wait3A_156 : memref<25x128xf32, #tpu.memory_space<vmem_shared>>)
      tpu.yield
    }) : () -> ()
    %mul3A_75 = arith.constant 625 : i32
    %mul3A_76 = arith.muli %arg1, %mul3A_75 : i32
    %add3A_77 = arith.constant 425 : i32
    %add3A_78 = arith.addi %mul3A_76, %add3A_77 : i32
    "tpu.region"() ({
      %run_scoped3A = tpu.sem_alloc : memref<!tpu.dma_semaphore, #tpu.memory_space<semaphore_mem>>
      %dma_start3A = arith.constant 0 : i32
      %dma_start3A_151 = tpu.memref_slice %arg18[%add3A_78, %dma_start3A] : memref<10000x128xf32, #tpu.memory_space<vmem_shared>> -> memref<25x128xf32, #tpu.memory_space<vmem_shared>>
      %dma_start3A_152 = arith.constant 0 : i32
      %dma_start3A_153 = tpu.memref_slice %arg18[%add3A_78, %dma_start3A_152] : memref<10000x128xf32, #tpu.memory_space<vmem_shared>> -> memref<25x128xf32, #tpu.memory_space<vmem_shared>>
      tpu.enqueue_dma source(%arg15 : memref<25x128xf32, #tpu.memory_space<vmem>>) target(%dma_start3A_153 : memref<25x128xf32, #tpu.memory_space<vmem_shared>>) target_semaphore(%run_scoped3A : memref<!tpu.dma_semaphore, #tpu.memory_space<semaphore_mem>>)
      %dma_wait3A = arith.constant 0 : i32
      %dma_wait3A_154 = tpu.memref_slice %arg18[%add3A_78, %dma_wait3A] : memref<10000x128xf32, #tpu.memory_space<vmem_shared>> -> memref<25x128xf32, #tpu.memory_space<vmem_shared>>
      %dma_wait3A_155 = arith.constant 0 : i32
      %dma_wait3A_156 = tpu.memref_slice %arg18[%add3A_78, %dma_wait3A_155] : memref<10000x128xf32, #tpu.memory_space<vmem_shared>> -> memref<25x128xf32, #tpu.memory_space<vmem_shared>>
      tpu.wait_dma2 semaphore(%run_scoped3A : memref<!tpu.dma_semaphore, #tpu.memory_space<semaphore_mem>>) src(%arg15 : memref<25x128xf32, #tpu.memory_space<vmem>>) dst(%dma_wait3A_156 : memref<25x128xf32, #tpu.memory_space<vmem_shared>>)
      tpu.yield
    }) : () -> ()
    %mul3A_79 = arith.constant 625 : i32
    %mul3A_80 = arith.muli %arg1, %mul3A_79 : i32
    %add3A_81 = arith.constant 450 : i32
    %add3A_82 = arith.addi %mul3A_80, %add3A_81 : i32
    "tpu.region"() ({
      %run_scoped3A = tpu.sem_alloc : memref<!tpu.dma_semaphore, #tpu.memory_space<semaphore_mem>>
      %dma_start3A = arith.constant 0 : i32
      %dma_start3A_151 = tpu.memref_slice %arg18[%add3A_82, %dma_start3A] : memref<10000x128xf32, #tpu.memory_space<vmem_shared>> -> memref<25x128xf32, #tpu.memory_space<vmem_shared>>
      %dma_start3A_152 = arith.constant 0 : i32
      %dma_start3A_153 = tpu.memref_slice %arg18[%add3A_82, %dma_start3A_152] : memref<10000x128xf32, #tpu.memory_space<vmem_shared>> -> memref<25x128xf32, #tpu.memory_space<vmem_shared>>
      tpu.enqueue_dma source(%arg15 : memref<25x128xf32, #tpu.memory_space<vmem>>) target(%dma_start3A_153 : memref<25x128xf32, #tpu.memory_space<vmem_shared>>) target_semaphore(%run_scoped3A : memref<!tpu.dma_semaphore, #tpu.memory_space<semaphore_mem>>)
      %dma_wait3A = arith.constant 0 : i32
      %dma_wait3A_154 = tpu.memref_slice %arg18[%add3A_82, %dma_wait3A] : memref<10000x128xf32, #tpu.memory_space<vmem_shared>> -> memref<25x128xf32, #tpu.memory_space<vmem_shared>>
      %dma_wait3A_155 = arith.constant 0 : i32
      %dma_wait3A_156 = tpu.memref_slice %arg18[%add3A_82, %dma_wait3A_155] : memref<10000x128xf32, #tpu.memory_space<vmem_shared>> -> memref<25x128xf32, #tpu.memory_space<vmem_shared>>
      tpu.wait_dma2 semaphore(%run_scoped3A : memref<!tpu.dma_semaphore, #tpu.memory_space<semaphore_mem>>) src(%arg15 : memref<25x128xf32, #tpu.memory_space<vmem>>) dst(%dma_wait3A_156 : memref<25x128xf32, #tpu.memory_space<vmem_shared>>)
      tpu.yield
    }) : () -> ()
    %mul3A_83 = arith.constant 625 : i32
    %mul3A_84 = arith.muli %arg1, %mul3A_83 : i32
    %add3A_85 = arith.constant 475 : i32
    %add3A_86 = arith.addi %mul3A_84, %add3A_85 : i32
    "tpu.region"() ({
      %run_scoped3A = tpu.sem_alloc : memref<!tpu.dma_semaphore, #tpu.memory_space<semaphore_mem>>
      %dma_start3A = arith.constant 0 : i32
      %dma_start3A_151 = tpu.memref_slice %arg18[%add3A_86, %dma_start3A] : memref<10000x128xf32, #tpu.memory_space<vmem_shared>> -> memref<25x128xf32, #tpu.memory_space<vmem_shared>>
      %dma_start3A_152 = arith.constant 0 : i32
      %dma_start3A_153 = tpu.memref_slice %arg18[%add3A_86, %dma_start3A_152] : memref<10000x128xf32, #tpu.memory_space<vmem_shared>> -> memref<25x128xf32, #tpu.memory_space<vmem_shared>>
      tpu.enqueue_dma source(%arg15 : memref<25x128xf32, #tpu.memory_space<vmem>>) target(%dma_start3A_153 : memref<25x128xf32, #tpu.memory_space<vmem_shared>>) target_semaphore(%run_scoped3A : memref<!tpu.dma_semaphore, #tpu.memory_space<semaphore_mem>>)
      %dma_wait3A = arith.constant 0 : i32
      %dma_wait3A_154 = tpu.memref_slice %arg18[%add3A_86, %dma_wait3A] : memref<10000x128xf32, #tpu.memory_space<vmem_shared>> -> memref<25x128xf32, #tpu.memory_space<vmem_shared>>
      %dma_wait3A_155 = arith.constant 0 : i32
      %dma_wait3A_156 = tpu.memref_slice %arg18[%add3A_86, %dma_wait3A_155] : memref<10000x128xf32, #tpu.memory_space<vmem_shared>> -> memref<25x128xf32, #tpu.memory_space<vmem_shared>>
      tpu.wait_dma2 semaphore(%run_scoped3A : memref<!tpu.dma_semaphore, #tpu.memory_space<semaphore_mem>>) src(%arg15 : memref<25x128xf32, #tpu.memory_space<vmem>>) dst(%dma_wait3A_156 : memref<25x128xf32, #tpu.memory_space<vmem_shared>>)
      tpu.yield
    }) : () -> ()
    %mul3A_87 = arith.constant 625 : i32
    %mul3A_88 = arith.muli %arg1, %mul3A_87 : i32
    %add3A_89 = arith.constant 500 : i32
    %add3A_90 = arith.addi %mul3A_88, %add3A_89 : i32
    "tpu.region"() ({
      %run_scoped3A = tpu.sem_alloc : memref<!tpu.dma_semaphore, #tpu.memory_space<semaphore_mem>>
      %dma_start3A = arith.constant 0 : i32
      %dma_start3A_151 = tpu.memref_slice %arg18[%add3A_90, %dma_start3A] : memref<10000x128xf32, #tpu.memory_space<vmem_shared>> -> memref<25x128xf32, #tpu.memory_space<vmem_shared>>
      %dma_start3A_152 = arith.constant 0 : i32
      %dma_start3A_153 = tpu.memref_slice %arg18[%add3A_90, %dma_start3A_152] : memref<10000x128xf32, #tpu.memory_space<vmem_shared>> -> memref<25x128xf32, #tpu.memory_space<vmem_shared>>
      tpu.enqueue_dma source(%arg15 : memref<25x128xf32, #tpu.memory_space<vmem>>) target(%dma_start3A_153 : memref<25x128xf32, #tpu.memory_space<vmem_shared>>) target_semaphore(%run_scoped3A : memref<!tpu.dma_semaphore, #tpu.memory_space<semaphore_mem>>)
      %dma_wait3A = arith.constant 0 : i32
      %dma_wait3A_154 = tpu.memref_slice %arg18[%add3A_90, %dma_wait3A] : memref<10000x128xf32, #tpu.memory_space<vmem_shared>> -> memref<25x128xf32, #tpu.memory_space<vmem_shared>>
      %dma_wait3A_155 = arith.constant 0 : i32
      %dma_wait3A_156 = tpu.memref_slice %arg18[%add3A_90, %dma_wait3A_155] : memref<10000x128xf32, #tpu.memory_space<vmem_shared>> -> memref<25x128xf32, #tpu.memory_space<vmem_shared>>
      tpu.wait_dma2 semaphore(%run_scoped3A : memref<!tpu.dma_semaphore, #tpu.memory_space<semaphore_mem>>) src(%arg15 : memref<25x128xf32, #tpu.memory_space<vmem>>) dst(%dma_wait3A_156 : memref<25x128xf32, #tpu.memory_space<vmem_shared>>)
      tpu.yield
    }) : () -> ()
    %mul3A_91 = arith.constant 625 : i32
    %mul3A_92 = arith.muli %arg1, %mul3A_91 : i32
    %add3A_93 = arith.constant 525 : i32
    %add3A_94 = arith.addi %mul3A_92, %add3A_93 : i32
    "tpu.region"() ({
      %run_scoped3A = tpu.sem_alloc : memref<!tpu.dma_semaphore, #tpu.memory_space<semaphore_mem>>
      %dma_start3A = arith.constant 0 : i32
      %dma_start3A_151 = tpu.memref_slice %arg18[%add3A_94, %dma_start3A] : memref<10000x128xf32, #tpu.memory_space<vmem_shared>> -> memref<25x128xf32, #tpu.memory_space<vmem_shared>>
      %dma_start3A_152 = arith.constant 0 : i32
      %dma_start3A_153 = tpu.memref_slice %arg18[%add3A_94, %dma_start3A_152] : memref<10000x128xf32, #tpu.memory_space<vmem_shared>> -> memref<25x128xf32, #tpu.memory_space<vmem_shared>>
      tpu.enqueue_dma source(%arg15 : memref<25x128xf32, #tpu.memory_space<vmem>>) target(%dma_start3A_153 : memref<25x128xf32, #tpu.memory_space<vmem_shared>>) target_semaphore(%run_scoped3A : memref<!tpu.dma_semaphore, #tpu.memory_space<semaphore_mem>>)
      %dma_wait3A = arith.constant 0 : i32
      %dma_wait3A_154 = tpu.memref_slice %arg18[%add3A_94, %dma_wait3A] : memref<10000x128xf32, #tpu.memory_space<vmem_shared>> -> memref<25x128xf32, #tpu.memory_space<vmem_shared>>
      %dma_wait3A_155 = arith.constant 0 : i32
      %dma_wait3A_156 = tpu.memref_slice %arg18[%add3A_94, %dma_wait3A_155] : memref<10000x128xf32, #tpu.memory_space<vmem_shared>> -> memref<25x128xf32, #tpu.memory_space<vmem_shared>>
      tpu.wait_dma2 semaphore(%run_scoped3A : memref<!tpu.dma_semaphore, #tpu.memory_space<semaphore_mem>>) src(%arg15 : memref<25x128xf32, #tpu.memory_space<vmem>>) dst(%dma_wait3A_156 : memref<25x128xf32, #tpu.memory_space<vmem_shared>>)
      tpu.yield
    }) : () -> ()
    %mul3A_95 = arith.constant 625 : i32
    %mul3A_96 = arith.muli %arg1, %mul3A_95 : i32
    %add3A_97 = arith.constant 550 : i32
    %add3A_98 = arith.addi %mul3A_96, %add3A_97 : i32
    "tpu.region"() ({
      %run_scoped3A = tpu.sem_alloc : memref<!tpu.dma_semaphore, #tpu.memory_space<semaphore_mem>>
      %dma_start3A = arith.constant 0 : i32
      %dma_start3A_151 = tpu.memref_slice %arg18[%add3A_98, %dma_start3A] : memref<10000x128xf32, #tpu.memory_space<vmem_shared>> -> memref<25x128xf32, #tpu.memory_space<vmem_shared>>
      %dma_start3A_152 = arith.constant 0 : i32
      %dma_start3A_153 = tpu.memref_slice %arg18[%add3A_98, %dma_start3A_152] : memref<10000x128xf32, #tpu.memory_space<vmem_shared>> -> memref<25x128xf32, #tpu.memory_space<vmem_shared>>
      tpu.enqueue_dma source(%arg15 : memref<25x128xf32, #tpu.memory_space<vmem>>) target(%dma_start3A_153 : memref<25x128xf32, #tpu.memory_space<vmem_shared>>) target_semaphore(%run_scoped3A : memref<!tpu.dma_semaphore, #tpu.memory_space<semaphore_mem>>)
      %dma_wait3A = arith.constant 0 : i32
      %dma_wait3A_154 = tpu.memref_slice %arg18[%add3A_98, %dma_wait3A] : memref<10000x128xf32, #tpu.memory_space<vmem_shared>> -> memref<25x128xf32, #tpu.memory_space<vmem_shared>>
      %dma_wait3A_155 = arith.constant 0 : i32
      %dma_wait3A_156 = tpu.memref_slice %arg18[%add3A_98, %dma_wait3A_155] : memref<10000x128xf32, #tpu.memory_space<vmem_shared>> -> memref<25x128xf32, #tpu.memory_space<vmem_shared>>
      tpu.wait_dma2 semaphore(%run_scoped3A : memref<!tpu.dma_semaphore, #tpu.memory_space<semaphore_mem>>) src(%arg15 : memref<25x128xf32, #tpu.memory_space<vmem>>) dst(%dma_wait3A_156 : memref<25x128xf32, #tpu.memory_space<vmem_shared>>)
      tpu.yield
    }) : () -> ()
    %mul3A_99 = arith.constant 625 : i32
    %mul3A_100 = arith.muli %arg1, %mul3A_99 : i32
    %add3A_101 = arith.constant 575 : i32
    %add3A_102 = arith.addi %mul3A_100, %add3A_101 : i32
    "tpu.region"() ({
      %run_scoped3A = tpu.sem_alloc : memref<!tpu.dma_semaphore, #tpu.memory_space<semaphore_mem>>
      %dma_start3A = arith.constant 0 : i32
      %dma_start3A_151 = tpu.memref_slice %arg18[%add3A_102, %dma_start3A] : memref<10000x128xf32, #tpu.memory_space<vmem_shared>> -> memref<25x128xf32, #tpu.memory_space<vmem_shared>>
      %dma_start3A_152 = arith.constant 0 : i32
      %dma_start3A_153 = tpu.memref_slice %arg18[%add3A_102, %dma_start3A_152] : memref<10000x128xf32, #tpu.memory_space<vmem_shared>> -> memref<25x128xf32, #tpu.memory_space<vmem_shared>>
      tpu.enqueue_dma source(%arg15 : memref<25x128xf32, #tpu.memory_space<vmem>>) target(%dma_start3A_153 : memref<25x128xf32, #tpu.memory_space<vmem_shared>>) target_semaphore(%run_scoped3A : memref<!tpu.dma_semaphore, #tpu.memory_space<semaphore_mem>>)
      %dma_wait3A = arith.constant 0 : i32
      %dma_wait3A_154 = tpu.memref_slice %arg18[%add3A_102, %dma_wait3A] : memref<10000x128xf32, #tpu.memory_space<vmem_shared>> -> memref<25x128xf32, #tpu.memory_space<vmem_shared>>
      %dma_wait3A_155 = arith.constant 0 : i32
      %dma_wait3A_156 = tpu.memref_slice %arg18[%add3A_102, %dma_wait3A_155] : memref<10000x128xf32, #tpu.memory_space<vmem_shared>> -> memref<25x128xf32, #tpu.memory_space<vmem_shared>>
      tpu.wait_dma2 semaphore(%run_scoped3A : memref<!tpu.dma_semaphore, #tpu.memory_space<semaphore_mem>>) src(%arg15 : memref<25x128xf32, #tpu.memory_space<vmem>>) dst(%dma_wait3A_156 : memref<25x128xf32, #tpu.memory_space<vmem_shared>>)
      tpu.yield
    }) : () -> ()
    %mul3A_103 = arith.constant 625 : i32
    %mul3A_104 = arith.muli %arg1, %mul3A_103 : i32
    %add3A_105 = arith.constant 600 : i32
    %add3A_106 = arith.addi %mul3A_104, %add3A_105 : i32
    "tpu.region"() ({
      %run_scoped3A = tpu.sem_alloc : memref<!tpu.dma_semaphore, #tpu.memory_space<semaphore_mem>>
      %dma_start3A = arith.constant 0 : i32
      %dma_start3A_151 = tpu.memref_slice %arg18[%add3A_106, %dma_start3A] : memref<10000x128xf32, #tpu.memory_space<vmem_shared>> -> memref<25x128xf32, #tpu.memory_space<vmem_shared>>
      %dma_start3A_152 = arith.constant 0 : i32
      %dma_start3A_153 = tpu.memref_slice %arg18[%add3A_106, %dma_start3A_152] : memref<10000x128xf32, #tpu.memory_space<vmem_shared>> -> memref<25x128xf32, #tpu.memory_space<vmem_shared>>
      tpu.enqueue_dma source(%arg15 : memref<25x128xf32, #tpu.memory_space<vmem>>) target(%dma_start3A_153 : memref<25x128xf32, #tpu.memory_space<vmem_shared>>) target_semaphore(%run_scoped3A : memref<!tpu.dma_semaphore, #tpu.memory_space<semaphore_mem>>)
      %dma_wait3A = arith.constant 0 : i32
      %dma_wait3A_154 = tpu.memref_slice %arg18[%add3A_106, %dma_wait3A] : memref<10000x128xf32, #tpu.memory_space<vmem_shared>> -> memref<25x128xf32, #tpu.memory_space<vmem_shared>>
      %dma_wait3A_155 = arith.constant 0 : i32
      %dma_wait3A_156 = tpu.memref_slice %arg18[%add3A_106, %dma_wait3A_155] : memref<10000x128xf32, #tpu.memory_space<vmem_shared>> -> memref<25x128xf32, #tpu.memory_space<vmem_shared>>
      tpu.wait_dma2 semaphore(%run_scoped3A : memref<!tpu.dma_semaphore, #tpu.memory_space<semaphore_mem>>) src(%arg15 : memref<25x128xf32, #tpu.memory_space<vmem>>) dst(%dma_wait3A_156 : memref<25x128xf32, #tpu.memory_space<vmem_shared>>)
      tpu.yield
    }) : () -> ()
    %barrier3A = arith.constant 0 : index
    tpu.barrier barrier_id(%barrier3A)
    %mul3A_107 = arith.constant 10000 : i32
    %mul3A_108 = arith.muli %arg1, %mul3A_107 : i32
    %scan3A_109 = arith.constant 0 : i32
    %scan3A_110 = arith.constant 0 : i32
    %scan3A_111 = arith.constant 253 : i32
    %scan3A_112 = arith.addi %scan3A_110, %scan3A_111 : i32
    %scan3A_113 = arith.constant 1 : i32
    scf.for %scan3A_151 = %scan3A_110 to %scan3A_112 step %scan3A_113  : i32 {
      %ge3A = arith.constant 3 : i32
      %ge3A_152 = arith.cmpi sge, %scan3A_151, %ge3A : i32
      %convert_element_type3A = arith.extui %ge3A_152 : i1 to i32
      %cond3A = arith.constant 0 : i32
      %cond3A_153 = arith.cmpi ne, %convert_element_type3A, %cond3A : i32
      scf.if %cond3A_153 {
        %sub3A = arith.constant 3 : i32
        %sub3A_207 = arith.subi %scan3A_151, %sub3A : i32
        %jit3A_208 = arith.constant 2 : i32
        %div3A = arith.divsi %sub3A_207, %jit3A_208 : i32
        %sign3A = arith.constant 0 : i32
        %sign3A_209 = arith.cmpi sgt, %sub3A_207, %sign3A : i32
        %sign3A_210 = arith.extui %sign3A_209 : i1 to i32
        %sign3A_211 = arith.constant 0 : i32
        %sign3A_212 = arith.cmpi slt, %sub3A_207, %sign3A_211 : i32
        %sign3A_213 = arith.extui %sign3A_212 : i1 to i32
        %sign3A_214 = arith.subi %sign3A_210, %sign3A_213 : i32
        %sign3A_215 = arith.constant 0 : i32
        %sign3A_216 = arith.cmpi sgt, %jit3A_208, %sign3A_215 : i32
        %sign3A_217 = arith.extui %sign3A_216 : i1 to i32
        %sign3A_218 = arith.constant 0 : i32
        %sign3A_219 = arith.cmpi slt, %jit3A_208, %sign3A_218 : i32
        %sign3A_220 = arith.extui %sign3A_219 : i1 to i32
        %sign3A_221 = arith.subi %sign3A_217, %sign3A_220 : i32
        %ne3A_222 = arith.cmpi ne, %sign3A_214, %sign3A_221 : i32
        %rem3A_223 = arith.remsi %sub3A_207, %jit3A_208 : i32
        %ne3A_224 = arith.constant 0 : i32
        %ne3A_225 = arith.cmpi ne, %rem3A_223, %ne3A_224 : i32
        %and3A_226 = arith.andi %ne3A_222, %ne3A_225 : i1
        %sub3A_227 = arith.constant 1 : i32
        %sub3A_228 = arith.subi %div3A, %sub3A_227 : i32
        %select_n3A_229 = arith.select %and3A_226, %sub3A_228, %div3A : i32
        %jit3A_230 = arith.constant 3 : i32
        %eq3A_231 = arith.constant 0 : i32
        %eq3A_232 = arith.cmpi eq, %jit3A_230, %eq3A_231 : i32
        %jit3A_233 = arith.constant 1 : i32
        %select_n3A_234 = arith.select %eq3A_232, %jit3A_233, %jit3A_230 : i32
        %rem3A_235 = arith.remsi %select_n3A_229, %select_n3A_234 : i32
        %ne3A_236 = arith.constant 0 : i32
        %ne3A_237 = arith.cmpi ne, %rem3A_235, %ne3A_236 : i32
        %lt3A_238 = arith.constant 0 : i32
        %lt3A_239 = arith.cmpi slt, %rem3A_235, %lt3A_238 : i32
        %lt3A_240 = arith.constant 0 : i32
        %lt3A_241 = arith.cmpi slt, %select_n3A_234, %lt3A_240 : i32
        %ne3A_242 = arith.xori %lt3A_239, %lt3A_241 : i1
        %and3A_243 = arith.andi %ne3A_242, %ne3A_237 : i1
        %add3A_244 = arith.addi %rem3A_235, %select_n3A_234 : i32
        %select_n3A_245 = arith.select %and3A_243, %add3A_244, %rem3A_235 : i32
        %jit3A_246 = arith.constant 2 : i32
        %eq3A_247 = arith.constant 0 : i32
        %eq3A_248 = arith.cmpi eq, %jit3A_246, %eq3A_247 : i32
        %jit3A_249 = arith.constant 1 : i32
        %select_n3A_250 = arith.select %eq3A_248, %jit3A_249, %jit3A_246 : i32
        %rem3A_251 = arith.remsi %sub3A_207, %select_n3A_250 : i32
        %ne3A_252 = arith.constant 0 : i32
        %ne3A_253 = arith.cmpi ne, %rem3A_251, %ne3A_252 : i32
        %lt3A_254 = arith.constant 0 : i32
        %lt3A_255 = arith.cmpi slt, %rem3A_251, %lt3A_254 : i32
        %lt3A_256 = arith.constant 0 : i32
        %lt3A_257 = arith.cmpi slt, %select_n3A_250, %lt3A_256 : i32
        %ne3A_258 = arith.xori %lt3A_255, %lt3A_257 : i1
        %and3A_259 = arith.andi %ne3A_258, %ne3A_253 : i1
        %add3A_260 = arith.addi %rem3A_251, %select_n3A_250 : i32
        %select_n3A_261 = arith.select %and3A_259, %add3A_260, %rem3A_251 : i32
        %mul3A_262 = arith.constant 40 : i32
        %mul3A_263 = arith.muli %select_n3A_261, %mul3A_262 : i32
        %jit3A_264 = arith.constant 2 : i32
        %eq3A_265 = arith.constant 0 : i32
        %eq3A_266 = arith.cmpi eq, %jit3A_264, %eq3A_265 : i32
        %jit3A_267 = arith.constant 1 : i32
        %select_n3A_268 = arith.select %eq3A_266, %jit3A_267, %jit3A_264 : i32
        %rem3A_269 = arith.remsi %sub3A_207, %select_n3A_268 : i32
        %ne3A_270 = arith.constant 0 : i32
        %ne3A_271 = arith.cmpi ne, %rem3A_269, %ne3A_270 : i32
        %lt3A_272 = arith.constant 0 : i32
        %lt3A_273 = arith.cmpi slt, %rem3A_269, %lt3A_272 : i32
        %lt3A_274 = arith.constant 0 : i32
        %lt3A_275 = arith.cmpi slt, %select_n3A_268, %lt3A_274 : i32
        %ne3A_276 = arith.xori %lt3A_273, %lt3A_275 : i1
        %and3A_277 = arith.andi %ne3A_276, %ne3A_271 : i1
        %add3A_278 = arith.addi %rem3A_269, %select_n3A_268 : i32
        %select_n3A_279 = arith.select %and3A_277, %add3A_278, %rem3A_269 : i32
        %dma_wait3A = arith.constant 0 : i32
        %dma_wait3A_280 = arith.constant 0 : i32
        %dma_wait3A_281 = tpu.memref_slice %arg13[%select_n3A_279, %dma_wait3A, %dma_wait3A_280] : memref<2x40x384xf32, #tpu.memory_space<vmem>> -> memref<1x40x384xf32, #tpu.memory_space<vmem>>
        %dma_wait3A_282 = tpu.memref_squeeze %dma_wait3A_281 : memref<1x40x384xf32, #tpu.memory_space<vmem>> -> memref<40x384xf32, #tpu.memory_space<vmem>>
        %dma_wait3A_283 = arith.constant 0 : i32
        %dma_wait3A_284 = tpu.memref_slice %arg11[%select_n3A_245, %dma_wait3A_283] : memref<3x80xi32, #tpu.memory_space<vmem>> -> memref<1x80xi32, #tpu.memory_space<vmem>>
        %dma_wait3A_285 = tpu.memref_squeeze %dma_wait3A_284 : memref<1x80xi32, #tpu.memory_space<vmem>> -> memref<80xi32, #tpu.memory_space<vmem>>
        %dma_wait3A_286 = tpu.memref_slice %dma_wait3A_285[%mul3A_263] : memref<80xi32, #tpu.memory_space<vmem>> -> memref<40xi32, #tpu.memory_space<vmem>>
        %dma_wait3A_287 = arith.constant 0 : i32
        %dma_wait3A_288 = arith.constant 0 : i32
        %dma_wait3A_289 = tpu.memref_slice %arg6[%arg0, %dma_wait3A_287, %dma_wait3A_288] : memref<2x1000x384xf32, #tpu.memory_space<hbm>> -> memref<1x1000x384xf32, #tpu.memory_space<hbm>>
        %dma_wait3A_290 = tpu.memref_squeeze %dma_wait3A_289 : memref<1x1000x384xf32, #tpu.memory_space<hbm>> -> memref<1000x384xf32, #tpu.memory_space<hbm>>
        %dma_wait3A_291 = arith.constant 0 : i32
        %dma_wait3A_292 = arith.constant 0 : i32
        %dma_wait3A_293 = tpu.memref_slice %dma_wait3A_290[%dma_wait3A_291, %dma_wait3A_292] : memref<1000x384xf32, #tpu.memory_space<hbm>> -> memref<1000x384xf32, #tpu.memory_space<hbm>>
        tpu.wait_indirect_dma semaphore(%arg21 : memref<!tpu.dma_semaphore, #tpu.memory_space<semaphore_mem>>) src(%dma_wait3A_293 : memref<1000x384xf32, #tpu.memory_space<hbm>>) dst(%dma_wait3A_282 : memref<40x384xf32, #tpu.memory_space<vmem>>)
      } else {
      }
      %ge3A_154 = arith.constant 2 : i32
      %ge3A_155 = arith.cmpi sge, %scan3A_151, %ge3A_154 : i32
      %le3A = arith.constant 251 : i32
      %le3A_156 = arith.cmpi sle, %scan3A_151, %le3A : i32
      %and3A = arith.andi %ge3A_155, %le3A_156 : i1
      %convert_element_type3A_157 = arith.extui %and3A : i1 to i32
      %cond3A_158 = arith.constant 0 : i32
      %cond3A_159 = arith.cmpi ne, %convert_element_type3A_157, %cond3A_158 : i32
      scf.if %cond3A_159 {
        %sub3A = arith.constant 2 : i32
        %sub3A_207 = arith.subi %scan3A_151, %sub3A : i32
        %jit3A_208 = arith.constant 2 : i32
        %eq3A_209 = arith.constant 0 : i32
        %eq3A_210 = arith.cmpi eq, %jit3A_208, %eq3A_209 : i32
        %jit3A_211 = arith.constant 1 : i32
        %select_n3A_212 = arith.select %eq3A_210, %jit3A_211, %jit3A_208 : i32
        %rem3A_213 = arith.remsi %sub3A_207, %select_n3A_212 : i32
        %ne3A_214 = arith.constant 0 : i32
        %ne3A_215 = arith.cmpi ne, %rem3A_213, %ne3A_214 : i32
        %lt3A_216 = arith.constant 0 : i32
        %lt3A_217 = arith.cmpi slt, %rem3A_213, %lt3A_216 : i32
        %lt3A_218 = arith.constant 0 : i32
        %lt3A_219 = arith.cmpi slt, %select_n3A_212, %lt3A_218 : i32
        %ne3A_220 = arith.xori %lt3A_217, %lt3A_219 : i1
        %and3A_221 = arith.andi %ne3A_220, %ne3A_215 : i1
        %add3A_222 = arith.addi %rem3A_213, %select_n3A_212 : i32
        %select_n3A_223 = arith.select %and3A_221, %add3A_222, %rem3A_213 : i32
        %eq3A_224 = arith.constant 0 : i32
        %eq3A_225 = arith.cmpi eq, %select_n3A_223, %eq3A_224 : i32
        %convert_element_type3A_226 = arith.extui %eq3A_225 : i1 to i32
        %cond3A_227 = arith.constant 0 : i32
        %cond3A_228 = arith.cmpi ne, %convert_element_type3A_226, %cond3A_227 : i32
        scf.if %cond3A_228 {
          %sub3A_317 = arith.constant 2 : i32
          %sub3A_318 = arith.subi %scan3A_151, %sub3A_317 : i32
          %jit3A_319 = arith.constant 2 : i32
          %div3A_320 = arith.divsi %sub3A_318, %jit3A_319 : i32
          %sign3A_321 = arith.constant 0 : i32
          %sign3A_322 = arith.cmpi sgt, %sub3A_318, %sign3A_321 : i32
          %sign3A_323 = arith.extui %sign3A_322 : i1 to i32
          %sign3A_324 = arith.constant 0 : i32
          %sign3A_325 = arith.cmpi slt, %sub3A_318, %sign3A_324 : i32
          %sign3A_326 = arith.extui %sign3A_325 : i1 to i32
          %sign3A_327 = arith.subi %sign3A_323, %sign3A_326 : i32
          %sign3A_328 = arith.constant 0 : i32
          %sign3A_329 = arith.cmpi sgt, %jit3A_319, %sign3A_328 : i32
          %sign3A_330 = arith.extui %sign3A_329 : i1 to i32
          %sign3A_331 = arith.constant 0 : i32
          %sign3A_332 = arith.cmpi slt, %jit3A_319, %sign3A_331 : i32
          %sign3A_333 = arith.extui %sign3A_332 : i1 to i32
          %sign3A_334 = arith.subi %sign3A_330, %sign3A_333 : i32
          %ne3A_335 = arith.cmpi ne, %sign3A_327, %sign3A_334 : i32
          %rem3A_336 = arith.remsi %sub3A_318, %jit3A_319 : i32
          %ne3A_337 = arith.constant 0 : i32
          %ne3A_338 = arith.cmpi ne, %rem3A_336, %ne3A_337 : i32
          %and3A_339 = arith.andi %ne3A_335, %ne3A_338 : i1
          %sub3A_340 = arith.constant 1 : i32
          %sub3A_341 = arith.subi %div3A_320, %sub3A_340 : i32
          %select_n3A_342 = arith.select %and3A_339, %sub3A_341, %div3A_320 : i32
          %jit3A_343 = arith.constant 2 : i32
          %eq3A_344 = arith.constant 0 : i32
          %eq3A_345 = arith.cmpi eq, %jit3A_343, %eq3A_344 : i32
          %jit3A_346 = arith.constant 1 : i32
          %select_n3A_347 = arith.select %eq3A_345, %jit3A_346, %jit3A_343 : i32
          %rem3A_348 = arith.remsi %select_n3A_342, %select_n3A_347 : i32
          %ne3A_349 = arith.constant 0 : i32
          %ne3A_350 = arith.cmpi ne, %rem3A_348, %ne3A_349 : i32
          %lt3A_351 = arith.constant 0 : i32
          %lt3A_352 = arith.cmpi slt, %rem3A_348, %lt3A_351 : i32
          %lt3A_353 = arith.constant 0 : i32
          %lt3A_354 = arith.cmpi slt, %select_n3A_347, %lt3A_353 : i32
          %ne3A_355 = arith.xori %lt3A_352, %lt3A_354 : i1
          %and3A_356 = arith.andi %ne3A_355, %ne3A_350 : i1
          %add3A_357 = arith.addi %rem3A_348, %select_n3A_347 : i32
          %select_n3A_358 = arith.select %and3A_356, %add3A_357, %rem3A_348 : i32
          %jit3A_359 = arith.constant 3 : i32
          %eq3A_360 = arith.constant 0 : i32
          %eq3A_361 = arith.cmpi eq, %jit3A_359, %eq3A_360 : i32
          %jit3A_362 = arith.constant 1 : i32
          %select_n3A_363 = arith.select %eq3A_361, %jit3A_362, %jit3A_359 : i32
          %rem3A_364 = arith.remsi %select_n3A_342, %select_n3A_363 : i32
          %ne3A_365 = arith.constant 0 : i32
          %ne3A_366 = arith.cmpi ne, %rem3A_364, %ne3A_365 : i32
          %lt3A_367 = arith.constant 0 : i32
          %lt3A_368 = arith.cmpi slt, %rem3A_364, %lt3A_367 : i32
          %lt3A_369 = arith.constant 0 : i32
          %lt3A_370 = arith.cmpi slt, %select_n3A_363, %lt3A_369 : i32
          %ne3A_371 = arith.xori %lt3A_368, %lt3A_370 : i1
          %and3A_372 = arith.andi %ne3A_371, %ne3A_366 : i1
          %add3A_373 = arith.addi %rem3A_364, %select_n3A_363 : i32
          %select_n3A_374 = arith.select %and3A_372, %add3A_373, %rem3A_364 : i32
          %dma_wait3A = arith.constant 0 : i32
          %dma_wait3A_375 = tpu.memref_slice %arg11[%select_n3A_374, %dma_wait3A] : memref<3x80xi32, #tpu.memory_space<vmem>> -> memref<1x80xi32, #tpu.memory_space<vmem>>
          %dma_wait3A_376 = tpu.memref_squeeze %dma_wait3A_375 : memref<1x80xi32, #tpu.memory_space<vmem>> -> memref<80xi32, #tpu.memory_space<vmem>>
          %dma_wait3A_377 = arith.constant 0 : i32
          %dma_wait3A_378 = tpu.memref_slice %arg9[%select_n3A_358, %dma_wait3A_377] : memref<2x80xi32, #tpu.memory_space<vmem>> -> memref<1x80xi32, #tpu.memory_space<vmem>>
          %dma_wait3A_379 = tpu.memref_squeeze %dma_wait3A_378 : memref<1x80xi32, #tpu.memory_space<vmem>> -> memref<80xi32, #tpu.memory_space<vmem>>
          %dma_wait3A_380 = arith.constant 0 : i32
          %dma_wait3A_381 = tpu.memref_slice %arg5[%dma_wait3A_380] : memref<10000xi32, #tpu.memory_space<hbm>> -> memref<10000xi32, #tpu.memory_space<hbm>>
          tpu.wait_indirect_dma semaphore(%arg20 : memref<!tpu.dma_semaphore, #tpu.memory_space<semaphore_mem>>) src(%dma_wait3A_381 : memref<10000xi32, #tpu.memory_space<hbm>>) dst(%dma_wait3A_376 : memref<80xi32, #tpu.memory_space<vmem>>)
        } else {
        }
        %sub3A_229 = arith.constant 2 : i32
        %sub3A_230 = arith.subi %scan3A_151, %sub3A_229 : i32
        %jit3A_231 = arith.constant 2 : i32
        %div3A = arith.divsi %sub3A_230, %jit3A_231 : i32
        %sign3A = arith.constant 0 : i32
        %sign3A_232 = arith.cmpi sgt, %sub3A_230, %sign3A : i32
        %sign3A_233 = arith.extui %sign3A_232 : i1 to i32
        %sign3A_234 = arith.constant 0 : i32
        %sign3A_235 = arith.cmpi slt, %sub3A_230, %sign3A_234 : i32
        %sign3A_236 = arith.extui %sign3A_235 : i1 to i32
        %sign3A_237 = arith.subi %sign3A_233, %sign3A_236 : i32
        %sign3A_238 = arith.constant 0 : i32
        %sign3A_239 = arith.cmpi sgt, %jit3A_231, %sign3A_238 : i32
        %sign3A_240 = arith.extui %sign3A_239 : i1 to i32
        %sign3A_241 = arith.constant 0 : i32
        %sign3A_242 = arith.cmpi slt, %jit3A_231, %sign3A_241 : i32
        %sign3A_243 = arith.extui %sign3A_242 : i1 to i32
        %sign3A_244 = arith.subi %sign3A_240, %sign3A_243 : i32
        %ne3A_245 = arith.cmpi ne, %sign3A_237, %sign3A_244 : i32
        %rem3A_246 = arith.remsi %sub3A_230, %jit3A_231 : i32
        %ne3A_247 = arith.constant 0 : i32
        %ne3A_248 = arith.cmpi ne, %rem3A_246, %ne3A_247 : i32
        %and3A_249 = arith.andi %ne3A_245, %ne3A_248 : i1
        %sub3A_250 = arith.constant 1 : i32
        %sub3A_251 = arith.subi %div3A, %sub3A_250 : i32
        %select_n3A_252 = arith.select %and3A_249, %sub3A_251, %div3A : i32
        %jit3A_253 = arith.constant 3 : i32
        %eq3A_254 = arith.constant 0 : i32
        %eq3A_255 = arith.cmpi eq, %jit3A_253, %eq3A_254 : i32
        %jit3A_256 = arith.constant 1 : i32
        %select_n3A_257 = arith.select %eq3A_255, %jit3A_256, %jit3A_253 : i32
        %rem3A_258 = arith.remsi %select_n3A_252, %select_n3A_257 : i32
        %ne3A_259 = arith.constant 0 : i32
        %ne3A_260 = arith.cmpi ne, %rem3A_258, %ne3A_259 : i32
        %lt3A_261 = arith.constant 0 : i32
        %lt3A_262 = arith.cmpi slt, %rem3A_258, %lt3A_261 : i32
        %lt3A_263 = arith.constant 0 : i32
        %lt3A_264 = arith.cmpi slt, %select_n3A_257, %lt3A_263 : i32
        %ne3A_265 = arith.xori %lt3A_262, %lt3A_264 : i1
        %and3A_266 = arith.andi %ne3A_265, %ne3A_260 : i1
        %add3A_267 = arith.addi %rem3A_258, %select_n3A_257 : i32
        %select_n3A_268 = arith.select %and3A_266, %add3A_267, %rem3A_258 : i32
        %jit3A_269 = arith.constant 2 : i32
        %eq3A_270 = arith.constant 0 : i32
        %eq3A_271 = arith.cmpi eq, %jit3A_269, %eq3A_270 : i32
        %jit3A_272 = arith.constant 1 : i32
        %select_n3A_273 = arith.select %eq3A_271, %jit3A_272, %jit3A_269 : i32
        %rem3A_274 = arith.remsi %sub3A_230, %select_n3A_273 : i32
        %ne3A_275 = arith.constant 0 : i32
        %ne3A_276 = arith.cmpi ne, %rem3A_274, %ne3A_275 : i32
        %lt3A_277 = arith.constant 0 : i32
        %lt3A_278 = arith.cmpi slt, %rem3A_274, %lt3A_277 : i32
        %lt3A_279 = arith.constant 0 : i32
        %lt3A_280 = arith.cmpi slt, %select_n3A_273, %lt3A_279 : i32
        %ne3A_281 = arith.xori %lt3A_278, %lt3A_280 : i1
        %and3A_282 = arith.andi %ne3A_281, %ne3A_276 : i1
        %add3A_283 = arith.addi %rem3A_274, %select_n3A_273 : i32
        %select_n3A_284 = arith.select %and3A_282, %add3A_283, %rem3A_274 : i32
        %mul3A_285 = arith.constant 40 : i32
        %mul3A_286 = arith.muli %select_n3A_284, %mul3A_285 : i32
        %jit3A_287 = arith.constant 2 : i32
        %eq3A_288 = arith.constant 0 : i32
        %eq3A_289 = arith.cmpi eq, %jit3A_287, %eq3A_288 : i32
        %jit3A_290 = arith.constant 1 : i32
        %select_n3A_291 = arith.select %eq3A_289, %jit3A_290, %jit3A_287 : i32
        %rem3A_292 = arith.remsi %sub3A_230, %select_n3A_291 : i32
        %ne3A_293 = arith.constant 0 : i32
        %ne3A_294 = arith.cmpi ne, %rem3A_292, %ne3A_293 : i32
        %lt3A_295 = arith.constant 0 : i32
        %lt3A_296 = arith.cmpi slt, %rem3A_292, %lt3A_295 : i32
        %lt3A_297 = arith.constant 0 : i32
        %lt3A_298 = arith.cmpi slt, %select_n3A_291, %lt3A_297 : i32
        %ne3A_299 = arith.xori %lt3A_296, %lt3A_298 : i1
        %and3A_300 = arith.andi %ne3A_299, %ne3A_294 : i1
        %add3A_301 = arith.addi %rem3A_292, %select_n3A_291 : i32
        %select_n3A_302 = arith.select %and3A_300, %add3A_301, %rem3A_292 : i32
        %dma_start3A = arith.constant 0 : i32
        %dma_start3A_303 = arith.constant 0 : i32
        %dma_start3A_304 = tpu.memref_slice %arg13[%select_n3A_302, %dma_start3A, %dma_start3A_303] : memref<2x40x384xf32, #tpu.memory_space<vmem>> -> memref<1x40x384xf32, #tpu.memory_space<vmem>>
        %dma_start3A_305 = tpu.memref_squeeze %dma_start3A_304 : memref<1x40x384xf32, #tpu.memory_space<vmem>> -> memref<40x384xf32, #tpu.memory_space<vmem>>
        %dma_start3A_306 = arith.constant 0 : i32
        %dma_start3A_307 = tpu.memref_slice %arg11[%select_n3A_268, %dma_start3A_306] : memref<3x80xi32, #tpu.memory_space<vmem>> -> memref<1x80xi32, #tpu.memory_space<vmem>>
        %dma_start3A_308 = tpu.memref_squeeze %dma_start3A_307 : memref<1x80xi32, #tpu.memory_space<vmem>> -> memref<80xi32, #tpu.memory_space<vmem>>
        %dma_start3A_309 = tpu.memref_slice %dma_start3A_308[%mul3A_286] : memref<80xi32, #tpu.memory_space<vmem>> -> memref<40xi32, #tpu.memory_space<vmem>>
        %dma_start3A_310 = arith.constant 0 : i32
        %dma_start3A_311 = arith.constant 0 : i32
        %dma_start3A_312 = tpu.memref_slice %arg6[%arg0, %dma_start3A_310, %dma_start3A_311] : memref<2x1000x384xf32, #tpu.memory_space<hbm>> -> memref<1x1000x384xf32, #tpu.memory_space<hbm>>
        %dma_start3A_313 = tpu.memref_squeeze %dma_start3A_312 : memref<1x1000x384xf32, #tpu.memory_space<hbm>> -> memref<1000x384xf32, #tpu.memory_space<hbm>>
        %dma_start3A_314 = arith.constant 0 : i32
        %dma_start3A_315 = arith.constant 0 : i32
        %dma_start3A_316 = tpu.memref_slice %dma_start3A_313[%dma_start3A_314, %dma_start3A_315] : memref<1000x384xf32, #tpu.memory_space<hbm>> -> memref<1000x384xf32, #tpu.memory_space<hbm>>
        tpu.enqueue_indirect_dma source(%dma_start3A_316 : memref<1000x384xf32, #tpu.memory_space<hbm>>) target(%dma_start3A_305 : memref<40x384xf32, #tpu.memory_space<vmem>>) offsets(%dma_start3A_309 : memref<40xi32, #tpu.memory_space<vmem>>) semaphore(%arg21 : memref<!tpu.dma_semaphore, #tpu.memory_space<semaphore_mem>>)
      } else {
      }
      %jit3A = arith.constant 2 : i32
      %eq3A = arith.constant 0 : i32
      %eq3A_160 = arith.cmpi eq, %jit3A, %eq3A : i32
      %jit3A_161 = arith.constant 1 : i32
      %select_n3A = arith.select %eq3A_160, %jit3A_161, %jit3A : i32
      %rem3A = arith.remsi %scan3A_151, %select_n3A : i32
      %ne3A = arith.constant 0 : i32
      %ne3A_162 = arith.cmpi ne, %rem3A, %ne3A : i32
      %lt3A = arith.constant 0 : i32
      %lt3A_163 = arith.cmpi slt, %rem3A, %lt3A : i32
      %lt3A_164 = arith.constant 0 : i32
      %lt3A_165 = arith.cmpi slt, %select_n3A, %lt3A_164 : i32
      %ne3A_166 = arith.xori %lt3A_163, %lt3A_165 : i1
      %and3A_167 = arith.andi %ne3A_166, %ne3A_162 : i1
      %add3A_168 = arith.addi %rem3A, %select_n3A : i32
      %select_n3A_169 = arith.select %and3A_167, %add3A_168, %rem3A : i32
      %eq3A_170 = arith.constant 1 : i32
      %eq3A_171 = arith.cmpi eq, %select_n3A_169, %eq3A_170 : i32
      %le3A_172 = arith.constant 249 : i32
      %le3A_173 = arith.cmpi sle, %scan3A_151, %le3A_172 : i32
      %and3A_174 = arith.andi %eq3A_171, %le3A_173 : i1
      %convert_element_type3A_175 = arith.extui %and3A_174 : i1 to i32
      %cond3A_176 = arith.constant 0 : i32
      %cond3A_177 = arith.cmpi ne, %convert_element_type3A_175, %cond3A_176 : i32
      scf.if %cond3A_177 {
        %sub3A = arith.constant 1 : i32
        %sub3A_207 = arith.subi %scan3A_151, %sub3A : i32
        %jit3A_208 = arith.constant 2 : i32
        %div3A = arith.divsi %sub3A_207, %jit3A_208 : i32
        %sign3A = arith.constant 0 : i32
        %sign3A_209 = arith.cmpi sgt, %sub3A_207, %sign3A : i32
        %sign3A_210 = arith.extui %sign3A_209 : i1 to i32
        %sign3A_211 = arith.constant 0 : i32
        %sign3A_212 = arith.cmpi slt, %sub3A_207, %sign3A_211 : i32
        %sign3A_213 = arith.extui %sign3A_212 : i1 to i32
        %sign3A_214 = arith.subi %sign3A_210, %sign3A_213 : i32
        %sign3A_215 = arith.constant 0 : i32
        %sign3A_216 = arith.cmpi sgt, %jit3A_208, %sign3A_215 : i32
        %sign3A_217 = arith.extui %sign3A_216 : i1 to i32
        %sign3A_218 = arith.constant 0 : i32
        %sign3A_219 = arith.cmpi slt, %jit3A_208, %sign3A_218 : i32
        %sign3A_220 = arith.extui %sign3A_219 : i1 to i32
        %sign3A_221 = arith.subi %sign3A_217, %sign3A_220 : i32
        %ne3A_222 = arith.cmpi ne, %sign3A_214, %sign3A_221 : i32
        %rem3A_223 = arith.remsi %sub3A_207, %jit3A_208 : i32
        %ne3A_224 = arith.constant 0 : i32
        %ne3A_225 = arith.cmpi ne, %rem3A_223, %ne3A_224 : i32
        %and3A_226 = arith.andi %ne3A_222, %ne3A_225 : i1
        %sub3A_227 = arith.constant 1 : i32
        %sub3A_228 = arith.subi %div3A, %sub3A_227 : i32
        %select_n3A_229 = arith.select %and3A_226, %sub3A_228, %div3A : i32
        %mul3A_230 = arith.constant 2 : i32
        %mul3A_231 = arith.muli %select_n3A_229, %mul3A_230 : i32
        %mul3A_232 = arith.constant 40 : i32
        %mul3A_233 = arith.muli %mul3A_231, %mul3A_232 : i32
        %add3A_234 = arith.addi %mul3A_108, %mul3A_233 : i32
        %jit3A_235 = arith.constant 2 : i32
        %eq3A_236 = arith.constant 0 : i32
        %eq3A_237 = arith.cmpi eq, %jit3A_235, %eq3A_236 : i32
        %jit3A_238 = arith.constant 1 : i32
        %select_n3A_239 = arith.select %eq3A_237, %jit3A_238, %jit3A_235 : i32
        %rem3A_240 = arith.remsi %select_n3A_229, %select_n3A_239 : i32
        %ne3A_241 = arith.constant 0 : i32
        %ne3A_242 = arith.cmpi ne, %rem3A_240, %ne3A_241 : i32
        %lt3A_243 = arith.constant 0 : i32
        %lt3A_244 = arith.cmpi slt, %rem3A_240, %lt3A_243 : i32
        %lt3A_245 = arith.constant 0 : i32
        %lt3A_246 = arith.cmpi slt, %select_n3A_239, %lt3A_245 : i32
        %ne3A_247 = arith.xori %lt3A_244, %lt3A_246 : i1
        %and3A_248 = arith.andi %ne3A_247, %ne3A_242 : i1
        %add3A_249 = arith.addi %rem3A_240, %select_n3A_239 : i32
        %select_n3A_250 = arith.select %and3A_248, %add3A_249, %rem3A_240 : i32
        %jit3A_251 = arith.constant 3 : i32
        %eq3A_252 = arith.constant 0 : i32
        %eq3A_253 = arith.cmpi eq, %jit3A_251, %eq3A_252 : i32
        %jit3A_254 = arith.constant 1 : i32
        %select_n3A_255 = arith.select %eq3A_253, %jit3A_254, %jit3A_251 : i32
        %rem3A_256 = arith.remsi %select_n3A_229, %select_n3A_255 : i32
        %ne3A_257 = arith.constant 0 : i32
        %ne3A_258 = arith.cmpi ne, %rem3A_256, %ne3A_257 : i32
        %lt3A_259 = arith.constant 0 : i32
        %lt3A_260 = arith.cmpi slt, %rem3A_256, %lt3A_259 : i32
        %lt3A_261 = arith.constant 0 : i32
        %lt3A_262 = arith.cmpi slt, %select_n3A_255, %lt3A_261 : i32
        %ne3A_263 = arith.xori %lt3A_260, %lt3A_262 : i1
        %and3A_264 = arith.andi %ne3A_263, %ne3A_258 : i1
        %add3A_265 = arith.addi %rem3A_256, %select_n3A_255 : i32
        %select_n3A_266 = arith.select %and3A_264, %add3A_265, %rem3A_256 : i32
        %add3A_267 = arith.constant 40 : i32
        %add3A_268 = arith.addi %add3A_234, %add3A_267 : i32
        %jit3A_269 = arith.constant 3 : i32
        %eq3A_270 = arith.constant 0 : i32
        %eq3A_271 = arith.cmpi eq, %jit3A_269, %eq3A_270 : i32
        %jit3A_272 = arith.constant 1 : i32
        %select_n3A_273 = arith.select %eq3A_271, %jit3A_272, %jit3A_269 : i32
        %rem3A_274 = arith.remsi %select_n3A_229, %select_n3A_273 : i32
        %ne3A_275 = arith.constant 0 : i32
        %ne3A_276 = arith.cmpi ne, %rem3A_274, %ne3A_275 : i32
        %lt3A_277 = arith.constant 0 : i32
        %lt3A_278 = arith.cmpi slt, %rem3A_274, %lt3A_277 : i32
        %lt3A_279 = arith.constant 0 : i32
        %lt3A_280 = arith.cmpi slt, %select_n3A_273, %lt3A_279 : i32
        %ne3A_281 = arith.xori %lt3A_278, %lt3A_280 : i1
        %and3A_282 = arith.andi %ne3A_281, %ne3A_276 : i1
        %add3A_283 = arith.addi %rem3A_274, %select_n3A_273 : i32
        %select_n3A_284 = arith.select %and3A_282, %add3A_283, %rem3A_274 : i32
        %mul3A_285 = arith.constant 3 : i32
        %mul3A_286 = arith.muli %add3A_234, %mul3A_285 : i32
        %jit3A_287 = arith.constant 3 : i32
        %eq3A_288 = arith.constant 0 : i32
        %eq3A_289 = arith.cmpi eq, %jit3A_287, %eq3A_288 : i32
        %jit3A_290 = arith.constant 1 : i32
        %select_n3A_291 = arith.select %eq3A_289, %jit3A_290, %jit3A_287 : i32
        %rem3A_292 = arith.remsi %select_n3A_229, %select_n3A_291 : i32
        %ne3A_293 = arith.constant 0 : i32
        %ne3A_294 = arith.cmpi ne, %rem3A_292, %ne3A_293 : i32
        %lt3A_295 = arith.constant 0 : i32
        %lt3A_296 = arith.cmpi slt, %rem3A_292, %lt3A_295 : i32
        %lt3A_297 = arith.constant 0 : i32
        %lt3A_298 = arith.cmpi slt, %select_n3A_291, %lt3A_297 : i32
        %ne3A_299 = arith.xori %lt3A_296, %lt3A_298 : i1
        %and3A_300 = arith.andi %ne3A_299, %ne3A_294 : i1
        %add3A_301 = arith.addi %rem3A_292, %select_n3A_291 : i32
        %select_n3A_302 = arith.select %and3A_300, %add3A_301, %rem3A_292 : i32
        %mul3A_303 = arith.constant 256 : i32
        %mul3A_304 = arith.muli %select_n3A_302, %mul3A_303 : i32
        %dma_wait3A = arith.constant 0 : i32
        %dma_wait3A_305 = tpu.memref_slice %arg9[%select_n3A_250, %dma_wait3A] : memref<2x80xi32, #tpu.memory_space<vmem>> -> memref<1x80xi32, #tpu.memory_space<vmem>>
        %dma_wait3A_306 = tpu.memref_squeeze %dma_wait3A_305 : memref<1x80xi32, #tpu.memory_space<vmem>> -> memref<80xi32, #tpu.memory_space<vmem>>
        %dma_wait3A_307 = tpu.memref_slice %arg2[%add3A_234] : memref<160000xi32, #tpu.memory_space<hbm>> -> memref<80xi32, #tpu.memory_space<hbm>>
        %dma_wait3A_308 = arith.constant 0 : i32
        %dma_wait3A_309 = tpu.memref_slice %arg9[%select_n3A_250, %dma_wait3A_308] : memref<2x80xi32, #tpu.memory_space<vmem>> -> memref<1x80xi32, #tpu.memory_space<vmem>>
        %dma_wait3A_310 = tpu.memref_squeeze %dma_wait3A_309 : memref<1x80xi32, #tpu.memory_space<vmem>> -> memref<80xi32, #tpu.memory_space<vmem>>
        %dma_wait3A_311 = tpu.memref_slice %arg2[%add3A_234] : memref<160000xi32, #tpu.memory_space<hbm>> -> memref<80xi32, #tpu.memory_space<hbm>>
        tpu.wait_dma2 semaphore(%arg19 : memref<!tpu.dma_semaphore, #tpu.memory_space<semaphore_mem>>) src(%dma_wait3A_311 : memref<80xi32, #tpu.memory_space<hbm>>) dst(%dma_wait3A_310 : memref<80xi32, #tpu.memory_space<vmem>>)
        %dma_wait3A_312 = arith.constant 0 : i32
        %dma_wait3A_313 = arith.constant 0 : i32
        %dma_wait3A_314 = tpu.memref_slice %arg10[%select_n3A_266, %dma_wait3A_312, %dma_wait3A_313] : memref<3x2x40xi32, #tpu.memory_space<vmem>> -> memref<1x1x40xi32, #tpu.memory_space<vmem>>
        %dma_wait3A_315 = tpu.memref_squeeze %dma_wait3A_314 : memref<1x1x40xi32, #tpu.memory_space<vmem>> -> memref<40xi32, #tpu.memory_space<vmem>>
        %dma_wait3A_316 = tpu.memref_slice %arg3[%add3A_234] : memref<160000xi32, #tpu.memory_space<hbm>> -> memref<40xi32, #tpu.memory_space<hbm>>
        %dma_wait3A_317 = arith.constant 0 : i32
        %dma_wait3A_318 = tpu.memref_slice %arg10[%select_n3A_266, %dma_wait3A_312, %dma_wait3A_317] : memref<3x2x40xi32, #tpu.memory_space<vmem>> -> memref<1x1x40xi32, #tpu.memory_space<vmem>>
        %dma_wait3A_319 = tpu.memref_squeeze %dma_wait3A_318 : memref<1x1x40xi32, #tpu.memory_space<vmem>> -> memref<40xi32, #tpu.memory_space<vmem>>
        %dma_wait3A_320 = tpu.memref_slice %arg3[%add3A_234] : memref<160000xi32, #tpu.memory_space<hbm>> -> memref<40xi32, #tpu.memory_space<hbm>>
        tpu.wait_dma2 semaphore(%arg19 : memref<!tpu.dma_semaphore, #tpu.memory_space<semaphore_mem>>) src(%dma_wait3A_320 : memref<40xi32, #tpu.memory_space<hbm>>) dst(%dma_wait3A_319 : memref<40xi32, #tpu.memory_space<vmem>>)
        %dma_wait3A_321 = arith.constant 1 : i32
        %dma_wait3A_322 = arith.constant 0 : i32
        %dma_wait3A_323 = tpu.memref_slice %arg10[%select_n3A_284, %dma_wait3A_321, %dma_wait3A_322] : memref<3x2x40xi32, #tpu.memory_space<vmem>> -> memref<1x1x40xi32, #tpu.memory_space<vmem>>
        %dma_wait3A_324 = tpu.memref_squeeze %dma_wait3A_323 : memref<1x1x40xi32, #tpu.memory_space<vmem>> -> memref<40xi32, #tpu.memory_space<vmem>>
        %dma_wait3A_325 = tpu.memref_slice %arg3[%add3A_268] : memref<160000xi32, #tpu.memory_space<hbm>> -> memref<40xi32, #tpu.memory_space<hbm>>
        %dma_wait3A_326 = arith.constant 0 : i32
        %dma_wait3A_327 = tpu.memref_slice %arg10[%select_n3A_284, %dma_wait3A_321, %dma_wait3A_326] : memref<3x2x40xi32, #tpu.memory_space<vmem>> -> memref<1x1x40xi32, #tpu.memory_space<vmem>>
        %dma_wait3A_328 = tpu.memref_squeeze %dma_wait3A_327 : memref<1x1x40xi32, #tpu.memory_space<vmem>> -> memref<40xi32, #tpu.memory_space<vmem>>
        %dma_wait3A_329 = tpu.memref_slice %arg3[%add3A_268] : memref<160000xi32, #tpu.memory_space<hbm>> -> memref<40xi32, #tpu.memory_space<hbm>>
        tpu.wait_dma2 semaphore(%arg19 : memref<!tpu.dma_semaphore, #tpu.memory_space<semaphore_mem>>) src(%dma_wait3A_329 : memref<40xi32, #tpu.memory_space<hbm>>) dst(%dma_wait3A_328 : memref<40xi32, #tpu.memory_space<vmem>>)
        %dma_wait3A_330 = tpu.memref_slice %arg12[%mul3A_304] : memref<768xf32, #tpu.memory_space<vmem>> -> memref<240xf32, #tpu.memory_space<vmem>>
        %dma_wait3A_331 = tpu.memref_slice %arg4[%mul3A_286] : memref<480000xf32, #tpu.memory_space<hbm>> -> memref<240xf32, #tpu.memory_space<hbm>>
        %dma_wait3A_332 = tpu.memref_slice %arg12[%mul3A_304] : memref<768xf32, #tpu.memory_space<vmem>> -> memref<240xf32, #tpu.memory_space<vmem>>
        %dma_wait3A_333 = tpu.memref_slice %arg4[%mul3A_286] : memref<480000xf32, #tpu.memory_space<hbm>> -> memref<240xf32, #tpu.memory_space<hbm>>
        tpu.wait_dma2 semaphore(%arg19 : memref<!tpu.dma_semaphore, #tpu.memory_space<semaphore_mem>>) src(%dma_wait3A_333 : memref<240xf32, #tpu.memory_space<hbm>>) dst(%dma_wait3A_332 : memref<240xf32, #tpu.memory_space<vmem>>)
        %jit3A_334 = arith.constant 2 : i32
        %eq3A_335 = arith.constant 0 : i32
        %eq3A_336 = arith.cmpi eq, %jit3A_334, %eq3A_335 : i32
        %jit3A_337 = arith.constant 1 : i32
        %select_n3A_338 = arith.select %eq3A_336, %jit3A_337, %jit3A_334 : i32
        %rem3A_339 = arith.remsi %select_n3A_229, %select_n3A_338 : i32
        %ne3A_340 = arith.constant 0 : i32
        %ne3A_341 = arith.cmpi ne, %rem3A_339, %ne3A_340 : i32
        %lt3A_342 = arith.constant 0 : i32
        %lt3A_343 = arith.cmpi slt, %rem3A_339, %lt3A_342 : i32
        %lt3A_344 = arith.constant 0 : i32
        %lt3A_345 = arith.cmpi slt, %select_n3A_338, %lt3A_344 : i32
        %ne3A_346 = arith.xori %lt3A_343, %lt3A_345 : i1
        %and3A_347 = arith.andi %ne3A_346, %ne3A_341 : i1
        %add3A_348 = arith.addi %rem3A_339, %select_n3A_338 : i32
        %select_n3A_349 = arith.select %and3A_347, %add3A_348, %rem3A_339 : i32
        %jit3A_350 = arith.constant 3 : i32
        %eq3A_351 = arith.constant 0 : i32
        %eq3A_352 = arith.cmpi eq, %jit3A_350, %eq3A_351 : i32
        %jit3A_353 = arith.constant 1 : i32
        %select_n3A_354 = arith.select %eq3A_352, %jit3A_353, %jit3A_350 : i32
        %rem3A_355 = arith.remsi %select_n3A_229, %select_n3A_354 : i32
        %ne3A_356 = arith.constant 0 : i32
        %ne3A_357 = arith.cmpi ne, %rem3A_355, %ne3A_356 : i32
        %lt3A_358 = arith.constant 0 : i32
        %lt3A_359 = arith.cmpi slt, %rem3A_355, %lt3A_358 : i32
        %lt3A_360 = arith.constant 0 : i32
        %lt3A_361 = arith.cmpi slt, %select_n3A_354, %lt3A_360 : i32
        %ne3A_362 = arith.xori %lt3A_359, %lt3A_361 : i1
        %and3A_363 = arith.andi %ne3A_362, %ne3A_357 : i1
        %add3A_364 = arith.addi %rem3A_355, %select_n3A_354 : i32
        %select_n3A_365 = arith.select %and3A_363, %add3A_364, %rem3A_355 : i32
        %dma_start3A = arith.constant 0 : i32
        %dma_start3A_366 = tpu.memref_slice %arg11[%select_n3A_365, %dma_start3A] : memref<3x80xi32, #tpu.memory_space<vmem>> -> memref<1x80xi32, #tpu.memory_space<vmem>>
        %dma_start3A_367 = tpu.memref_squeeze %dma_start3A_366 : memref<1x80xi32, #tpu.memory_space<vmem>> -> memref<80xi32, #tpu.memory_space<vmem>>
        %dma_start3A_368 = arith.constant 0 : i32
        %dma_start3A_369 = tpu.memref_slice %arg9[%select_n3A_349, %dma_start3A_368] : memref<2x80xi32, #tpu.memory_space<vmem>> -> memref<1x80xi32, #tpu.memory_space<vmem>>
        %dma_start3A_370 = tpu.memref_squeeze %dma_start3A_369 : memref<1x80xi32, #tpu.memory_space<vmem>> -> memref<80xi32, #tpu.memory_space<vmem>>
        %dma_start3A_371 = arith.constant 0 : i32
        %dma_start3A_372 = tpu.memref_slice %arg5[%dma_start3A_371] : memref<10000xi32, #tpu.memory_space<hbm>> -> memref<10000xi32, #tpu.memory_space<hbm>>
        tpu.enqueue_indirect_dma source(%dma_start3A_372 : memref<10000xi32, #tpu.memory_space<hbm>>) target(%dma_start3A_367 : memref<80xi32, #tpu.memory_space<vmem>>) offsets(%dma_start3A_370 : memref<80xi32, #tpu.memory_space<vmem>>) semaphore(%arg20 : memref<!tpu.dma_semaphore, #tpu.memory_space<semaphore_mem>>)
      } else {
      }
      %jit3A_178 = arith.constant 2 : i32
      %eq3A_179 = arith.constant 0 : i32
      %eq3A_180 = arith.cmpi eq, %jit3A_178, %eq3A_179 : i32
      %jit3A_181 = arith.constant 1 : i32
      %select_n3A_182 = arith.select %eq3A_180, %jit3A_181, %jit3A_178 : i32
      %rem3A_183 = arith.remsi %scan3A_151, %select_n3A_182 : i32
      %ne3A_184 = arith.constant 0 : i32
      %ne3A_185 = arith.cmpi ne, %rem3A_183, %ne3A_184 : i32
      %lt3A_186 = arith.constant 0 : i32
      %lt3A_187 = arith.cmpi slt, %rem3A_183, %lt3A_186 : i32
      %lt3A_188 = arith.constant 0 : i32
      %lt3A_189 = arith.cmpi slt, %select_n3A_182, %lt3A_188 : i32
      %ne3A_190 = arith.xori %lt3A_187, %lt3A_189 : i1
      %and3A_191 = arith.andi %ne3A_190, %ne3A_185 : i1
      %add3A_192 = arith.addi %rem3A_183, %select_n3A_182 : i32
      %select_n3A_193 = arith.select %and3A_191, %add3A_192, %rem3A_183 : i32
      %eq3A_194 = arith.constant 0 : i32
      %eq3A_195 = arith.cmpi eq, %select_n3A_193, %eq3A_194 : i32
      %le3A_196 = arith.constant 248 : i32
      %le3A_197 = arith.cmpi sle, %scan3A_151, %le3A_196 : i32
      %and3A_198 = arith.andi %eq3A_195, %le3A_197 : i1
      %convert_element_type3A_199 = arith.extui %and3A_198 : i1 to i32
      %cond3A_200 = arith.constant 0 : i32
      %cond3A_201 = arith.cmpi ne, %convert_element_type3A_199, %cond3A_200 : i32
      scf.if %cond3A_201 {
        %jit3A_207 = arith.constant 2 : i32
        %div3A = arith.divsi %scan3A_151, %jit3A_207 : i32
        %sign3A = arith.constant 0 : i32
        %sign3A_208 = arith.cmpi sgt, %scan3A_151, %sign3A : i32
        %sign3A_209 = arith.extui %sign3A_208 : i1 to i32
        %sign3A_210 = arith.constant 0 : i32
        %sign3A_211 = arith.cmpi slt, %scan3A_151, %sign3A_210 : i32
        %sign3A_212 = arith.extui %sign3A_211 : i1 to i32
        %sign3A_213 = arith.subi %sign3A_209, %sign3A_212 : i32
        %sign3A_214 = arith.constant 0 : i32
        %sign3A_215 = arith.cmpi sgt, %jit3A_207, %sign3A_214 : i32
        %sign3A_216 = arith.extui %sign3A_215 : i1 to i32
        %sign3A_217 = arith.constant 0 : i32
        %sign3A_218 = arith.cmpi slt, %jit3A_207, %sign3A_217 : i32
        %sign3A_219 = arith.extui %sign3A_218 : i1 to i32
        %sign3A_220 = arith.subi %sign3A_216, %sign3A_219 : i32
        %ne3A_221 = arith.cmpi ne, %sign3A_213, %sign3A_220 : i32
        %rem3A_222 = arith.remsi %scan3A_151, %jit3A_207 : i32
        %ne3A_223 = arith.constant 0 : i32
        %ne3A_224 = arith.cmpi ne, %rem3A_222, %ne3A_223 : i32
        %and3A_225 = arith.andi %ne3A_221, %ne3A_224 : i1
        %sub3A = arith.constant 1 : i32
        %sub3A_226 = arith.subi %div3A, %sub3A : i32
        %select_n3A_227 = arith.select %and3A_225, %sub3A_226, %div3A : i32
        %mul3A_228 = arith.constant 2 : i32
        %mul3A_229 = arith.muli %select_n3A_227, %mul3A_228 : i32
        %mul3A_230 = arith.constant 40 : i32
        %mul3A_231 = arith.muli %mul3A_229, %mul3A_230 : i32
        %add3A_232 = arith.addi %mul3A_108, %mul3A_231 : i32
        %jit3A_233 = arith.constant 2 : i32
        %eq3A_234 = arith.constant 0 : i32
        %eq3A_235 = arith.cmpi eq, %jit3A_233, %eq3A_234 : i32
        %jit3A_236 = arith.constant 1 : i32
        %select_n3A_237 = arith.select %eq3A_235, %jit3A_236, %jit3A_233 : i32
        %rem3A_238 = arith.remsi %select_n3A_227, %select_n3A_237 : i32
        %ne3A_239 = arith.constant 0 : i32
        %ne3A_240 = arith.cmpi ne, %rem3A_238, %ne3A_239 : i32
        %lt3A_241 = arith.constant 0 : i32
        %lt3A_242 = arith.cmpi slt, %rem3A_238, %lt3A_241 : i32
        %lt3A_243 = arith.constant 0 : i32
        %lt3A_244 = arith.cmpi slt, %select_n3A_237, %lt3A_243 : i32
        %ne3A_245 = arith.xori %lt3A_242, %lt3A_244 : i1
        %and3A_246 = arith.andi %ne3A_245, %ne3A_240 : i1
        %add3A_247 = arith.addi %rem3A_238, %select_n3A_237 : i32
        %select_n3A_248 = arith.select %and3A_246, %add3A_247, %rem3A_238 : i32
        %jit3A_249 = arith.constant 3 : i32
        %eq3A_250 = arith.constant 0 : i32
        %eq3A_251 = arith.cmpi eq, %jit3A_249, %eq3A_250 : i32
        %jit3A_252 = arith.constant 1 : i32
        %select_n3A_253 = arith.select %eq3A_251, %jit3A_252, %jit3A_249 : i32
        %rem3A_254 = arith.remsi %select_n3A_227, %select_n3A_253 : i32
        %ne3A_255 = arith.constant 0 : i32
        %ne3A_256 = arith.cmpi ne, %rem3A_254, %ne3A_255 : i32
        %lt3A_257 = arith.constant 0 : i32
        %lt3A_258 = arith.cmpi slt, %rem3A_254, %lt3A_257 : i32
        %lt3A_259 = arith.constant 0 : i32
        %lt3A_260 = arith.cmpi slt, %select_n3A_253, %lt3A_259 : i32
        %ne3A_261 = arith.xori %lt3A_258, %lt3A_260 : i1
        %and3A_262 = arith.andi %ne3A_261, %ne3A_256 : i1
        %add3A_263 = arith.addi %rem3A_254, %select_n3A_253 : i32
        %select_n3A_264 = arith.select %and3A_262, %add3A_263, %rem3A_254 : i32
        %add3A_265 = arith.constant 40 : i32
        %add3A_266 = arith.addi %add3A_232, %add3A_265 : i32
        %jit3A_267 = arith.constant 3 : i32
        %eq3A_268 = arith.constant 0 : i32
        %eq3A_269 = arith.cmpi eq, %jit3A_267, %eq3A_268 : i32
        %jit3A_270 = arith.constant 1 : i32
        %select_n3A_271 = arith.select %eq3A_269, %jit3A_270, %jit3A_267 : i32
        %rem3A_272 = arith.remsi %select_n3A_227, %select_n3A_271 : i32
        %ne3A_273 = arith.constant 0 : i32
        %ne3A_274 = arith.cmpi ne, %rem3A_272, %ne3A_273 : i32
        %lt3A_275 = arith.constant 0 : i32
        %lt3A_276 = arith.cmpi slt, %rem3A_272, %lt3A_275 : i32
        %lt3A_277 = arith.constant 0 : i32
        %lt3A_278 = arith.cmpi slt, %select_n3A_271, %lt3A_277 : i32
        %ne3A_279 = arith.xori %lt3A_276, %lt3A_278 : i1
        %and3A_280 = arith.andi %ne3A_279, %ne3A_274 : i1
        %add3A_281 = arith.addi %rem3A_272, %select_n3A_271 : i32
        %select_n3A_282 = arith.select %and3A_280, %add3A_281, %rem3A_272 : i32
        %mul3A_283 = arith.constant 3 : i32
        %mul3A_284 = arith.muli %add3A_232, %mul3A_283 : i32
        %jit3A_285 = arith.constant 3 : i32
        %eq3A_286 = arith.constant 0 : i32
        %eq3A_287 = arith.cmpi eq, %jit3A_285, %eq3A_286 : i32
        %jit3A_288 = arith.constant 1 : i32
        %select_n3A_289 = arith.select %eq3A_287, %jit3A_288, %jit3A_285 : i32
        %rem3A_290 = arith.remsi %select_n3A_227, %select_n3A_289 : i32
        %ne3A_291 = arith.constant 0 : i32
        %ne3A_292 = arith.cmpi ne, %rem3A_290, %ne3A_291 : i32
        %lt3A_293 = arith.constant 0 : i32
        %lt3A_294 = arith.cmpi slt, %rem3A_290, %lt3A_293 : i32
        %lt3A_295 = arith.constant 0 : i32
        %lt3A_296 = arith.cmpi slt, %select_n3A_289, %lt3A_295 : i32
        %ne3A_297 = arith.xori %lt3A_294, %lt3A_296 : i1
        %and3A_298 = arith.andi %ne3A_297, %ne3A_292 : i1
        %add3A_299 = arith.addi %rem3A_290, %select_n3A_289 : i32
        %select_n3A_300 = arith.select %and3A_298, %add3A_299, %rem3A_290 : i32
        %mul3A_301 = arith.constant 256 : i32
        %mul3A_302 = arith.muli %select_n3A_300, %mul3A_301 : i32
        %dma_start3A = arith.constant 0 : i32
        %dma_start3A_303 = tpu.memref_slice %arg9[%select_n3A_248, %dma_start3A] : memref<2x80xi32, #tpu.memory_space<vmem>> -> memref<1x80xi32, #tpu.memory_space<vmem>>
        %dma_start3A_304 = tpu.memref_squeeze %dma_start3A_303 : memref<1x80xi32, #tpu.memory_space<vmem>> -> memref<80xi32, #tpu.memory_space<vmem>>
        %dma_start3A_305 = tpu.memref_slice %arg2[%add3A_232] : memref<160000xi32, #tpu.memory_space<hbm>> -> memref<80xi32, #tpu.memory_space<hbm>>
        %dma_start3A_306 = arith.constant 0 : i32
        %dma_start3A_307 = tpu.memref_slice %arg9[%select_n3A_248, %dma_start3A_306] : memref<2x80xi32, #tpu.memory_space<vmem>> -> memref<1x80xi32, #tpu.memory_space<vmem>>
        %dma_start3A_308 = tpu.memref_squeeze %dma_start3A_307 : memref<1x80xi32, #tpu.memory_space<vmem>> -> memref<80xi32, #tpu.memory_space<vmem>>
        %dma_start3A_309 = tpu.memref_slice %arg2[%add3A_232] : memref<160000xi32, #tpu.memory_space<hbm>> -> memref<80xi32, #tpu.memory_space<hbm>>
        tpu.enqueue_dma source(%dma_start3A_309 : memref<80xi32, #tpu.memory_space<hbm>>) target(%dma_start3A_308 : memref<80xi32, #tpu.memory_space<vmem>>) target_semaphore(%arg19 : memref<!tpu.dma_semaphore, #tpu.memory_space<semaphore_mem>>)
        %dma_start3A_310 = arith.constant 0 : i32
        %dma_start3A_311 = arith.constant 0 : i32
        %dma_start3A_312 = tpu.memref_slice %arg10[%select_n3A_264, %dma_start3A_310, %dma_start3A_311] : memref<3x2x40xi32, #tpu.memory_space<vmem>> -> memref<1x1x40xi32, #tpu.memory_space<vmem>>
        %dma_start3A_313 = tpu.memref_squeeze %dma_start3A_312 : memref<1x1x40xi32, #tpu.memory_space<vmem>> -> memref<40xi32, #tpu.memory_space<vmem>>
        %dma_start3A_314 = tpu.memref_slice %arg3[%add3A_232] : memref<160000xi32, #tpu.memory_space<hbm>> -> memref<40xi32, #tpu.memory_space<hbm>>
        %dma_start3A_315 = arith.constant 0 : i32
        %dma_start3A_316 = tpu.memref_slice %arg10[%select_n3A_264, %dma_start3A_310, %dma_start3A_315] : memref<3x2x40xi32, #tpu.memory_space<vmem>> -> memref<1x1x40xi32, #tpu.memory_space<vmem>>
        %dma_start3A_317 = tpu.memref_squeeze %dma_start3A_316 : memref<1x1x40xi32, #tpu.memory_space<vmem>> -> memref<40xi32, #tpu.memory_space<vmem>>
        %dma_start3A_318 = tpu.memref_slice %arg3[%add3A_232] : memref<160000xi32, #tpu.memory_space<hbm>> -> memref<40xi32, #tpu.memory_space<hbm>>
        tpu.enqueue_dma source(%dma_start3A_318 : memref<40xi32, #tpu.memory_space<hbm>>) target(%dma_start3A_317 : memref<40xi32, #tpu.memory_space<vmem>>) target_semaphore(%arg19 : memref<!tpu.dma_semaphore, #tpu.memory_space<semaphore_mem>>)
        %dma_start3A_319 = arith.constant 1 : i32
        %dma_start3A_320 = arith.constant 0 : i32
        %dma_start3A_321 = tpu.memref_slice %arg10[%select_n3A_282, %dma_start3A_319, %dma_start3A_320] : memref<3x2x40xi32, #tpu.memory_space<vmem>> -> memref<1x1x40xi32, #tpu.memory_space<vmem>>
        %dma_start3A_322 = tpu.memref_squeeze %dma_start3A_321 : memref<1x1x40xi32, #tpu.memory_space<vmem>> -> memref<40xi32, #tpu.memory_space<vmem>>
        %dma_start3A_323 = tpu.memref_slice %arg3[%add3A_266] : memref<160000xi32, #tpu.memory_space<hbm>> -> memref<40xi32, #tpu.memory_space<hbm>>
        %dma_start3A_324 = arith.constant 0 : i32
        %dma_start3A_325 = tpu.memref_slice %arg10[%select_n3A_282, %dma_start3A_319, %dma_start3A_324] : memref<3x2x40xi32, #tpu.memory_space<vmem>> -> memref<1x1x40xi32, #tpu.memory_space<vmem>>
        %dma_start3A_326 = tpu.memref_squeeze %dma_start3A_325 : memref<1x1x40xi32, #tpu.memory_space<vmem>> -> memref<40xi32, #tpu.memory_space<vmem>>
        %dma_start3A_327 = tpu.memref_slice %arg3[%add3A_266] : memref<160000xi32, #tpu.memory_space<hbm>> -> memref<40xi32, #tpu.memory_space<hbm>>
        tpu.enqueue_dma source(%dma_start3A_327 : memref<40xi32, #tpu.memory_space<hbm>>) target(%dma_start3A_326 : memref<40xi32, #tpu.memory_space<vmem>>) target_semaphore(%arg19 : memref<!tpu.dma_semaphore, #tpu.memory_space<semaphore_mem>>)
        %dma_start3A_328 = tpu.memref_slice %arg12[%mul3A_302] : memref<768xf32, #tpu.memory_space<vmem>> -> memref<240xf32, #tpu.memory_space<vmem>>
        %dma_start3A_329 = tpu.memref_slice %arg4[%mul3A_284] : memref<480000xf32, #tpu.memory_space<hbm>> -> memref<240xf32, #tpu.memory_space<hbm>>
        %dma_start3A_330 = tpu.memref_slice %arg12[%mul3A_302] : memref<768xf32, #tpu.memory_space<vmem>> -> memref<240xf32, #tpu.memory_space<vmem>>
        %dma_start3A_331 = tpu.memref_slice %arg4[%mul3A_284] : memref<480000xf32, #tpu.memory_space<hbm>> -> memref<240xf32, #tpu.memory_space<hbm>>
        tpu.enqueue_dma source(%dma_start3A_331 : memref<240xf32, #tpu.memory_space<hbm>>) target(%dma_start3A_330 : memref<240xf32, #tpu.memory_space<vmem>>) target_semaphore(%arg19 : memref<!tpu.dma_semaphore, #tpu.memory_space<semaphore_mem>>)
      } else {
      }
      %ge3A_202 = arith.constant 3 : i32
      %ge3A_203 = arith.cmpi sge, %scan3A_151, %ge3A_202 : i32
      %convert_element_type3A_204 = arith.extui %ge3A_203 : i1 to i32
      %cond3A_205 = arith.constant 0 : i32
      %cond3A_206 = arith.cmpi ne, %convert_element_type3A_204, %cond3A_205 : i32
      scf.if %cond3A_206 {
        %sub3A = arith.constant 3 : i32
        %sub3A_207 = arith.subi %scan3A_151, %sub3A : i32
        %jit3A_208 = arith.constant 2 : i32
        %eq3A_209 = arith.constant 0 : i32
        %eq3A_210 = arith.cmpi eq, %jit3A_208, %eq3A_209 : i32
        %jit3A_211 = arith.constant 1 : i32
        %select_n3A_212 = arith.select %eq3A_210, %jit3A_211, %jit3A_208 : i32
        %rem3A_213 = arith.remsi %sub3A_207, %select_n3A_212 : i32
        %ne3A_214 = arith.constant 0 : i32
        %ne3A_215 = arith.cmpi ne, %rem3A_213, %ne3A_214 : i32
        %lt3A_216 = arith.constant 0 : i32
        %lt3A_217 = arith.cmpi slt, %rem3A_213, %lt3A_216 : i32
        %lt3A_218 = arith.constant 0 : i32
        %lt3A_219 = arith.cmpi slt, %select_n3A_212, %lt3A_218 : i32
        %ne3A_220 = arith.xori %lt3A_217, %lt3A_219 : i1
        %and3A_221 = arith.andi %ne3A_220, %ne3A_215 : i1
        %add3A_222 = arith.addi %rem3A_213, %select_n3A_212 : i32
        %select_n3A_223 = arith.select %and3A_221, %add3A_222, %rem3A_213 : i32
        %jit3A_224 = arith.constant 2 : i32
        %div3A = arith.divsi %sub3A_207, %jit3A_224 : i32
        %sign3A = arith.constant 0 : i32
        %sign3A_225 = arith.cmpi sgt, %sub3A_207, %sign3A : i32
        %sign3A_226 = arith.extui %sign3A_225 : i1 to i32
        %sign3A_227 = arith.constant 0 : i32
        %sign3A_228 = arith.cmpi slt, %sub3A_207, %sign3A_227 : i32
        %sign3A_229 = arith.extui %sign3A_228 : i1 to i32
        %sign3A_230 = arith.subi %sign3A_226, %sign3A_229 : i32
        %sign3A_231 = arith.constant 0 : i32
        %sign3A_232 = arith.cmpi sgt, %jit3A_224, %sign3A_231 : i32
        %sign3A_233 = arith.extui %sign3A_232 : i1 to i32
        %sign3A_234 = arith.constant 0 : i32
        %sign3A_235 = arith.cmpi slt, %jit3A_224, %sign3A_234 : i32
        %sign3A_236 = arith.extui %sign3A_235 : i1 to i32
        %sign3A_237 = arith.subi %sign3A_233, %sign3A_236 : i32
        %ne3A_238 = arith.cmpi ne, %sign3A_230, %sign3A_237 : i32
        %rem3A_239 = arith.remsi %sub3A_207, %jit3A_224 : i32
        %ne3A_240 = arith.constant 0 : i32
        %ne3A_241 = arith.cmpi ne, %rem3A_239, %ne3A_240 : i32
        %and3A_242 = arith.andi %ne3A_238, %ne3A_241 : i1
        %sub3A_243 = arith.constant 1 : i32
        %sub3A_244 = arith.subi %div3A, %sub3A_243 : i32
        %select_n3A_245 = arith.select %and3A_242, %sub3A_244, %div3A : i32
        %jit3A_246 = arith.constant 3 : i32
        %eq3A_247 = arith.constant 0 : i32
        %eq3A_248 = arith.cmpi eq, %jit3A_246, %eq3A_247 : i32
        %jit3A_249 = arith.constant 1 : i32
        %select_n3A_250 = arith.select %eq3A_248, %jit3A_249, %jit3A_246 : i32
        %rem3A_251 = arith.remsi %select_n3A_245, %select_n3A_250 : i32
        %ne3A_252 = arith.constant 0 : i32
        %ne3A_253 = arith.cmpi ne, %rem3A_251, %ne3A_252 : i32
        %lt3A_254 = arith.constant 0 : i32
        %lt3A_255 = arith.cmpi slt, %rem3A_251, %lt3A_254 : i32
        %lt3A_256 = arith.constant 0 : i32
        %lt3A_257 = arith.cmpi slt, %select_n3A_250, %lt3A_256 : i32
        %ne3A_258 = arith.xori %lt3A_255, %lt3A_257 : i1
        %and3A_259 = arith.andi %ne3A_258, %ne3A_253 : i1
        %add3A_260 = arith.addi %rem3A_251, %select_n3A_250 : i32
        %select_n3A_261 = arith.select %and3A_259, %add3A_260, %rem3A_251 : i32
        %mul3A_262 = arith.constant 256 : i32
        %mul3A_263 = arith.muli %select_n3A_261, %mul3A_262 : i32
        %jit3A_264 = arith.constant 2 : i32
        %eq3A_265 = arith.constant 0 : i32
        %eq3A_266 = arith.cmpi eq, %jit3A_264, %eq3A_265 : i32
        %jit3A_267 = arith.constant 1 : i32
        %select_n3A_268 = arith.select %eq3A_266, %jit3A_267, %jit3A_264 : i32
        %rem3A_269 = arith.remsi %sub3A_207, %select_n3A_268 : i32
        %ne3A_270 = arith.constant 0 : i32
        %ne3A_271 = arith.cmpi ne, %rem3A_269, %ne3A_270 : i32
        %lt3A_272 = arith.constant 0 : i32
        %lt3A_273 = arith.cmpi slt, %rem3A_269, %lt3A_272 : i32
        %lt3A_274 = arith.constant 0 : i32
        %lt3A_275 = arith.cmpi slt, %select_n3A_268, %lt3A_274 : i32
        %ne3A_276 = arith.xori %lt3A_273, %lt3A_275 : i1
        %and3A_277 = arith.andi %ne3A_276, %ne3A_271 : i1
        %add3A_278 = arith.addi %rem3A_269, %select_n3A_268 : i32
        %select_n3A_279 = arith.select %and3A_277, %add3A_278, %rem3A_269 : i32
        %mul3A_280 = arith.constant 3 : i32
        %mul3A_281 = arith.muli %select_n3A_279, %mul3A_280 : i32
        %mul3A_282 = arith.constant 40 : i32
        %mul3A_283 = arith.muli %mul3A_281, %mul3A_282 : i32
        %add3A_284 = arith.addi %mul3A_263, %mul3A_283 : i32
        %parallel_loop3A = arith.constant 0 : i32
        %parallel_loop3A_285 = arith.constant 40 : i32
        %parallel_loop3A_286 = arith.constant 1 : i32
        scf.for %parallel_loop3A_303 = %parallel_loop3A to %parallel_loop3A_285 step %parallel_loop3A_286  : i32 {
          %parallel_loop3A_304 = arith.constant 3 : i32
          %parallel_loop3A_305 = arith.muli %parallel_loop3A_304, %parallel_loop3A_303 : i32
          %parallel_loop3A_306 = arith.addi %add3A_284, %parallel_loop3A_305 : i32
          %parallel_loop3A_307 = arith.index_cast %parallel_loop3A_306 : i32 to index
          %parallel_loop3A_308 = tpu.vector_load %arg12[%parallel_loop3A_307] {strides = array<i32>} : memref<768xf32, #tpu.memory_space<vmem>>, vector<16xf32>,
          %parallel_loop3A_309 = vector.shape_cast %parallel_loop3A_308 : vector<16xf32> to vector<16xf32>
          %parallel_loop3A_310 = vector.extract_strided_slice %parallel_loop3A_309 {offsets = [0], sizes = [1], strides = [1]} : vector<16xf32> to vector<1xf32>
          %parallel_loop3A_311 = vector.extract %parallel_loop3A_310[0] : f32 from vector<1xf32>
          %parallel_loop3A_312 = vector.extract_strided_slice %parallel_loop3A_309 {offsets = [1], sizes = [1], strides = [1]} : vector<16xf32> to vector<1xf32>
          %parallel_loop3A_313 = vector.extract %parallel_loop3A_312[0] : f32 from vector<1xf32>
          %parallel_loop3A_314 = vector.extract_strided_slice %parallel_loop3A_309 {offsets = [2], sizes = [1], strides = [1]} : vector<16xf32> to vector<1xf32>
          %parallel_loop3A_315 = vector.extract %parallel_loop3A_314[0] : f32 from vector<1xf32>
          %parallel_loop3A_316 = arith.index_cast %select_n3A_223 : i32 to index
          %parallel_loop3A_317 = arith.index_cast %parallel_loop3A_303 : i32 to index
          %parallel_loop3A_318 = arith.constant 0 : index
          %parallel_loop3A_319 = tpu.vector_load %arg13[%parallel_loop3A_316, %parallel_loop3A_317, %parallel_loop3A_318] {strides = array<i32>} : memref<2x40x384xf32, #tpu.memory_space<vmem>>, vector<1x1x16xf32>,
          %parallel_loop3A_320 = vector.shape_cast %parallel_loop3A_319 : vector<1x1x16xf32> to vector<16xf32>
          %parallel_loop3A_321 = arith.index_cast %select_n3A_223 : i32 to index
          %parallel_loop3A_322 = arith.index_cast %parallel_loop3A_303 : i32 to index
          %parallel_loop3A_323 = arith.constant 128 : index
          %parallel_loop3A_324 = tpu.vector_load %arg13[%parallel_loop3A_321, %parallel_loop3A_322, %parallel_loop3A_323] {strides = array<i32>} : memref<2x40x384xf32, #tpu.memory_space<vmem>>, vector<1x1x16xf32>,
          %parallel_loop3A_325 = vector.shape_cast %parallel_loop3A_324 : vector<1x1x16xf32> to vector<16xf32>
          %parallel_loop3A_326 = arith.index_cast %select_n3A_223 : i32 to index
          %parallel_loop3A_327 = arith.index_cast %parallel_loop3A_303 : i32 to index
          %parallel_loop3A_328 = arith.constant 256 : index
          %parallel_loop3A_329 = tpu.vector_load %arg13[%parallel_loop3A_326, %parallel_loop3A_327, %parallel_loop3A_328] {strides = array<i32>} : memref<2x40x384xf32, #tpu.memory_space<vmem>>, vector<1x1x16xf32>,
          %parallel_loop3A_330 = vector.shape_cast %parallel_loop3A_329 : vector<1x1x16xf32> to vector<16xf32>
          %parallel_loop3A_331 = vector.broadcast %parallel_loop3A_311 : f32 to vector<16xf32>
          %parallel_loop3A_332 = arith.mulf %parallel_loop3A_331, %parallel_loop3A_320 : vector<16xf32>
          %parallel_loop3A_333 = vector.broadcast %parallel_loop3A_313 : f32 to vector<16xf32>
          %parallel_loop3A_334 = arith.mulf %parallel_loop3A_333, %parallel_loop3A_325 : vector<16xf32>
          %parallel_loop3A_335 = arith.addf %parallel_loop3A_332, %parallel_loop3A_334 : vector<16xf32>
          %parallel_loop3A_336 = vector.broadcast %parallel_loop3A_315 : f32 to vector<16xf32>
          %parallel_loop3A_337 = arith.mulf %parallel_loop3A_336, %parallel_loop3A_330 : vector<16xf32>
          %parallel_loop3A_338 = arith.addf %parallel_loop3A_335, %parallel_loop3A_337 : vector<16xf32>
          %parallel_loop3A_339 = arith.index_cast %parallel_loop3A_303 : i32 to index
          %parallel_loop3A_340 = arith.constant 0 : index
          %parallel_loop3A_341 = tpu.vector_load %arg14[%parallel_loop3A_339, %parallel_loop3A_340] {strides = array<i32>} : memref<40x128xf32, #tpu.memory_space<vmem>>, vector<1x16xf32>,
          %parallel_loop3A_342 = vector.shape_cast %parallel_loop3A_341 : vector<1x16xf32> to vector<16xf32>
          %parallel_loop3A_343 = vector.shape_cast %parallel_loop3A_338 : vector<16xf32> to vector<1x16xf32>
          tpu.vector_store %arg14[%parallel_loop3A_339, %parallel_loop3A_340], %parallel_loop3A_343 {strides = array<i32>} : memref<40x128xf32, #tpu.memory_space<vmem>>, vector<1x16xf32>,
          %parallel_loop3A_344 = arith.index_cast %select_n3A_223 : i32 to index
          %parallel_loop3A_345 = arith.index_cast %parallel_loop3A_303 : i32 to index
          %parallel_loop3A_346 = arith.constant 16 : index
          %parallel_loop3A_347 = tpu.vector_load %arg13[%parallel_loop3A_344, %parallel_loop3A_345, %parallel_loop3A_346] {strides = array<i32>} : memref<2x40x384xf32, #tpu.memory_space<vmem>>, vector<1x1x16xf32>,
          %parallel_loop3A_348 = vector.shape_cast %parallel_loop3A_347 : vector<1x1x16xf32> to vector<16xf32>
          %parallel_loop3A_349 = arith.index_cast %select_n3A_223 : i32 to index
          %parallel_loop3A_350 = arith.index_cast %parallel_loop3A_303 : i32 to index
          %parallel_loop3A_351 = arith.constant 144 : index
          %parallel_loop3A_352 = tpu.vector_load %arg13[%parallel_loop3A_349, %parallel_loop3A_350, %parallel_loop3A_351] {strides = array<i32>} : memref<2x40x384xf32, #tpu.memory_space<vmem>>, vector<1x1x16xf32>,
          %parallel_loop3A_353 = vector.shape_cast %parallel_loop3A_352 : vector<1x1x16xf32> to vector<16xf32>
          %parallel_loop3A_354 = arith.index_cast %select_n3A_223 : i32 to index
          %parallel_loop3A_355 = arith.index_cast %parallel_loop3A_303 : i32 to index
          %parallel_loop3A_356 = arith.constant 272 : index
          %parallel_loop3A_357 = tpu.vector_load %arg13[%parallel_loop3A_354, %parallel_loop3A_355, %parallel_loop3A_356] {strides = array<i32>} : memref<2x40x384xf32, #tpu.memory_space<vmem>>, vector<1x1x16xf32>,
          %parallel_loop3A_358 = vector.shape_cast %parallel_loop3A_357 : vector<1x1x16xf32> to vector<16xf32>
          %parallel_loop3A_359 = vector.broadcast %parallel_loop3A_311 : f32 to vector<16xf32>
          %parallel_loop3A_360 = arith.mulf %parallel_loop3A_359, %parallel_loop3A_348 : vector<16xf32>
          %parallel_loop3A_361 = vector.broadcast %parallel_loop3A_313 : f32 to vector<16xf32>
          %parallel_loop3A_362 = arith.mulf %parallel_loop3A_361, %parallel_loop3A_353 : vector<16xf32>
          %parallel_loop3A_363 = arith.addf %parallel_loop3A_360, %parallel_loop3A_362 : vector<16xf32>
          %parallel_loop3A_364 = vector.broadcast %parallel_loop3A_315 : f32 to vector<16xf32>
          %parallel_loop3A_365 = arith.mulf %parallel_loop3A_364, %parallel_loop3A_358 : vector<16xf32>
          %parallel_loop3A_366 = arith.addf %parallel_loop3A_363, %parallel_loop3A_365 : vector<16xf32>
          %parallel_loop3A_367 = arith.index_cast %parallel_loop3A_303 : i32 to index
          %parallel_loop3A_368 = arith.constant 16 : index
          %parallel_loop3A_369 = tpu.vector_load %arg14[%parallel_loop3A_367, %parallel_loop3A_368] {strides = array<i32>} : memref<40x128xf32, #tpu.memory_space<vmem>>, vector<1x16xf32>,
          %parallel_loop3A_370 = vector.shape_cast %parallel_loop3A_369 : vector<1x16xf32> to vector<16xf32>
          %parallel_loop3A_371 = vector.shape_cast %parallel_loop3A_366 : vector<16xf32> to vector<1x16xf32>
          tpu.vector_store %arg14[%parallel_loop3A_367, %parallel_loop3A_368], %parallel_loop3A_371 {strides = array<i32>} : memref<40x128xf32, #tpu.memory_space<vmem>>, vector<1x16xf32>,
          %parallel_loop3A_372 = arith.index_cast %select_n3A_223 : i32 to index
          %parallel_loop3A_373 = arith.index_cast %parallel_loop3A_303 : i32 to index
          %parallel_loop3A_374 = arith.constant 32 : index
          %parallel_loop3A_375 = tpu.vector_load %arg13[%parallel_loop3A_372, %parallel_loop3A_373, %parallel_loop3A_374] {strides = array<i32>} : memref<2x40x384xf32, #tpu.memory_space<vmem>>, vector<1x1x16xf32>,
          %parallel_loop3A_376 = vector.shape_cast %parallel_loop3A_375 : vector<1x1x16xf32> to vector<16xf32>
          %parallel_loop3A_377 = arith.index_cast %select_n3A_223 : i32 to index
          %parallel_loop3A_378 = arith.index_cast %parallel_loop3A_303 : i32 to index
          %parallel_loop3A_379 = arith.constant 160 : index
          %parallel_loop3A_380 = tpu.vector_load %arg13[%parallel_loop3A_377, %parallel_loop3A_378, %parallel_loop3A_379] {strides = array<i32>} : memref<2x40x384xf32, #tpu.memory_space<vmem>>, vector<1x1x16xf32>,
          %parallel_loop3A_381 = vector.shape_cast %parallel_loop3A_380 : vector<1x1x16xf32> to vector<16xf32>
          %parallel_loop3A_382 = arith.index_cast %select_n3A_223 : i32 to index
          %parallel_loop3A_383 = arith.index_cast %parallel_loop3A_303 : i32 to index
          %parallel_loop3A_384 = arith.constant 288 : index
          %parallel_loop3A_385 = tpu.vector_load %arg13[%parallel_loop3A_382, %parallel_loop3A_383, %parallel_loop3A_384] {strides = array<i32>} : memref<2x40x384xf32, #tpu.memory_space<vmem>>, vector<1x1x16xf32>,
          %parallel_loop3A_386 = vector.shape_cast %parallel_loop3A_385 : vector<1x1x16xf32> to vector<16xf32>
          %parallel_loop3A_387 = vector.broadcast %parallel_loop3A_311 : f32 to vector<16xf32>
          %parallel_loop3A_388 = arith.mulf %parallel_loop3A_387, %parallel_loop3A_376 : vector<16xf32>
          %parallel_loop3A_389 = vector.broadcast %parallel_loop3A_313 : f32 to vector<16xf32>
          %parallel_loop3A_390 = arith.mulf %parallel_loop3A_389, %parallel_loop3A_381 : vector<16xf32>
          %parallel_loop3A_391 = arith.addf %parallel_loop3A_388, %parallel_loop3A_390 : vector<16xf32>
          %parallel_loop3A_392 = vector.broadcast %parallel_loop3A_315 : f32 to vector<16xf32>
          %parallel_loop3A_393 = arith.mulf %parallel_loop3A_392, %parallel_loop3A_386 : vector<16xf32>
          %parallel_loop3A_394 = arith.addf %parallel_loop3A_391, %parallel_loop3A_393 : vector<16xf32>
          %parallel_loop3A_395 = arith.index_cast %parallel_loop3A_303 : i32 to index
          %parallel_loop3A_396 = arith.constant 32 : index
          %parallel_loop3A_397 = tpu.vector_load %arg14[%parallel_loop3A_395, %parallel_loop3A_396] {strides = array<i32>} : memref<40x128xf32, #tpu.memory_space<vmem>>, vector<1x16xf32>,
          %parallel_loop3A_398 = vector.shape_cast %parallel_loop3A_397 : vector<1x16xf32> to vector<16xf32>
          %parallel_loop3A_399 = vector.shape_cast %parallel_loop3A_394 : vector<16xf32> to vector<1x16xf32>
          tpu.vector_store %arg14[%parallel_loop3A_395, %parallel_loop3A_396], %parallel_loop3A_399 {strides = array<i32>} : memref<40x128xf32, #tpu.memory_space<vmem>>, vector<1x16xf32>,
          %parallel_loop3A_400 = arith.index_cast %select_n3A_223 : i32 to index
          %parallel_loop3A_401 = arith.index_cast %parallel_loop3A_303 : i32 to index
          %parallel_loop3A_402 = arith.constant 48 : index
          %parallel_loop3A_403 = tpu.vector_load %arg13[%parallel_loop3A_400, %parallel_loop3A_401, %parallel_loop3A_402] {strides = array<i32>} : memref<2x40x384xf32, #tpu.memory_space<vmem>>, vector<1x1x16xf32>,
          %parallel_loop3A_404 = vector.shape_cast %parallel_loop3A_403 : vector<1x1x16xf32> to vector<16xf32>
          %parallel_loop3A_405 = arith.index_cast %select_n3A_223 : i32 to index
          %parallel_loop3A_406 = arith.index_cast %parallel_loop3A_303 : i32 to index
          %parallel_loop3A_407 = arith.constant 176 : index
          %parallel_loop3A_408 = tpu.vector_load %arg13[%parallel_loop3A_405, %parallel_loop3A_406, %parallel_loop3A_407] {strides = array<i32>} : memref<2x40x384xf32, #tpu.memory_space<vmem>>, vector<1x1x16xf32>,
          %parallel_loop3A_409 = vector.shape_cast %parallel_loop3A_408 : vector<1x1x16xf32> to vector<16xf32>
          %parallel_loop3A_410 = arith.index_cast %select_n3A_223 : i32 to index
          %parallel_loop3A_411 = arith.index_cast %parallel_loop3A_303 : i32 to index
          %parallel_loop3A_412 = arith.constant 304 : index
          %parallel_loop3A_413 = tpu.vector_load %arg13[%parallel_loop3A_410, %parallel_loop3A_411, %parallel_loop3A_412] {strides = array<i32>} : memref<2x40x384xf32, #tpu.memory_space<vmem>>, vector<1x1x16xf32>,
          %parallel_loop3A_414 = vector.shape_cast %parallel_loop3A_413 : vector<1x1x16xf32> to vector<16xf32>
          %parallel_loop3A_415 = vector.broadcast %parallel_loop3A_311 : f32 to vector<16xf32>
          %parallel_loop3A_416 = arith.mulf %parallel_loop3A_415, %parallel_loop3A_404 : vector<16xf32>
          %parallel_loop3A_417 = vector.broadcast %parallel_loop3A_313 : f32 to vector<16xf32>
          %parallel_loop3A_418 = arith.mulf %parallel_loop3A_417, %parallel_loop3A_409 : vector<16xf32>
          %parallel_loop3A_419 = arith.addf %parallel_loop3A_416, %parallel_loop3A_418 : vector<16xf32>
          %parallel_loop3A_420 = vector.broadcast %parallel_loop3A_315 : f32 to vector<16xf32>
          %parallel_loop3A_421 = arith.mulf %parallel_loop3A_420, %parallel_loop3A_414 : vector<16xf32>
          %parallel_loop3A_422 = arith.addf %parallel_loop3A_419, %parallel_loop3A_421 : vector<16xf32>
          %parallel_loop3A_423 = arith.index_cast %parallel_loop3A_303 : i32 to index
          %parallel_loop3A_424 = arith.constant 48 : index
          %parallel_loop3A_425 = tpu.vector_load %arg14[%parallel_loop3A_423, %parallel_loop3A_424] {strides = array<i32>} : memref<40x128xf32, #tpu.memory_space<vmem>>, vector<1x16xf32>,
          %parallel_loop3A_426 = vector.shape_cast %parallel_loop3A_425 : vector<1x16xf32> to vector<16xf32>
          %parallel_loop3A_427 = vector.shape_cast %parallel_loop3A_422 : vector<16xf32> to vector<1x16xf32>
          tpu.vector_store %arg14[%parallel_loop3A_423, %parallel_loop3A_424], %parallel_loop3A_427 {strides = array<i32>} : memref<40x128xf32, #tpu.memory_space<vmem>>, vector<1x16xf32>,
          %parallel_loop3A_428 = arith.index_cast %select_n3A_223 : i32 to index
          %parallel_loop3A_429 = arith.index_cast %parallel_loop3A_303 : i32 to index
          %parallel_loop3A_430 = arith.constant 64 : index
          %parallel_loop3A_431 = tpu.vector_load %arg13[%parallel_loop3A_428, %parallel_loop3A_429, %parallel_loop3A_430] {strides = array<i32>} : memref<2x40x384xf32, #tpu.memory_space<vmem>>, vector<1x1x16xf32>,
          %parallel_loop3A_432 = vector.shape_cast %parallel_loop3A_431 : vector<1x1x16xf32> to vector<16xf32>
          %parallel_loop3A_433 = arith.index_cast %select_n3A_223 : i32 to index
          %parallel_loop3A_434 = arith.index_cast %parallel_loop3A_303 : i32 to index
          %parallel_loop3A_435 = arith.constant 192 : index
          %parallel_loop3A_436 = tpu.vector_load %arg13[%parallel_loop3A_433, %parallel_loop3A_434, %parallel_loop3A_435] {strides = array<i32>} : memref<2x40x384xf32, #tpu.memory_space<vmem>>, vector<1x1x16xf32>,
          %parallel_loop3A_437 = vector.shape_cast %parallel_loop3A_436 : vector<1x1x16xf32> to vector<16xf32>
          %parallel_loop3A_438 = arith.index_cast %select_n3A_223 : i32 to index
          %parallel_loop3A_439 = arith.index_cast %parallel_loop3A_303 : i32 to index
          %parallel_loop3A_440 = arith.constant 320 : index
          %parallel_loop3A_441 = tpu.vector_load %arg13[%parallel_loop3A_438, %parallel_loop3A_439, %parallel_loop3A_440] {strides = array<i32>} : memref<2x40x384xf32, #tpu.memory_space<vmem>>, vector<1x1x16xf32>,
          %parallel_loop3A_442 = vector.shape_cast %parallel_loop3A_441 : vector<1x1x16xf32> to vector<16xf32>
          %parallel_loop3A_443 = vector.broadcast %parallel_loop3A_311 : f32 to vector<16xf32>
          %parallel_loop3A_444 = arith.mulf %parallel_loop3A_443, %parallel_loop3A_432 : vector<16xf32>
          %parallel_loop3A_445 = vector.broadcast %parallel_loop3A_313 : f32 to vector<16xf32>
          %parallel_loop3A_446 = arith.mulf %parallel_loop3A_445, %parallel_loop3A_437 : vector<16xf32>
          %parallel_loop3A_447 = arith.addf %parallel_loop3A_444, %parallel_loop3A_446 : vector<16xf32>
          %parallel_loop3A_448 = vector.broadcast %parallel_loop3A_315 : f32 to vector<16xf32>
          %parallel_loop3A_449 = arith.mulf %parallel_loop3A_448, %parallel_loop3A_442 : vector<16xf32>
          %parallel_loop3A_450 = arith.addf %parallel_loop3A_447, %parallel_loop3A_449 : vector<16xf32>
          %parallel_loop3A_451 = arith.index_cast %parallel_loop3A_303 : i32 to index
          %parallel_loop3A_452 = arith.constant 64 : index
          %parallel_loop3A_453 = tpu.vector_load %arg14[%parallel_loop3A_451, %parallel_loop3A_452] {strides = array<i32>} : memref<40x128xf32, #tpu.memory_space<vmem>>, vector<1x16xf32>,
          %parallel_loop3A_454 = vector.shape_cast %parallel_loop3A_453 : vector<1x16xf32> to vector<16xf32>
          %parallel_loop3A_455 = vector.shape_cast %parallel_loop3A_450 : vector<16xf32> to vector<1x16xf32>
          tpu.vector_store %arg14[%parallel_loop3A_451, %parallel_loop3A_452], %parallel_loop3A_455 {strides = array<i32>} : memref<40x128xf32, #tpu.memory_space<vmem>>, vector<1x16xf32>,
          %parallel_loop3A_456 = arith.index_cast %select_n3A_223 : i32 to index
          %parallel_loop3A_457 = arith.index_cast %parallel_loop3A_303 : i32 to index
          %parallel_loop3A_458 = arith.constant 80 : index
          %parallel_loop3A_459 = tpu.vector_load %arg13[%parallel_loop3A_456, %parallel_loop3A_457, %parallel_loop3A_458] {strides = array<i32>} : memref<2x40x384xf32, #tpu.memory_space<vmem>>, vector<1x1x16xf32>,
          %parallel_loop3A_460 = vector.shape_cast %parallel_loop3A_459 : vector<1x1x16xf32> to vector<16xf32>
          %parallel_loop3A_461 = arith.index_cast %select_n3A_223 : i32 to index
          %parallel_loop3A_462 = arith.index_cast %parallel_loop3A_303 : i32 to index
          %parallel_loop3A_463 = arith.constant 208 : index
          %parallel_loop3A_464 = tpu.vector_load %arg13[%parallel_loop3A_461, %parallel_loop3A_462, %parallel_loop3A_463] {strides = array<i32>} : memref<2x40x384xf32, #tpu.memory_space<vmem>>, vector<1x1x16xf32>,
          %parallel_loop3A_465 = vector.shape_cast %parallel_loop3A_464 : vector<1x1x16xf32> to vector<16xf32>
          %parallel_loop3A_466 = arith.index_cast %select_n3A_223 : i32 to index
          %parallel_loop3A_467 = arith.index_cast %parallel_loop3A_303 : i32 to index
          %parallel_loop3A_468 = arith.constant 336 : index
          %parallel_loop3A_469 = tpu.vector_load %arg13[%parallel_loop3A_466, %parallel_loop3A_467, %parallel_loop3A_468] {strides = array<i32>} : memref<2x40x384xf32, #tpu.memory_space<vmem>>, vector<1x1x16xf32>,
          %parallel_loop3A_470 = vector.shape_cast %parallel_loop3A_469 : vector<1x1x16xf32> to vector<16xf32>
          %parallel_loop3A_471 = vector.broadcast %parallel_loop3A_311 : f32 to vector<16xf32>
          %parallel_loop3A_472 = arith.mulf %parallel_loop3A_471, %parallel_loop3A_460 : vector<16xf32>
          %parallel_loop3A_473 = vector.broadcast %parallel_loop3A_313 : f32 to vector<16xf32>
          %parallel_loop3A_474 = arith.mulf %parallel_loop3A_473, %parallel_loop3A_465 : vector<16xf32>
          %parallel_loop3A_475 = arith.addf %parallel_loop3A_472, %parallel_loop3A_474 : vector<16xf32>
          %parallel_loop3A_476 = vector.broadcast %parallel_loop3A_315 : f32 to vector<16xf32>
          %parallel_loop3A_477 = arith.mulf %parallel_loop3A_476, %parallel_loop3A_470 : vector<16xf32>
          %parallel_loop3A_478 = arith.addf %parallel_loop3A_475, %parallel_loop3A_477 : vector<16xf32>
          %parallel_loop3A_479 = arith.index_cast %parallel_loop3A_303 : i32 to index
          %parallel_loop3A_480 = arith.constant 80 : index
          %parallel_loop3A_481 = tpu.vector_load %arg14[%parallel_loop3A_479, %parallel_loop3A_480] {strides = array<i32>} : memref<40x128xf32, #tpu.memory_space<vmem>>, vector<1x16xf32>,
          %parallel_loop3A_482 = vector.shape_cast %parallel_loop3A_481 : vector<1x16xf32> to vector<16xf32>
          %parallel_loop3A_483 = vector.shape_cast %parallel_loop3A_478 : vector<16xf32> to vector<1x16xf32>
          tpu.vector_store %arg14[%parallel_loop3A_479, %parallel_loop3A_480], %parallel_loop3A_483 {strides = array<i32>} : memref<40x128xf32, #tpu.memory_space<vmem>>, vector<1x16xf32>,
          %parallel_loop3A_484 = arith.index_cast %select_n3A_223 : i32 to index
          %parallel_loop3A_485 = arith.index_cast %parallel_loop3A_303 : i32 to index
          %parallel_loop3A_486 = arith.constant 96 : index
          %parallel_loop3A_487 = tpu.vector_load %arg13[%parallel_loop3A_484, %parallel_loop3A_485, %parallel_loop3A_486] {strides = array<i32>} : memref<2x40x384xf32, #tpu.memory_space<vmem>>, vector<1x1x16xf32>,
          %parallel_loop3A_488 = vector.shape_cast %parallel_loop3A_487 : vector<1x1x16xf32> to vector<16xf32>
          %parallel_loop3A_489 = arith.index_cast %select_n3A_223 : i32 to index
          %parallel_loop3A_490 = arith.index_cast %parallel_loop3A_303 : i32 to index
          %parallel_loop3A_491 = arith.constant 224 : index
          %parallel_loop3A_492 = tpu.vector_load %arg13[%parallel_loop3A_489, %parallel_loop3A_490, %parallel_loop3A_491] {strides = array<i32>} : memref<2x40x384xf32, #tpu.memory_space<vmem>>, vector<1x1x16xf32>,
          %parallel_loop3A_493 = vector.shape_cast %parallel_loop3A_492 : vector<1x1x16xf32> to vector<16xf32>
          %parallel_loop3A_494 = arith.index_cast %select_n3A_223 : i32 to index
          %parallel_loop3A_495 = arith.index_cast %parallel_loop3A_303 : i32 to index
          %parallel_loop3A_496 = arith.constant 352 : index
          %parallel_loop3A_497 = tpu.vector_load %arg13[%parallel_loop3A_494, %parallel_loop3A_495, %parallel_loop3A_496] {strides = array<i32>} : memref<2x40x384xf32, #tpu.memory_space<vmem>>, vector<1x1x16xf32>,
          %parallel_loop3A_498 = vector.shape_cast %parallel_loop3A_497 : vector<1x1x16xf32> to vector<16xf32>
          %parallel_loop3A_499 = vector.broadcast %parallel_loop3A_311 : f32 to vector<16xf32>
          %parallel_loop3A_500 = arith.mulf %parallel_loop3A_499, %parallel_loop3A_488 : vector<16xf32>
          %parallel_loop3A_501 = vector.broadcast %parallel_loop3A_313 : f32 to vector<16xf32>
          %parallel_loop3A_502 = arith.mulf %parallel_loop3A_501, %parallel_loop3A_493 : vector<16xf32>
          %parallel_loop3A_503 = arith.addf %parallel_loop3A_500, %parallel_loop3A_502 : vector<16xf32>
          %parallel_loop3A_504 = vector.broadcast %parallel_loop3A_315 : f32 to vector<16xf32>
          %parallel_loop3A_505 = arith.mulf %parallel_loop3A_504, %parallel_loop3A_498 : vector<16xf32>
          %parallel_loop3A_506 = arith.addf %parallel_loop3A_503, %parallel_loop3A_505 : vector<16xf32>
          %parallel_loop3A_507 = arith.index_cast %parallel_loop3A_303 : i32 to index
          %parallel_loop3A_508 = arith.constant 96 : index
          %parallel_loop3A_509 = tpu.vector_load %arg14[%parallel_loop3A_507, %parallel_loop3A_508] {strides = array<i32>} : memref<40x128xf32, #tpu.memory_space<vmem>>, vector<1x16xf32>,
          %parallel_loop3A_510 = vector.shape_cast %parallel_loop3A_509 : vector<1x16xf32> to vector<16xf32>
          %parallel_loop3A_511 = vector.shape_cast %parallel_loop3A_506 : vector<16xf32> to vector<1x16xf32>
          tpu.vector_store %arg14[%parallel_loop3A_507, %parallel_loop3A_508], %parallel_loop3A_511 {strides = array<i32>} : memref<40x128xf32, #tpu.memory_space<vmem>>, vector<1x16xf32>,
          %parallel_loop3A_512 = arith.index_cast %select_n3A_223 : i32 to index
          %parallel_loop3A_513 = arith.index_cast %parallel_loop3A_303 : i32 to index
          %parallel_loop3A_514 = arith.constant 112 : index
          %parallel_loop3A_515 = tpu.vector_load %arg13[%parallel_loop3A_512, %parallel_loop3A_513, %parallel_loop3A_514] {strides = array<i32>} : memref<2x40x384xf32, #tpu.memory_space<vmem>>, vector<1x1x16xf32>,
          %parallel_loop3A_516 = vector.shape_cast %parallel_loop3A_515 : vector<1x1x16xf32> to vector<16xf32>
          %parallel_loop3A_517 = arith.index_cast %select_n3A_223 : i32 to index
          %parallel_loop3A_518 = arith.index_cast %parallel_loop3A_303 : i32 to index
          %parallel_loop3A_519 = arith.constant 240 : index
          %parallel_loop3A_520 = tpu.vector_load %arg13[%parallel_loop3A_517, %parallel_loop3A_518, %parallel_loop3A_519] {strides = array<i32>} : memref<2x40x384xf32, #tpu.memory_space<vmem>>, vector<1x1x16xf32>,
          %parallel_loop3A_521 = vector.shape_cast %parallel_loop3A_520 : vector<1x1x16xf32> to vector<16xf32>
          %parallel_loop3A_522 = arith.index_cast %select_n3A_223 : i32 to index
          %parallel_loop3A_523 = arith.index_cast %parallel_loop3A_303 : i32 to index
          %parallel_loop3A_524 = arith.constant 368 : index
          %parallel_loop3A_525 = tpu.vector_load %arg13[%parallel_loop3A_522, %parallel_loop3A_523, %parallel_loop3A_524] {strides = array<i32>} : memref<2x40x384xf32, #tpu.memory_space<vmem>>, vector<1x1x16xf32>,
          %parallel_loop3A_526 = vector.shape_cast %parallel_loop3A_525 : vector<1x1x16xf32> to vector<16xf32>
          %parallel_loop3A_527 = vector.broadcast %parallel_loop3A_311 : f32 to vector<16xf32>
          %parallel_loop3A_528 = arith.mulf %parallel_loop3A_527, %parallel_loop3A_516 : vector<16xf32>
          %parallel_loop3A_529 = vector.broadcast %parallel_loop3A_313 : f32 to vector<16xf32>
          %parallel_loop3A_530 = arith.mulf %parallel_loop3A_529, %parallel_loop3A_521 : vector<16xf32>
          %parallel_loop3A_531 = arith.addf %parallel_loop3A_528, %parallel_loop3A_530 : vector<16xf32>
          %parallel_loop3A_532 = vector.broadcast %parallel_loop3A_315 : f32 to vector<16xf32>
          %parallel_loop3A_533 = arith.mulf %parallel_loop3A_532, %parallel_loop3A_526 : vector<16xf32>
          %parallel_loop3A_534 = arith.addf %parallel_loop3A_531, %parallel_loop3A_533 : vector<16xf32>
          %parallel_loop3A_535 = arith.index_cast %parallel_loop3A_303 : i32 to index
          %parallel_loop3A_536 = arith.constant 112 : index
          %parallel_loop3A_537 = tpu.vector_load %arg14[%parallel_loop3A_535, %parallel_loop3A_536] {strides = array<i32>} : memref<40x128xf32, #tpu.memory_space<vmem>>, vector<1x16xf32>,
          %parallel_loop3A_538 = vector.shape_cast %parallel_loop3A_537 : vector<1x16xf32> to vector<16xf32>
          %parallel_loop3A_539 = vector.shape_cast %parallel_loop3A_534 : vector<16xf32> to vector<1x16xf32>
          tpu.vector_store %arg14[%parallel_loop3A_535, %parallel_loop3A_536], %parallel_loop3A_539 {strides = array<i32>} : memref<40x128xf32, #tpu.memory_space<vmem>>, vector<1x16xf32>,
        } {sc.loop_unroll_factor = 8 : i64, sc.parallel_access}
        %jit3A_287 = arith.constant 2 : i32
        %eq3A_288 = arith.constant 0 : i32
        %eq3A_289 = arith.cmpi eq, %jit3A_287, %eq3A_288 : i32
        %jit3A_290 = arith.constant 1 : i32
        %select_n3A_291 = arith.select %eq3A_289, %jit3A_290, %jit3A_287 : i32
        %rem3A_292 = arith.remsi %sub3A_207, %select_n3A_291 : i32
        %ne3A_293 = arith.constant 0 : i32
        %ne3A_294 = arith.cmpi ne, %rem3A_292, %ne3A_293 : i32
        %lt3A_295 = arith.constant 0 : i32
        %lt3A_296 = arith.cmpi slt, %rem3A_292, %lt3A_295 : i32
        %lt3A_297 = arith.constant 0 : i32
        %lt3A_298 = arith.cmpi slt, %select_n3A_291, %lt3A_297 : i32
        %ne3A_299 = arith.xori %lt3A_296, %lt3A_298 : i1
        %and3A_300 = arith.andi %ne3A_299, %ne3A_294 : i1
        %add3A_301 = arith.addi %rem3A_292, %select_n3A_291 : i32
        %select_n3A_302 = arith.select %and3A_300, %add3A_301, %rem3A_292 : i32
        "tpu.region"() ({
          %run_scoped3A = tpu.sem_alloc : memref<!tpu.dma_semaphore, #tpu.memory_space<semaphore_mem>>
          %dma_start3A = arith.constant 0 : i32
          %dma_start3A_303 = tpu.memref_slice %arg10[%select_n3A_261, %select_n3A_302, %dma_start3A] : memref<3x2x40xi32, #tpu.memory_space<vmem>> -> memref<1x1x40xi32, #tpu.memory_space<vmem>>
          %dma_start3A_304 = tpu.memref_squeeze %dma_start3A_303 : memref<1x1x40xi32, #tpu.memory_space<vmem>> -> memref<40xi32, #tpu.memory_space<vmem>>
          %dma_start3A_305 = arith.constant 0 : i32
          %dma_start3A_306 = arith.constant 0 : i32
          %dma_start3A_307 = tpu.memref_slice %arg18[%dma_start3A_305, %dma_start3A_306] : memref<10000x128xf32, #tpu.memory_space<vmem_shared>> -> memref<10000x128xf32, #tpu.memory_space<vmem_shared>>
          tpu.enqueue_indirect_dma source(%arg14 : memref<40x128xf32, #tpu.memory_space<vmem>>) target(%dma_start3A_307 : memref<10000x128xf32, #tpu.memory_space<vmem_shared>>) offsets(%dma_start3A_304 : memref<40xi32, #tpu.memory_space<vmem>>) semaphore(%run_scoped3A : memref<!tpu.dma_semaphore, #tpu.memory_space<semaphore_mem>>) {add = true}
          %dma_wait3A = arith.constant 0 : i32
          %dma_wait3A_308 = tpu.memref_slice %arg10[%select_n3A_261, %select_n3A_302, %dma_wait3A] : memref<3x2x40xi32, #tpu.memory_space<vmem>> -> memref<1x1x40xi32, #tpu.memory_space<vmem>>
          %dma_wait3A_309 = tpu.memref_squeeze %dma_wait3A_308 : memref<1x1x40xi32, #tpu.memory_space<vmem>> -> memref<40xi32, #tpu.memory_space<vmem>>
          %dma_wait3A_310 = arith.constant 0 : i32
          %dma_wait3A_311 = arith.constant 0 : i32
          %dma_wait3A_312 = tpu.memref_slice %arg18[%dma_wait3A_310, %dma_wait3A_311] : memref<10000x128xf32, #tpu.memory_space<vmem_shared>> -> memref<10000x128xf32, #tpu.memory_space<vmem_shared>>
          tpu.wait_indirect_dma semaphore(%run_scoped3A : memref<!tpu.dma_semaphore, #tpu.memory_space<semaphore_mem>>) src(%arg14 : memref<40x128xf32, #tpu.memory_space<vmem>>) dst(%dma_wait3A_312 : memref<10000x128xf32, #tpu.memory_space<vmem_shared>>)
          tpu.yield
        }) : () -> ()
      } else {
      }
    }
    %scan3A_114 = arith.constant 253 : i32
    %barrier3A_115 = arith.constant 0 : index
    tpu.barrier barrier_id(%barrier3A_115)
    %broadcast_in_dim3A_116 = arith.constant 0.000000e+00 : f32
    %broadcast_in_dim3A_117 = vector.broadcast %broadcast_in_dim3A_116 : f32 to vector<16xf32>
    %broadcast_in_dim3A_118 = arith.constant 0.000000e+00 : f32
    %broadcast_in_dim3A_119 = vector.broadcast %broadcast_in_dim3A_118 : f32 to vector<16xf32>
    %broadcast_in_dim3A_120 = arith.constant 0.000000e+00 : f32
    %broadcast_in_dim3A_121 = vector.broadcast %broadcast_in_dim3A_120 : f32 to vector<16xf32>
    %broadcast_in_dim3A_122 = arith.constant 0.000000e+00 : f32
    %broadcast_in_dim3A_123 = vector.broadcast %broadcast_in_dim3A_122 : f32 to vector<16xf32>
    %broadcast_in_dim3A_124 = arith.constant 0.000000e+00 : f32
    %broadcast_in_dim3A_125 = vector.broadcast %broadcast_in_dim3A_124 : f32 to vector<16xf32>
    %broadcast_in_dim3A_126 = arith.constant 0.000000e+00 : f32
    %broadcast_in_dim3A_127 = vector.broadcast %broadcast_in_dim3A_126 : f32 to vector<16xf32>
    %broadcast_in_dim3A_128 = arith.constant 0.000000e+00 : f32
    %broadcast_in_dim3A_129 = vector.broadcast %broadcast_in_dim3A_128 : f32 to vector<16xf32>
    %broadcast_in_dim3A_130 = arith.constant 0.000000e+00 : f32
    %broadcast_in_dim3A_131 = vector.broadcast %broadcast_in_dim3A_130 : f32 to vector<16xf32>
    %scan3A_132 = arith.constant 0 : i32
    %scan3A_133 = arith.constant 25 : i32
    %scan3A_134 = arith.addi %scan3A_132, %scan3A_133 : i32
    %scan3A_135 = arith.constant 1 : i32
    %scan3A_136:8 = scf.for %scan3A_151 = %scan3A_132 to %scan3A_134 step %scan3A_135 iter_args(%scan3A_152 = %broadcast_in_dim3A_117, %scan3A_153 = %broadcast_in_dim3A_119, %scan3A_154 = %broadcast_in_dim3A_121, %scan3A_155 = %broadcast_in_dim3A_123, %scan3A_156 = %broadcast_in_dim3A_125, %scan3A_157 = %broadcast_in_dim3A_127, %scan3A_158 = %broadcast_in_dim3A_129, %scan3A_159 = %broadcast_in_dim3A_131) -> (vector<16xf32>, vector<16xf32>, vector<16xf32>, vector<16xf32>, vector<16xf32>, vector<16xf32>, vector<16xf32>, vector<16xf32>)  : i32 {
      %mul3A_160 = arith.constant 625 : i32
      %mul3A_161 = arith.muli %arg1, %mul3A_160 : i32
      %mul3A_162 = arith.constant 25 : i32
      %mul3A_163 = arith.muli %scan3A_151, %mul3A_162 : i32
      %add3A_164 = arith.addi %mul3A_161, %mul3A_163 : i32
      "tpu.region"() ({
        %run_scoped3A = tpu.sem_alloc : memref<!tpu.dma_semaphore, #tpu.memory_space<semaphore_mem>>
        %dma_start3A = arith.constant 0 : i32
        %dma_start3A_168 = tpu.memref_slice %arg18[%add3A_164, %dma_start3A] : memref<10000x128xf32, #tpu.memory_space<vmem_shared>> -> memref<25x128xf32, #tpu.memory_space<vmem_shared>>
        %dma_start3A_169 = arith.constant 0 : i32
        %dma_start3A_170 = tpu.memref_slice %arg18[%add3A_164, %dma_start3A_169] : memref<10000x128xf32, #tpu.memory_space<vmem_shared>> -> memref<25x128xf32, #tpu.memory_space<vmem_shared>>
        tpu.enqueue_dma source(%dma_start3A_170 : memref<25x128xf32, #tpu.memory_space<vmem_shared>>) target(%arg15 : memref<25x128xf32, #tpu.memory_space<vmem>>) target_semaphore(%run_scoped3A : memref<!tpu.dma_semaphore, #tpu.memory_space<semaphore_mem>>)
        %dma_wait3A = arith.constant 0 : i32
        %dma_wait3A_171 = tpu.memref_slice %arg18[%add3A_164, %dma_wait3A] : memref<10000x128xf32, #tpu.memory_space<vmem_shared>> -> memref<25x128xf32, #tpu.memory_space<vmem_shared>>
        %dma_wait3A_172 = arith.constant 0 : i32
        %dma_wait3A_173 = tpu.memref_slice %arg18[%add3A_164, %dma_wait3A_172] : memref<10000x128xf32, #tpu.memory_space<vmem_shared>> -> memref<25x128xf32, #tpu.memory_space<vmem_shared>>
        tpu.wait_dma2 semaphore(%run_scoped3A : memref<!tpu.dma_semaphore, #tpu.memory_space<semaphore_mem>>) src(%dma_wait3A_173 : memref<25x128xf32, #tpu.memory_space<vmem_shared>>) dst(%arg15 : memref<25x128xf32, #tpu.memory_space<vmem>>)
        tpu.yield
      }) : () -> ()
      %parallel_loop3A = arith.constant 0 : i32
      %parallel_loop3A_165 = arith.constant 25 : i32
      %parallel_loop3A_166 = arith.constant 1 : i32
      %parallel_loop3A_167:8 = scf.for %parallel_loop3A_168 = %parallel_loop3A to %parallel_loop3A_165 step %parallel_loop3A_166 iter_args(%parallel_loop3A_169 = %scan3A_152, %parallel_loop3A_170 = %scan3A_153, %parallel_loop3A_171 = %scan3A_154, %parallel_loop3A_172 = %scan3A_155, %parallel_loop3A_173 = %scan3A_156, %parallel_loop3A_174 = %scan3A_157, %parallel_loop3A_175 = %scan3A_158, %parallel_loop3A_176 = %scan3A_159) -> (vector<16xf32>, vector<16xf32>, vector<16xf32>, vector<16xf32>, vector<16xf32>, vector<16xf32>, vector<16xf32>, vector<16xf32>)  : i32 {
        %parallel_loop3A_177 = arith.index_cast %parallel_loop3A_168 : i32 to index
        %parallel_loop3A_178 = arith.constant 0 : index
        %parallel_loop3A_179 = tpu.vector_load %arg15[%parallel_loop3A_177, %parallel_loop3A_178] {strides = array<i32>} : memref<25x128xf32, #tpu.memory_space<vmem>>, vector<1x16xf32>,
        %parallel_loop3A_180 = vector.shape_cast %parallel_loop3A_179 : vector<1x16xf32> to vector<16xf32>
        %parallel_loop3A_181 = arith.constant 0 : index
        %parallel_loop3A_182 = tpu.vector_load %arg16[%parallel_loop3A_181] {strides = array<i32>} : memref<128xf32, #tpu.memory_space<vmem>>, vector<16xf32>,
        %parallel_loop3A_183 = vector.shape_cast %parallel_loop3A_182 : vector<16xf32> to vector<16xf32>
        %parallel_loop3A_184 = arith.addf %parallel_loop3A_180, %parallel_loop3A_183 : vector<16xf32>
        %parallel_loop3A_185 = arith.constant 2.000000e+00 : f32
        %parallel_loop3A_186 = vector.broadcast %parallel_loop3A_185 : f32 to vector<16xf32>
        %parallel_loop3A_187 = arith.mulf %parallel_loop3A_186, %parallel_loop3A_184 : vector<16xf32>
        %parallel_loop3A_188 = math.exp %parallel_loop3A_187 : vector<16xf32>
        %parallel_loop3A_189 = arith.constant 1.000000e+00 : f32
        %parallel_loop3A_190 = vector.broadcast %parallel_loop3A_189 : f32 to vector<16xf32>
        %parallel_loop3A_191 = arith.addf %parallel_loop3A_188, %parallel_loop3A_190 : vector<16xf32>
        %parallel_loop3A_192 = arith.constant 2.000000e+00 : f32
        %parallel_loop3A_193 = vector.broadcast %parallel_loop3A_192 : f32 to vector<16xf32>
        %parallel_loop3A_194 = arith.divf %parallel_loop3A_193, %parallel_loop3A_191 : vector<16xf32>
        %parallel_loop3A_195 = arith.constant 1.000000e+00 : f32
        %parallel_loop3A_196 = vector.broadcast %parallel_loop3A_195 : f32 to vector<16xf32>
        %parallel_loop3A_197 = arith.subf %parallel_loop3A_196, %parallel_loop3A_194 : vector<16xf32>
        %parallel_loop3A_198 = arith.addf %parallel_loop3A_169, %parallel_loop3A_197 : vector<16xf32>
        %parallel_loop3A_199 = arith.index_cast %parallel_loop3A_168 : i32 to index
        %parallel_loop3A_200 = arith.constant 16 : index
        %parallel_loop3A_201 = tpu.vector_load %arg15[%parallel_loop3A_199, %parallel_loop3A_200] {strides = array<i32>} : memref<25x128xf32, #tpu.memory_space<vmem>>, vector<1x16xf32>,
        %parallel_loop3A_202 = vector.shape_cast %parallel_loop3A_201 : vector<1x16xf32> to vector<16xf32>
        %parallel_loop3A_203 = arith.constant 16 : index
        %parallel_loop3A_204 = tpu.vector_load %arg16[%parallel_loop3A_203] {strides = array<i32>} : memref<128xf32, #tpu.memory_space<vmem>>, vector<16xf32>,
        %parallel_loop3A_205 = vector.shape_cast %parallel_loop3A_204 : vector<16xf32> to vector<16xf32>
        %parallel_loop3A_206 = arith.addf %parallel_loop3A_202, %parallel_loop3A_205 : vector<16xf32>
        %parallel_loop3A_207 = arith.constant 2.000000e+00 : f32
        %parallel_loop3A_208 = vector.broadcast %parallel_loop3A_207 : f32 to vector<16xf32>
        %parallel_loop3A_209 = arith.mulf %parallel_loop3A_208, %parallel_loop3A_206 : vector<16xf32>
        %parallel_loop3A_210 = math.exp %parallel_loop3A_209 : vector<16xf32>
        %parallel_loop3A_211 = arith.constant 1.000000e+00 : f32
        %parallel_loop3A_212 = vector.broadcast %parallel_loop3A_211 : f32 to vector<16xf32>
        %parallel_loop3A_213 = arith.addf %parallel_loop3A_210, %parallel_loop3A_212 : vector<16xf32>
        %parallel_loop3A_214 = arith.constant 2.000000e+00 : f32
        %parallel_loop3A_215 = vector.broadcast %parallel_loop3A_214 : f32 to vector<16xf32>
        %parallel_loop3A_216 = arith.divf %parallel_loop3A_215, %parallel_loop3A_213 : vector<16xf32>
        %parallel_loop3A_217 = arith.constant 1.000000e+00 : f32
        %parallel_loop3A_218 = vector.broadcast %parallel_loop3A_217 : f32 to vector<16xf32>
        %parallel_loop3A_219 = arith.subf %parallel_loop3A_218, %parallel_loop3A_216 : vector<16xf32>
        %parallel_loop3A_220 = arith.addf %parallel_loop3A_170, %parallel_loop3A_219 : vector<16xf32>
        %parallel_loop3A_221 = arith.index_cast %parallel_loop3A_168 : i32 to index
        %parallel_loop3A_222 = arith.constant 32 : index
        %parallel_loop3A_223 = tpu.vector_load %arg15[%parallel_loop3A_221, %parallel_loop3A_222] {strides = array<i32>} : memref<25x128xf32, #tpu.memory_space<vmem>>, vector<1x16xf32>,
        %parallel_loop3A_224 = vector.shape_cast %parallel_loop3A_223 : vector<1x16xf32> to vector<16xf32>
        %parallel_loop3A_225 = arith.constant 32 : index
        %parallel_loop3A_226 = tpu.vector_load %arg16[%parallel_loop3A_225] {strides = array<i32>} : memref<128xf32, #tpu.memory_space<vmem>>, vector<16xf32>,
        %parallel_loop3A_227 = vector.shape_cast %parallel_loop3A_226 : vector<16xf32> to vector<16xf32>
        %parallel_loop3A_228 = arith.addf %parallel_loop3A_224, %parallel_loop3A_227 : vector<16xf32>
        %parallel_loop3A_229 = arith.constant 2.000000e+00 : f32
        %parallel_loop3A_230 = vector.broadcast %parallel_loop3A_229 : f32 to vector<16xf32>
        %parallel_loop3A_231 = arith.mulf %parallel_loop3A_230, %parallel_loop3A_228 : vector<16xf32>
        %parallel_loop3A_232 = math.exp %parallel_loop3A_231 : vector<16xf32>
        %parallel_loop3A_233 = arith.constant 1.000000e+00 : f32
        %parallel_loop3A_234 = vector.broadcast %parallel_loop3A_233 : f32 to vector<16xf32>
        %parallel_loop3A_235 = arith.addf %parallel_loop3A_232, %parallel_loop3A_234 : vector<16xf32>
        %parallel_loop3A_236 = arith.constant 2.000000e+00 : f32
        %parallel_loop3A_237 = vector.broadcast %parallel_loop3A_236 : f32 to vector<16xf32>
        %parallel_loop3A_238 = arith.divf %parallel_loop3A_237, %parallel_loop3A_235 : vector<16xf32>
        %parallel_loop3A_239 = arith.constant 1.000000e+00 : f32
        %parallel_loop3A_240 = vector.broadcast %parallel_loop3A_239 : f32 to vector<16xf32>
        %parallel_loop3A_241 = arith.subf %parallel_loop3A_240, %parallel_loop3A_238 : vector<16xf32>
        %parallel_loop3A_242 = arith.addf %parallel_loop3A_171, %parallel_loop3A_241 : vector<16xf32>
        %parallel_loop3A_243 = arith.index_cast %parallel_loop3A_168 : i32 to index
        %parallel_loop3A_244 = arith.constant 48 : index
        %parallel_loop3A_245 = tpu.vector_load %arg15[%parallel_loop3A_243, %parallel_loop3A_244] {strides = array<i32>} : memref<25x128xf32, #tpu.memory_space<vmem>>, vector<1x16xf32>,
        %parallel_loop3A_246 = vector.shape_cast %parallel_loop3A_245 : vector<1x16xf32> to vector<16xf32>
        %parallel_loop3A_247 = arith.constant 48 : index
        %parallel_loop3A_248 = tpu.vector_load %arg16[%parallel_loop3A_247] {strides = array<i32>} : memref<128xf32, #tpu.memory_space<vmem>>, vector<16xf32>,
        %parallel_loop3A_249 = vector.shape_cast %parallel_loop3A_248 : vector<16xf32> to vector<16xf32>
        %parallel_loop3A_250 = arith.addf %parallel_loop3A_246, %parallel_loop3A_249 : vector<16xf32>
        %parallel_loop3A_251 = arith.constant 2.000000e+00 : f32
        %parallel_loop3A_252 = vector.broadcast %parallel_loop3A_251 : f32 to vector<16xf32>
        %parallel_loop3A_253 = arith.mulf %parallel_loop3A_252, %parallel_loop3A_250 : vector<16xf32>
        %parallel_loop3A_254 = math.exp %parallel_loop3A_253 : vector<16xf32>
        %parallel_loop3A_255 = arith.constant 1.000000e+00 : f32
        %parallel_loop3A_256 = vector.broadcast %parallel_loop3A_255 : f32 to vector<16xf32>
        %parallel_loop3A_257 = arith.addf %parallel_loop3A_254, %parallel_loop3A_256 : vector<16xf32>
        %parallel_loop3A_258 = arith.constant 2.000000e+00 : f32
        %parallel_loop3A_259 = vector.broadcast %parallel_loop3A_258 : f32 to vector<16xf32>
        %parallel_loop3A_260 = arith.divf %parallel_loop3A_259, %parallel_loop3A_257 : vector<16xf32>
        %parallel_loop3A_261 = arith.constant 1.000000e+00 : f32
        %parallel_loop3A_262 = vector.broadcast %parallel_loop3A_261 : f32 to vector<16xf32>
        %parallel_loop3A_263 = arith.subf %parallel_loop3A_262, %parallel_loop3A_260 : vector<16xf32>
        %parallel_loop3A_264 = arith.addf %parallel_loop3A_172, %parallel_loop3A_263 : vector<16xf32>
        %parallel_loop3A_265 = arith.index_cast %parallel_loop3A_168 : i32 to index
        %parallel_loop3A_266 = arith.constant 64 : index
        %parallel_loop3A_267 = tpu.vector_load %arg15[%parallel_loop3A_265, %parallel_loop3A_266] {strides = array<i32>} : memref<25x128xf32, #tpu.memory_space<vmem>>, vector<1x16xf32>,
        %parallel_loop3A_268 = vector.shape_cast %parallel_loop3A_267 : vector<1x16xf32> to vector<16xf32>
        %parallel_loop3A_269 = arith.constant 64 : index
        %parallel_loop3A_270 = tpu.vector_load %arg16[%parallel_loop3A_269] {strides = array<i32>} : memref<128xf32, #tpu.memory_space<vmem>>, vector<16xf32>,
        %parallel_loop3A_271 = vector.shape_cast %parallel_loop3A_270 : vector<16xf32> to vector<16xf32>
        %parallel_loop3A_272 = arith.addf %parallel_loop3A_268, %parallel_loop3A_271 : vector<16xf32>
        %parallel_loop3A_273 = arith.constant 2.000000e+00 : f32
        %parallel_loop3A_274 = vector.broadcast %parallel_loop3A_273 : f32 to vector<16xf32>
        %parallel_loop3A_275 = arith.mulf %parallel_loop3A_274, %parallel_loop3A_272 : vector<16xf32>
        %parallel_loop3A_276 = math.exp %parallel_loop3A_275 : vector<16xf32>
        %parallel_loop3A_277 = arith.constant 1.000000e+00 : f32
        %parallel_loop3A_278 = vector.broadcast %parallel_loop3A_277 : f32 to vector<16xf32>
        %parallel_loop3A_279 = arith.addf %parallel_loop3A_276, %parallel_loop3A_278 : vector<16xf32>
        %parallel_loop3A_280 = arith.constant 2.000000e+00 : f32
        %parallel_loop3A_281 = vector.broadcast %parallel_loop3A_280 : f32 to vector<16xf32>
        %parallel_loop3A_282 = arith.divf %parallel_loop3A_281, %parallel_loop3A_279 : vector<16xf32>
        %parallel_loop3A_283 = arith.constant 1.000000e+00 : f32
        %parallel_loop3A_284 = vector.broadcast %parallel_loop3A_283 : f32 to vector<16xf32>
        %parallel_loop3A_285 = arith.subf %parallel_loop3A_284, %parallel_loop3A_282 : vector<16xf32>
        %parallel_loop3A_286 = arith.addf %parallel_loop3A_173, %parallel_loop3A_285 : vector<16xf32>
        %parallel_loop3A_287 = arith.index_cast %parallel_loop3A_168 : i32 to index
        %parallel_loop3A_288 = arith.constant 80 : index
        %parallel_loop3A_289 = tpu.vector_load %arg15[%parallel_loop3A_287, %parallel_loop3A_288] {strides = array<i32>} : memref<25x128xf32, #tpu.memory_space<vmem>>, vector<1x16xf32>,
        %parallel_loop3A_290 = vector.shape_cast %parallel_loop3A_289 : vector<1x16xf32> to vector<16xf32>
        %parallel_loop3A_291 = arith.constant 80 : index
        %parallel_loop3A_292 = tpu.vector_load %arg16[%parallel_loop3A_291] {strides = array<i32>} : memref<128xf32, #tpu.memory_space<vmem>>, vector<16xf32>,
        %parallel_loop3A_293 = vector.shape_cast %parallel_loop3A_292 : vector<16xf32> to vector<16xf32>
        %parallel_loop3A_294 = arith.addf %parallel_loop3A_290, %parallel_loop3A_293 : vector<16xf32>
        %parallel_loop3A_295 = arith.constant 2.000000e+00 : f32
        %parallel_loop3A_296 = vector.broadcast %parallel_loop3A_295 : f32 to vector<16xf32>
        %parallel_loop3A_297 = arith.mulf %parallel_loop3A_296, %parallel_loop3A_294 : vector<16xf32>
        %parallel_loop3A_298 = math.exp %parallel_loop3A_297 : vector<16xf32>
        %parallel_loop3A_299 = arith.constant 1.000000e+00 : f32
        %parallel_loop3A_300 = vector.broadcast %parallel_loop3A_299 : f32 to vector<16xf32>
        %parallel_loop3A_301 = arith.addf %parallel_loop3A_298, %parallel_loop3A_300 : vector<16xf32>
        %parallel_loop3A_302 = arith.constant 2.000000e+00 : f32
        %parallel_loop3A_303 = vector.broadcast %parallel_loop3A_302 : f32 to vector<16xf32>
        %parallel_loop3A_304 = arith.divf %parallel_loop3A_303, %parallel_loop3A_301 : vector<16xf32>
        %parallel_loop3A_305 = arith.constant 1.000000e+00 : f32
        %parallel_loop3A_306 = vector.broadcast %parallel_loop3A_305 : f32 to vector<16xf32>
        %parallel_loop3A_307 = arith.subf %parallel_loop3A_306, %parallel_loop3A_304 : vector<16xf32>
        %parallel_loop3A_308 = arith.addf %parallel_loop3A_174, %parallel_loop3A_307 : vector<16xf32>
        %parallel_loop3A_309 = arith.index_cast %parallel_loop3A_168 : i32 to index
        %parallel_loop3A_310 = arith.constant 96 : index
        %parallel_loop3A_311 = tpu.vector_load %arg15[%parallel_loop3A_309, %parallel_loop3A_310] {strides = array<i32>} : memref<25x128xf32, #tpu.memory_space<vmem>>, vector<1x16xf32>,
        %parallel_loop3A_312 = vector.shape_cast %parallel_loop3A_311 : vector<1x16xf32> to vector<16xf32>
        %parallel_loop3A_313 = arith.constant 96 : index
        %parallel_loop3A_314 = tpu.vector_load %arg16[%parallel_loop3A_313] {strides = array<i32>} : memref<128xf32, #tpu.memory_space<vmem>>, vector<16xf32>,
        %parallel_loop3A_315 = vector.shape_cast %parallel_loop3A_314 : vector<16xf32> to vector<16xf32>
        %parallel_loop3A_316 = arith.addf %parallel_loop3A_312, %parallel_loop3A_315 : vector<16xf32>
        %parallel_loop3A_317 = arith.constant 2.000000e+00 : f32
        %parallel_loop3A_318 = vector.broadcast %parallel_loop3A_317 : f32 to vector<16xf32>
        %parallel_loop3A_319 = arith.mulf %parallel_loop3A_318, %parallel_loop3A_316 : vector<16xf32>
        %parallel_loop3A_320 = math.exp %parallel_loop3A_319 : vector<16xf32>
        %parallel_loop3A_321 = arith.constant 1.000000e+00 : f32
        %parallel_loop3A_322 = vector.broadcast %parallel_loop3A_321 : f32 to vector<16xf32>
        %parallel_loop3A_323 = arith.addf %parallel_loop3A_320, %parallel_loop3A_322 : vector<16xf32>
        %parallel_loop3A_324 = arith.constant 2.000000e+00 : f32
        %parallel_loop3A_325 = vector.broadcast %parallel_loop3A_324 : f32 to vector<16xf32>
        %parallel_loop3A_326 = arith.divf %parallel_loop3A_325, %parallel_loop3A_323 : vector<16xf32>
        %parallel_loop3A_327 = arith.constant 1.000000e+00 : f32
        %parallel_loop3A_328 = vector.broadcast %parallel_loop3A_327 : f32 to vector<16xf32>
        %parallel_loop3A_329 = arith.subf %parallel_loop3A_328, %parallel_loop3A_326 : vector<16xf32>
        %parallel_loop3A_330 = arith.addf %parallel_loop3A_175, %parallel_loop3A_329 : vector<16xf32>
        %parallel_loop3A_331 = arith.index_cast %parallel_loop3A_168 : i32 to index
        %parallel_loop3A_332 = arith.constant 112 : index
        %parallel_loop3A_333 = tpu.vector_load %arg15[%parallel_loop3A_331, %parallel_loop3A_332] {strides = array<i32>} : memref<25x128xf32, #tpu.memory_space<vmem>>, vector<1x16xf32>,
        %parallel_loop3A_334 = vector.shape_cast %parallel_loop3A_333 : vector<1x16xf32> to vector<16xf32>
        %parallel_loop3A_335 = arith.constant 112 : index
        %parallel_loop3A_336 = tpu.vector_load %arg16[%parallel_loop3A_335] {strides = array<i32>} : memref<128xf32, #tpu.memory_space<vmem>>, vector<16xf32>,
        %parallel_loop3A_337 = vector.shape_cast %parallel_loop3A_336 : vector<16xf32> to vector<16xf32>
        %parallel_loop3A_338 = arith.addf %parallel_loop3A_334, %parallel_loop3A_337 : vector<16xf32>
        %parallel_loop3A_339 = arith.constant 2.000000e+00 : f32
        %parallel_loop3A_340 = vector.broadcast %parallel_loop3A_339 : f32 to vector<16xf32>
        %parallel_loop3A_341 = arith.mulf %parallel_loop3A_340, %parallel_loop3A_338 : vector<16xf32>
        %parallel_loop3A_342 = math.exp %parallel_loop3A_341 : vector<16xf32>
        %parallel_loop3A_343 = arith.constant 1.000000e+00 : f32
        %parallel_loop3A_344 = vector.broadcast %parallel_loop3A_343 : f32 to vector<16xf32>
        %parallel_loop3A_345 = arith.addf %parallel_loop3A_342, %parallel_loop3A_344 : vector<16xf32>
        %parallel_loop3A_346 = arith.constant 2.000000e+00 : f32
        %parallel_loop3A_347 = vector.broadcast %parallel_loop3A_346 : f32 to vector<16xf32>
        %parallel_loop3A_348 = arith.divf %parallel_loop3A_347, %parallel_loop3A_345 : vector<16xf32>
        %parallel_loop3A_349 = arith.constant 1.000000e+00 : f32
        %parallel_loop3A_350 = vector.broadcast %parallel_loop3A_349 : f32 to vector<16xf32>
        %parallel_loop3A_351 = arith.subf %parallel_loop3A_350, %parallel_loop3A_348 : vector<16xf32>
        %parallel_loop3A_352 = arith.addf %parallel_loop3A_176, %parallel_loop3A_351 : vector<16xf32>
        scf.yield %parallel_loop3A_198, %parallel_loop3A_220, %parallel_loop3A_242, %parallel_loop3A_264, %parallel_loop3A_286, %parallel_loop3A_308, %parallel_loop3A_330, %parallel_loop3A_352 : vector<16xf32>, vector<16xf32>, vector<16xf32>, vector<16xf32>, vector<16xf32>, vector<16xf32>, vector<16xf32>, vector<16xf32>
      } {sc.loop_unroll_factor = 2 : i64, sc.parallel_access}
      scf.yield %parallel_loop3A_167#0, %parallel_loop3A_167#1, %parallel_loop3A_167#2, %parallel_loop3A_167#3, %parallel_loop3A_167#4, %parallel_loop3A_167#5, %parallel_loop3A_167#6, %parallel_loop3A_167#7 : vector<16xf32>, vector<16xf32>, vector<16xf32>, vector<16xf32>, vector<16xf32>, vector<16xf32>, vector<16xf32>, vector<16xf32>
    }
    %scan3A_137 = arith.constant 25 : i32
    %add3A_138 = arith.addf %scan3A_136#0, %scan3A_136#1 : vector<16xf32>
    %add3A_139 = arith.addf %add3A_138, %scan3A_136#2 : vector<16xf32>
    %add3A_140 = arith.addf %add3A_139, %scan3A_136#3 : vector<16xf32>
    %add3A_141 = arith.addf %add3A_140, %scan3A_136#4 : vector<16xf32>
    %add3A_142 = arith.addf %add3A_141, %scan3A_136#5 : vector<16xf32>
    %add3A_143 = arith.addf %add3A_142, %scan3A_136#6 : vector<16xf32>
    %add3A_144 = arith.addf %add3A_143, %scan3A_136#7 : vector<16xf32>
    %mul3A_145 = arith.constant 3.906250e-07 : f32
    %mul3A_146 = vector.broadcast %mul3A_145 : f32 to vector<16xf32>
    %mul3A_147 = arith.mulf %add3A_144, %mul3A_146 : vector<16xf32>
    %swap3A = arith.constant 0 : index
    %swap3A_148 = tpu.vector_load %arg17[%swap3A] {strides = array<i32>} : memref<16xf32, #tpu.memory_space<vmem>>, vector<16xf32>,
    %swap3A_149 = vector.shape_cast %swap3A_148 : vector<16xf32> to vector<16xf32>
    %swap3A_150 = vector.shape_cast %mul3A_147 : vector<16xf32> to vector<16xf32>
    tpu.vector_store %arg17[%swap3A], %swap3A_150 {strides = array<i32>} : memref<16xf32, #tpu.memory_space<vmem>>, vector<16xf32>,
    "tpu.region"() ({
      %run_scoped3A = tpu.sem_alloc : memref<!tpu.dma_semaphore, #tpu.memory_space<semaphore_mem>>
      %dma_start3A = arith.constant 0 : i32
      %dma_start3A_151 = tpu.memref_slice %arg8[%add3A, %dma_start3A] : memref<32x16xf32, #tpu.memory_space<hbm>> -> memref<1x16xf32, #tpu.memory_space<hbm>>
      %dma_start3A_152 = tpu.memref_squeeze %dma_start3A_151 : memref<1x16xf32, #tpu.memory_space<hbm>> -> memref<16xf32, #tpu.memory_space<hbm>>
      %dma_start3A_153 = arith.constant 0 : i32
      %dma_start3A_154 = tpu.memref_slice %arg8[%add3A, %dma_start3A_153] : memref<32x16xf32, #tpu.memory_space<hbm>> -> memref<1x16xf32, #tpu.memory_space<hbm>>
      %dma_start3A_155 = tpu.memref_squeeze %dma_start3A_154 : memref<1x16xf32, #tpu.memory_space<hbm>> -> memref<16xf32, #tpu.memory_space<hbm>>
      tpu.enqueue_dma source(%arg17 : memref<16xf32, #tpu.memory_space<vmem>>) target(%dma_start3A_155 : memref<16xf32, #tpu.memory_space<hbm>>) target_semaphore(%run_scoped3A : memref<!tpu.dma_semaphore, #tpu.memory_space<semaphore_mem>>)
      %dma_wait3A = arith.constant 0 : i32
      %dma_wait3A_156 = tpu.memref_slice %arg8[%add3A, %dma_wait3A] : memref<32x16xf32, #tpu.memory_space<hbm>> -> memref<1x16xf32, #tpu.memory_space<hbm>>
      %dma_wait3A_157 = tpu.memref_squeeze %dma_wait3A_156 : memref<1x16xf32, #tpu.memory_space<hbm>> -> memref<16xf32, #tpu.memory_space<hbm>>
      %dma_wait3A_158 = arith.constant 0 : i32
      %dma_wait3A_159 = tpu.memref_slice %arg8[%add3A, %dma_wait3A_158] : memref<32x16xf32, #tpu.memory_space<hbm>> -> memref<1x16xf32, #tpu.memory_space<hbm>>
      %dma_wait3A_160 = tpu.memref_squeeze %dma_wait3A_159 : memref<1x16xf32, #tpu.memory_space<hbm>> -> memref<16xf32, #tpu.memory_space<hbm>>
      tpu.wait_dma2 semaphore(%run_scoped3A : memref<!tpu.dma_semaphore, #tpu.memory_space<semaphore_mem>>) src(%arg17 : memref<16xf32, #tpu.memory_space<vmem>>) dst(%dma_wait3A_160 : memref<16xf32, #tpu.memory_space<hbm>>)
      tpu.yield
    }) : () -> ()
    return
  }
}

module attributes {stable_mosaic.version = 14 : i64} {
  func.func @_mm_body(%arg0: i32, %arg1: memref<1000x256xf32, #tpu.memory_space<vmem>>, %arg2: memref<1x256x384xf32, #tpu.memory_space<vmem>>, %arg3: memref<1x1000x384xf32, #tpu.memory_space<vmem>>) attributes {dimension_semantics = [#tpu.dimension_semantics<arbitrary>], iteration_bounds = array<i64: 2>, scalar_prefetch = 0 : i64, scratch_operands = 0 : i64, tpu.core_type = #tpu.core_type<tc>, window_params = [{pipeline_mode = #tpu.pipeline_mode<synchronous>, transform_indices = @transform_0, window_bounds = array<i64: 1000, 256>}, {transform_indices = @transform_1, window_bounds = array<i64: 1, 256, 384>}, {transform_indices = @transform_2, window_bounds = array<i64: 1, 1000, 384>}]} {
    %get3A = arith.constant 0 : index
    %get3A_0 = arith.constant 0 : index
    %get3A_1 = vector.load %arg1[%get3A, %get3A_0] : memref<1000x256xf32, #tpu.memory_space<vmem>>, vector<1000x256xf32>
    %get3A_2 = arith.constant 0 : index
    %get3A_3 = arith.constant 0 : index
    %get3A_4 = arith.constant 0 : index
    %get3A_5 = vector.load %arg2[%get3A_2, %get3A_3, %get3A_4] : memref<1x256x384xf32, #tpu.memory_space<vmem>>, vector<1x256x384xf32>
    %get3A_6 = vector.shape_cast %get3A_5 : vector<1x256x384xf32> to vector<256x384xf32>
    %dot_general3A = arith.constant dense<0.000000e+00> : vector<1000x384xf32>
    %dot_general3A_7 = tpu.matmul %get3A_1, %get3A_6, %dot_general3A {dimension_numbers = #tpu.dot_dimension_numbers<[1], [0], [0], [1], [0, 0, 1, 1], [], []>, transpose_lhs_hint = false} : vector<1000x256xf32>, vector<256x384xf32>, vector<1000x384xf32> -> vector<1000x384xf32>
    %swap3A = arith.constant 0 : index
    %swap3A_8 = arith.constant 0 : index
    %swap3A_9 = arith.constant 0 : index
    %swap3A_10 = vector.load %arg3[%swap3A, %swap3A_8, %swap3A_9] : memref<1x1000x384xf32, #tpu.memory_space<vmem>>, vector<1x1000x384xf32>
    %swap3A_11 = vector.shape_cast %swap3A_10 : vector<1x1000x384xf32> to vector<1000x384xf32>
    %swap3A_12 = vector.shape_cast %dot_general3A_7 : vector<1000x384xf32> to vector<1x1000x384xf32>
    tpu.vector_store %arg3[%swap3A, %swap3A_8, %swap3A_9], %swap3A_12 {strides = array<i32>} : memref<1x1000x384xf32, #tpu.memory_space<vmem>>, vector<1x1000x384xf32>,
    return
  }
  func.func @transform_0(%arg0: i32) -> (i32, i32) {
    %c0_i32 = arith.constant 0 : i32
    %c0_i32_0 = arith.constant 0 : i32
    %c0_i32_1 = arith.constant 0 : i32
    return %c0_i32, %c0_i32_0 : i32, i32
  }
  func.func @transform_1(%arg0: i32) -> (i32, i32, i32) {
    %c0_i32 = arith.constant 0 : i32
    %c0_i32_0 = arith.constant 0 : i32
    %c0_i32_1 = arith.constant 0 : i32
    return %arg0, %c0_i32, %c0_i32_0 : i32, i32, i32
  }
  func.func @transform_2(%arg0: i32) -> (i32, i32, i32) {
    %c0_i32 = arith.constant 0 : i32
    %c0_i32_0 = arith.constant 0 : i32
    %c0_i32_1 = arith.constant 0 : i32
    return %arg0, %c0_i32, %c0_i32_0 : i32, i32, i32
  }
}

</mosaic_0001>

<sc_bundles>
// kernel: kernel.4.cloned.1.call-start
scs
__scs_entry_jumppad:
0x0: {  	(pc) =	sbr.rel $0x88, $3  }
0x1: {  	(tag) =	ssettag $0x0;
	lr =	simm.s32 $0x1  }
0x2: {  	[smem:$0x3F9B] =	sst lr;
	_ =	strace $0xD0000000  }
0x3: {  	_ = 	snop  }
0x4: {  	_ = 	snop  }
0x5: {  	_ = 	snop  }
0x6: {  	_ = 	snop  }
0x7: {  	_ = 	snop  }
__scs_overlays_trampoline_lowered:
0x8: {  	[smem:$0x3FAA] =	sst s0  }
0x9: {  	[smem:$0x3FAB] =	sst s1  }
0xa: {  	[smem:$0x3FAC] =	sst s2  }
0xb: {  	[smem:$0x3FAD] =	sst s3  }
0xc: {  	[smem:$0x3FAE] =	sst s4  }
0xd: {  	[smem:$0x3FAF] =	sst s5  }
0xe: {  	[smem:$0x3FB0] =	sst s6  }
0xf: {  	[smem:$0x3FB1] =	sst s7  }
0x10: {  	[smem:$0x3FB2] =	sst s8  }
0x11: {  	[smem:$0x3FB3] =	sst s9;
	s0 =	simm.s32 @!p0 $0x0  }
0x12: {  	s1 =	sld [smem:$0x3F99];
	s0 =	simm.s32 @p0 $0x1  }
0x13: {  	[smem:$0x3FB4] =	sst s0;
	s0 =	simm.s32 @!p1 $0x0  }
0x14: {  	s2 =	sld [smem:$0x3F98];
	s0 =	simm.s32 @p1 $0x1  }
0x15: {  	[smem:$0x3FB5] =	sst s0;
	s0 =	simm.s32 @!p2 $0x0  }
0x16: {  	s3 =	sld [smem:$0x3FDB];
	s0 =	simm.s32 @p2 $0x1  }
0x17: {  	s4 =	simm.s32 $0x1BF5;
	[smem:$0x3FB7] =	sst s0  }
0x18: {  	s0 =	sld [smem:$0x3F9A];
	_ =	swait.ge [sflag:s4], $0x0  }
0x19: {  	s7 =	sld [smem:$0x3F9B]  }
0x1a: {  	s8 =	sadd.s32 $0xFFFFE003, lr  }
0x1b: {  	s9 =	sadd.s32 $0xFFFFFEF7, lr;
	s5 =	simm.s32 $0xFFFFFFFF;
	p2 =	slt.u32 s8, $0xFFFFF086  }
0x1c: {  	p1 =	slt.u32 s9, $0xF7A;
	s5 =	simm.s32 @!p2 $0x0  }
0x1d: {  	s5 =	simm.s32 @p1 $0x1;
	p0 =	seq.s32 s7, s2  }
0x1e: {  	s7 =	smul.u32 @!p0 $0xF7A, s2;
	p2 =	seq.s32 @!p0 s5, $0x0  }
0x1f: {  	s9 =	smul.u32 $0xF7A, s1;
	s8 =	simm.s32 @!p0 $0x1BF5;
	p2 =	por !p2, p0  }
0x20: {  	[sflag:s8] =	ssyncset.s32 @!p0 $0xFFFFF086;
	s6 =	sadd.s32 @!p0 s3, s7;
	s7 =	simm.s32 @!p0 $0x108  }
0x21: {  	s3 =	sadd.s32 s3, s9;
	s6 =	sadd.s32 @!p0 $0x88, s6;
	s7 =	simm.s32 @p2 $0x1082  }
0x22: {  	[simem:s7], [sflag:s8] =	dma.local @!p0 [hbm:s6], $0xF7A  }
0x23: {  	s9 =	sor.u32 $0xD0000000, s2;
	s6 =	simm.s32 $0x108;
	_ =	swait.ge @!p0 [sflag:s8], $0x0  }
0x24: {  	s3 =	sadd.s32 $0x88, s3;
	s6 =	simm.s32 @!p1 $0x1082;
	[sflag:s4] =	ssyncset.s32 $0xFFFFF086  }
0x25: {  	[simem:s6], [sflag:s4] =	dma.local [hbm:s3], $0xF7A  }
0x26: {  	[smem:$0x3F9B] =	sst s1;
	(tag) =	ssettag s2;
	_ =	strace s9  }
0x27: {  	s1 =	sld [smem:$0x3FAB]  }
0x28: {  	s2 =	sld [smem:$0x3FAC]  }
0x29: {  	s4 =	sld [smem:$0x3FAE]  }
0x2a: {  	p0 =	seq.s32 s5, $0x0;
	s5 =	sld [smem:$0x3FAF]  }
0x2b: {  	s6 =	sld [smem:$0x3FB0]  }
0x2c: {  	s7 =	sld [smem:$0x3FB1]  }
0x2d: {  	s3 =	simm.s32 $0x108;
	s8 =	sld [smem:$0x3FB2]  }
0x2e: {  	s3 =	simm.s32 @!p0 $0x1082;
	s9 =	sld [smem:$0x3FB3]  }
0x2f: {  	lr =	sadd.s32 s0, s3;
	s0 =	sld [smem:$0x3FAA]  }
0x30: {  	s3 =	sld [smem:$0x3FAD]  }
0x31: {  	[smem:$0x3FB6] =	sst s10  }
0x32: {  	s10 =	sld [smem:$0x3FB4];
	_ =	sdelay $0x3  }
0x33: {  	p0 =	seq.s32 s10, $0x1;
	s10 =	sld [smem:$0x3FB6];
	_ =	sdelay $0x3  }
0x34: {  	[smem:$0x3FB6] =	sst s10  }
0x35: {  	s10 =	sld [smem:$0x3FB5];
	_ =	sdelay $0x3  }
0x36: {  	p1 =	seq.s32 s10, $0x1;
	s10 =	sld [smem:$0x3FB6];
	_ =	sdelay $0x3  }
0x37: {  	[smem:$0x3FB6] =	sst s10  }
0x38: {  	s10 =	sld [smem:$0x3FB7]  }
0x39: {  	_ = 	snop;
	(pc) =	sbr.ind lr, $3  }
0x3a: {  	_ = 	snop  }
0x3b: {  	_ = 	snop  }
0x3c: {  	p2 =	seq.s32 s10, $0x1;
	s10 =	sld [smem:$0x3FB6]  }
0x3d: {  	_ =	shalt  }
0x3e: {  	_ =	shalt  }
0x3f: {  	_ =	shalt  }
0x40: {  	_ =	shalt  }
0x41: {  	_ =	shalt  }
0x42: {  	_ =	shalt  }
0x43: {  	_ =	shalt  }
0x44: {  	_ =	shalt  }
0x45: {  	_ =	shalt  }
0x46: {  	_ =	shalt  }
0x47: {  	_ =	shalt  }
0x48: {  	_ =	shalt  }
0x49: {  	_ =	shalt  }
0x4a: {  	_ =	shalt  }
0x4b: {  	_ =	shalt  }
0x4c: {  	_ =	shalt  }
0x4d: {  	_ =	shalt  }
0x4e: {  	_ =	shalt  }
0x4f: {  	_ =	shalt  }
0x50: {  	_ =	shalt  }
0x51: {  	_ =	shalt  }
0x52: {  	_ =	shalt  }
0x53: {  	_ =	shalt  }
0x54: {  	_ =	shalt  }
0x55: {  	_ =	shalt  }
0x56: {  	_ =	shalt  }
0x57: {  	_ =	shalt  }
0x58: {  	_ =	shalt  }
0x59: {  	_ =	shalt  }
0x5a: {  	_ =	shalt  }
0x5b: {  	_ =	shalt  }
0x5c: {  	_ =	shalt  }
0x5d: {  	_ =	shalt  }
0x5e: {  	_ =	shalt  }
0x5f: {  	_ =	shalt  }
0x60: {  	_ =	shalt  }
0x61: {  	_ =	shalt  }
0x62: {  	_ =	shalt  }
0x63: {  	_ =	shalt  }
0x64: {  	_ =	shalt  }
0x65: {  	_ =	shalt  }
0x66: {  	_ =	shalt  }
0x67: {  	_ =	shalt  }
0x68: {  	_ =	shalt  }
0x69: {  	_ =	shalt  }
0x6a: {  	_ =	shalt  }
0x6b: {  	_ =	shalt  }
0x6c: {  	_ =	shalt  }
0x6d: {  	_ =	shalt  }
0x6e: {  	_ =	shalt  }
0x6f: {  	_ =	shalt  }
0x70: {  	_ =	shalt  }
0x71: {  	_ =	shalt  }
0x72: {  	_ =	shalt  }
0x73: {  	_ =	shalt  }
0x74: {  	_ =	shalt  }
0x75: {  	_ =	shalt  }
0x76: {  	_ =	shalt  }
0x77: {  	_ =	shalt  }
0x78: {  	_ =	shalt  }
0x79: {  	_ =	shalt  }
0x7a: {  	_ =	shalt  }
0x7b: {  	_ =	shalt  }
0x7c: {  	_ =	shalt  }
0x7d: {  	_ =	shalt  }
0x7e: {  	_ =	shalt  }
0x7f: {  	_ =	shalt  }
0x80: {  	_ =	shalt  }
0x81: {  	_ =	shalt  }
0x82: {  	_ =	shalt  }
0x83: {  	_ =	shalt  }
0x84: {  	_ =	shalt  }
0x85: {  	_ =	shalt  }
0x86: {  	_ =	shalt  }
0x87: {  	_ =	shalt  }
.Lfunc_end0:
.L_simem_size_0:
called_computation_lowered:
.L_overlay_start_0:
0x88: {  	s2 =	sld [smem:$0x3FD9]  }
0x89: {  	s3 =	sld [smem:$0x3FFE];
	_ =	sdelay $0x1  }
0x8a: {  	s1 =	srdreg.scid  }
0x8b: {  	s0 =	sand.u32 $0x1, s1  }
0x8c: {  	s17 =	sshll.u32 s0, $0xA;
	s2 =	sadd.s32 s3, s2  }
0x8d: {  	s2 =	sadd.s32 s2, s17  }
0x8e: {  	[smem:$0x3FC2] =	sst s2  }
0x8f: {  	_ = 	snop  }
0x90: {  	s2 =	sld [smem:$0x3FC9]  }
0x91: {  	s18 =	sld [smem:$0x3FC4];
	(tm) =	ssettm $0x1  }
0x92: {  	s4 =	sld [smem:$0x3FFB];
	_ =	sdelay $0x3  }
0x93: {  	_ =	strace s4  }
0x94: {  	s4 =	sld [smem:$0x3FFC];
	_ =	sdelay $0x3  }
0x95: {  	_ =	strace s4  }
0x96: {  	s4 =	sld [smem:$0x3FFD];
	_ =	sdelay $0x3  }
0x97: {  	_ =	strace s4  }
0x98: {  	_ =	strace $0x8FFFFFFF  }
0x99: {  	s19 =	sld [smem:$0x3FDB];
	_ =	sdelay $0x1  }
0x9a: {  	s5 =	simm.s32 $_scs_section_size  }
0x9b: {  	s6 =	simm.s32 $_size__tile_overlayer_lowered;
	s7 =	simm.s32 $_tile_overlayer_lowered  }
0x9c: {  	s22 =	simm.s32 $0x1BFF;
	s21 =	sshll.u32 s7, $0x1;
	s4 =	sadd.s32 s5, s19  }
0x9d: {  	s8 =	simm.s32 $0x0;
	s20 =	sshll.u32 s6, $0x1;
	s6 =	sadd.s32 s21, s4  }
0x9e: {  	[timem:s8], [sflag:s22] =	dma.local [hbm:s6], s20  }
0x9f: {  	_ =	swait.ge [sflag:s22], s20  }
0xa0: {  	s5 =	ssub.s32 $0x0, s20;
	[sflag:s22] =	ssyncset.done $0x0  }
0xa1: {  	[sflag:s22] =	ssyncadd.s32 s5;
	_ =	sdelay $0x1  }
0xa2: {  	s23 =	simm.s32 $0x1B8B  }
0xa3: {  	_ =	swait.ge [sflag:s23], $0x1  }
0xa4: {  	[sflag:s23] =	ssyncset.done $0x0  }
0xa5: {  	s25 =	simm.s32 $0x1B8E;
	s24 =	sld [smem:$0x3FFE];
	[sflag:s23] =	ssyncadd.s32 $0xFFFFFFFF  }
0xa6: {  	s26 =	simm.s32 $execute0_lowered;
	[smem:$0x3FD2] =	sst s25  }
0xa7: {  	s6 =	sshll.u32 s26, $0x1;
	_ =	strace $0x80000046;
	[dreg:$0x1] =	wrdreg $0xFFFFFFFF  }
0xa8: {  	s28 =	simm.s32 $_size_execute0_lowered;
	s4 =	sadd.s32 s4, s6;
	[dreg:$0x0] =	wrdreg $0x0  }
0xa9: {  	s6 =	sshll.u32 s28, $0x1;
	[dreg:$0x2] =	wrdreg s4  }
0xaa: {  	[dreg:$0x3] =	wrdreg s6  }
0xab: {  	[dreg:$0x4] =	wrdreg $0xC0  }
0xac: {  	_ =	task [dreg:s8], $0x5FFFF  }
0xad: {  	[dreg:$0x1] =	wrdreg $0xFFFFFFFF  }
0xae: {  	[dreg:$0x0] =	wrdreg $0x60  }
0xaf: {  	[dreg:$0x2] =	wrdreg s24  }
0xb0: {  	[dreg:$0x3] =	wrdreg s2  }
0xb1: {  	[dreg:$0x4] =	wrdreg s18  }
0xb2: {  	[dreg:$0x5] =	wrdreg $0xA6000  }
0xb3: {  	[dreg:$0x6] =	wrdreg $0x9  }
0xb4: {  	_ =	task.clear_ibuf [dreg:s8], $0x7FFFF;
	_ =	strace $0x90000046  }
0xb5: {  	s29 =	simm.s32 $0x9;
	_ =	strace $0x80000048  }
0xb6: {  	_ =	swait.ge [sflag:s29], $0x1  }
0xb7: {  	[sflag:s29] =	ssyncadd.s32 $0xFFFFFFFF  }
0xb8: {  	_ =	strace $0x90000048  }
0xb9: {  	_ =	sfence  }
0xba: {  	s30 =	sld [smem:$0x0];
	_ =	sdelay $0x2  }
0xbb: {  	s31 =	sshll.u32 s1, $0xD;
	s1 =	sshrl.u32 s1, $0x2  }
0xbc: {  	s3 =	sand.u32 $0x4000, s31;
	s1 =	sadd.s32 s1, s30  }
0xbd: {  	s0 =	sor.u32 s3, s0;
	s1 =	sshll.u32 s1, $0x11  }
0xbe: {  	s0 =	sor.u32 s1, s0  }
0xbf: {  	s0 =	sadd.s32 $0x8F2B, s0  }
0xc0: {  	[sflag:s0] =	ssyncadd.remote.s32 $0x1  }
0xc1: {  	_ =	sfence.sel $0xFFFF  }
0xc2: {  	[dreg:$0x0] =	wrdreg $0xFFFFFFFF;
	(pc) =	sbr.abs _section_cstart, $3  }
0xc3: {  	[dreg:$0x1] =	wrdreg $0xFFFFFFFF  }
0xc4: {  	_ =	task.clear_ibuf [dreg:s8], $0x2FFFF;
	_ =	strace $0x9FFFFFFF  }
0xc5: {  	(tm) =	ssettm $0x7FFFFFFF  }
tec
execute0_lowered:
.L_overlay_start_1:
0x0: {  	(tag) =	ssettag $0x1  }
0x1: {  	s1 =	rddreg [dreg:$0x0]  }
0x2: {  	s2 =	rddreg [dreg:$0x1]  }
0x3: {  	s5 =	srdreg.scid;
	s15 =	stileid.u32  }
0x4: {  	s0 =	rddreg [dreg:$0x2];
	s5 =	sand.u32 $0x1, s5;
	s9 =	smul.u32 $0x4E200, s15  }
0x5: {  	s3 =	rddreg [dreg:$0x3];
	s4 =	simm.s32 $0x0;
	s8 =	smul.u32 $0xBB80, s5  }
0x6: {  	[smem:$0x7FF] =	sst s4;
	s21 =	sshll.u32 s5, $0x4;
	s9 =	sshrl.u32 s9, $0x2  }
0x7: {  	s0 =	sadd.s32 s0, s21;
	s11 =	sadd.s32 s8, s1;
	s8 =	sadd.s32 s9, s3  }
0x8: {  	_ =	strace $0x80000047;
	[dreg:$0x5] =	wrdreg s0;
	s22 =	sadd.s32 $0xC80, s8  }
0x9: {  	s23 =	sadd.s32 $0x1900, s8;
	[dreg:$0x6] =	wrdreg s22  }
0xa: {  	s24 =	sadd.s32 $0x2580, s8;
	[dreg:$0x7] =	wrdreg s23  }
0xb: {  	s25 =	sadd.s32 $0x3200, s8;
	[dreg:$0x8] =	wrdreg s24  }
0xc: {  	s26 =	sadd.s32 $0x3E80, s8;
	[dreg:$0x9] =	wrdreg s25  }
0xd: {  	s28 =	sadd.s32 $0x4B00, s8;
	[dreg:$0xa] =	wrdreg s26  }
0xe: {  	s29 =	sadd.s32 $0x5780, s8;
	[dreg:$0xb] =	wrdreg s28  }
0xf: {  	s30 =	sadd.s32 $0x6400, s8;
	[dreg:$0xc] =	wrdreg s29  }
0x10: {  	s31 =	sadd.s32 $0x7080, s8;
	[dreg:$0xd] =	wrdreg s30  }
0x11: {  	s10 =	ssub.s32 $0x2, s5;
	s14 =	sadd.s32 $0x7D00, s8;
	[dreg:$0xe] =	wrdreg s31  }
0x12: {  	s20 =	sshrl.u32 s10, $0x1;
	s16 =	sadd.s32 $0x8980, s8;
	[dreg:$0xf] =	wrdreg s14  }
0x13: {  	s13 =	ssub.s32 s10, s20;
	s17 =	sadd.s32 $0x9600, s8;
	[dreg:$0x10] =	wrdreg s16  }
0x14: {  	s19 =	sshll.u32 s15, $0x4;
	s18 =	smax.u32 s13, $0x1;
	[dreg:$0x11] =	wrdreg s17  }
0x15: {  	s12 =	sadd.s32 s19, s1;
	s19 =	sadd.s32 $0xA280, s8;
	[dreg:$0x13] =	wrdreg s18  }
0x16: {  	s9 =	sshll.u32 s5, $0x8;
	s20 =	sadd.s32 $0xAF00, s8;
	[dreg:$0x14] =	wrdreg s19  }
0x17: {  	s0 =	sadd.s32 s9, s12;
	s21 =	sadd.s32 $0xBB80, s8;
	[dreg:$0x15] =	wrdreg s20  }
0x18: {  	s6 =	sadd.s32 $0x5000, s1;
	s0 =	sadd.s32 $0x21800, s0;
	[dreg:$0x16] =	wrdreg s21  }
0x19: {  	s7 =	sadd.s32 $0x27B000, s1;
	s22 =	sadd.s32 $0xC800, s8;
	[dreg:$0x12] =	wrdreg s0  }
0x1a: {  	s10 =	smul.u32 $0x271, s15;
	s24 =	sadd.s32 $0xD480, s8;
	[dreg:$0x17] =	wrdreg s22  }
0x1b: {  	s15 =	smul.u32 $0x2710, s15;
	s25 =	sadd.s32 $0xE100, s8;
	[dreg:$0x18] =	wrdreg s24  }
0x1c: {  	s23 =	sadd.s32 $0xA000, s11;
	s26 =	sadd.s32 $0xED80, s8;
	[dreg:$0x19] =	wrdreg s25  }
0x1d: {  	s28 =	sadd.s32 $0xFA00, s8;
	s29 =	sadd.s32 $0x10680, s8;
	[dreg:$0x1a] =	wrdreg s26  }
0x1e: {  	s30 =	sadd.s32 $0x11300, s8;
	s31 =	sadd.s32 $0x11F80, s8;
	[dreg:$0x1b] =	wrdreg s28  }
0x1f: {  	s14 =	sadd.s32 $0x12C00, s8;
	s16 =	simm.s32 $0x4;
	[dreg:$0x1c] =	wrdreg s29  }
0x20: {  	v0 =	vimm.f32 $0.0e+00;
	s17 =	simm.s32 $0x9500;
	s18 =	simm.s32 $0x28;
	[dreg:$0x1d] =	wrdreg s30  }
0x21: {  	v1 =	vlaneseq.u32;
	vm0 =	vmmov $0xffff;
	vm1 =	vmmov $0xff;
	s19 =	simm.s32 $0x8100;
	s20 =	simm.s32 $0x0;
	[dreg:$0x1e] =	wrdreg s31  }
.LBB2_1:
0x22: {  	s0 =	rddreg [dreg:$0x5];
	s5 =	simm.s32 $0xA500  }
0x23: {  	[tilespmem:s5], [sflag:$0x4] =	stream.linear.gather [hbm4b:s0+s4], $0x80, $0x38;
	[tilespmem:$0x1DE80] =	vst v63  }
0x24: {  	_ =	swait.ge [sflag:s16], $0x80  }
0x25: {  	[sflag:s16] =	ssyncset.done $0x0  }
0x26: {  	s0 =	simm.s32 $0x0;
	s5 =	simm.s32 $0x200;
	[sflag:s16] =	ssyncadd.s32 $0xFFFFFF80  }
.LBB2_2:
0x27: {  	p0 =	sne.s32 s5, $0x3000;
	[tilespmem:s0+$0x9570] =	vst v0  }
0x28: {  	[tilespmem:s0+$0x9500] =	vst v0  }
0x29: {  	[tilespmem:s0+$0x9510] =	vst v0  }
.Ltmp0:
0x2a: {  	[tilespmem:s0+$0x9520] =	vst v0;
	(pc) =	sbr.rel @p0 .LBB2_2-.Ltmp0, $4  }
0x2b: {  	[tilespmem:s0+$0x9530] =	vst v0  }
0x2c: {  	[tilespmem:s0+$0x9540] =	vst v0  }
0x2d: {  	[tilespmem:s0+$0x9550] =	vst v0  }
0x2e: {  	[tilespmem:s0+$0x9560] =	vst v0;
	s0 =	sshra.s32 s5, $0x2;
	s5 =	sadd.s32 $0x200, s5  }
0x2f: {  	[tilespmem:s0+$0x9570] =	vst v0  }
0x30: {  	[tilespmem:s0+$0x9500] =	vst v0  }
0x31: {  	[tilespmem:s0+$0x9510] =	vst v0  }
0x32: {  	[tilespmem:s0+$0x9520] =	vst v0  }
0x33: {  	[tilespmem:s0+$0x9530] =	vst v0  }
0x34: {  	[tilespmem:s0+$0x9540] =	vst v0  }
0x35: {  	[tilespmem:s0+$0x9550] =	vst v0  }
0x36: {  	[tilespmem:s0+$0x9560] =	vst v0  }
0x37: {  	[spmem:s8] =	stream.linear.scatter [tilespmem:s17], [sflag:$0x4], $0xC80, $0x38;
	[tilespmem:$0x1DE80] =	vst v63  }
0x38: {  	_ =	swait.ge [sflag:s16], $0xC80  }
0x39: {  	[sflag:s16] =	ssyncset.done $0x0  }
0x3a: {  	s21 =	rddreg [dreg:$0x6];
	[sflag:s16] =	ssyncadd.s32 $0xFFFFF380  }
0x3b: {  	[spmem:s21] =	stream.linear.scatter [tilespmem:s17], [sflag:$0x4], $0xC80, $0x38;
	[tilespmem:$0x1DE80] =	vst v63  }
0x3c: {  	_ =	swait.ge [sflag:s16], $0xC80  }
0x3d: {  	[sflag:s16] =	ssyncset.done $0x0  }
0x3e: {  	s22 =	rddreg [dreg:$0x7];
	[sflag:s16] =	ssyncadd.s32 $0xFFFFF380  }
0x3f: {  	[spmem:s22] =	stream.linear.scatter [tilespmem:s17], [sflag:$0x4], $0xC80, $0x38;
	[tilespmem:$0x1DE80] =	vst v63  }
0x40: {  	_ =	swait.ge [sflag:s16], $0xC80  }
0x41: {  	[sflag:s16] =	ssyncset.done $0x0  }
0x42: {  	s24 =	rddreg [dreg:$0x8];
	[sflag:s16] =	ssyncadd.s32 $0xFFFFF380  }
0x43: {  	[spmem:s24] =	stream.linear.scatter [tilespmem:s17], [sflag:$0x4], $0xC80, $0x38;
	[tilespmem:$0x1DE80] =	vst v63  }
0x44: {  	_ =	swait.ge [sflag:s16], $0xC80  }
0x45: {  	[sflag:s16] =	ssyncset.done $0x0  }
0x46: {  	s25 =	rddreg [dreg:$0x9];
	[sflag:s16] =	ssyncadd.s32 $0xFFFFF380  }
0x47: {  	[spmem:s25] =	stream.linear.scatter [tilespmem:s17], [sflag:$0x4], $0xC80, $0x38;
	[tilespmem:$0x1DE80] =	vst v63  }
0x48: {  	_ =	swait.ge [sflag:s16], $0xC80  }
0x49: {  	[sflag:s16] =	ssyncset.done $0x0  }
0x4a: {  	s26 =	rddreg [dreg:$0xa];
	[sflag:s16] =	ssyncadd.s32 $0xFFFFF380  }
0x4b: {  	[spmem:s26] =	stream.linear.scatter [tilespmem:s17], [sflag:$0x4], $0xC80, $0x38;
	[tilespmem:$0x1DE80] =	vst v63  }
0x4c: {  	_ =	swait.ge [sflag:s16], $0xC80  }
0x4d: {  	[sflag:s16] =	ssyncset.done $0x0  }
0x4e: {  	s28 =	rddreg [dreg:$0xb];
	[sflag:s16] =	ssyncadd.s32 $0xFFFFF380  }
0x4f: {  	[spmem:s28] =	stream.linear.scatter [tilespmem:s17], [sflag:$0x4], $0xC80, $0x38;
	[tilespmem:$0x1DE80] =	vst v63  }
0x50: {  	_ =	swait.ge [sflag:s16], $0xC80  }
0x51: {  	[sflag:s16] =	ssyncset.done $0x0  }
0x52: {  	s29 =	rddreg [dreg:$0xc];
	[sflag:s16] =	ssyncadd.s32 $0xFFFFF380  }
0x53: {  	[spmem:s29] =	stream.linear.scatter [tilespmem:s17], [sflag:$0x4], $0xC80, $0x38;
	[tilespmem:$0x1DE80] =	vst v63  }
0x54: {  	_ =	swait.ge [sflag:s16], $0xC80  }
0x55: {  	[sflag:s16] =	ssyncset.done $0x0  }
0x56: {  	s30 =	rddreg [dreg:$0xd];
	[sflag:s16] =	ssyncadd.s32 $0xFFFFF380  }
0x57: {  	[spmem:s30] =	stream.linear.scatter [tilespmem:s17], [sflag:$0x4], $0xC80, $0x38;
	[tilespmem:$0x1DE80] =	vst v63  }
0x58: {  	_ =	swait.ge [sflag:s16], $0xC80  }
0x59: {  	[sflag:s16] =	ssyncset.done $0x0  }
0x5a: {  	s31 =	rddreg [dreg:$0xe];
	[sflag:s16] =	ssyncadd.s32 $0xFFFFF380  }
0x5b: {  	[spmem:s31] =	stream.linear.scatter [tilespmem:s17], [sflag:$0x4], $0xC80, $0x38;
	[tilespmem:$0x1DE80] =	vst v63  }
0x5c: {  	_ =	swait.ge [sflag:s16], $0xC80  }
0x5d: {  	[sflag:s16] =	ssyncset.done $0x0  }
0x5e: {  	s5 =	rddreg [dreg:$0xf];
	[sflag:s16] =	ssyncadd.s32 $0xFFFFF380  }
0x5f: {  	[spmem:s5] =	stream.linear.scatter [tilespmem:s17], [sflag:$0x4], $0xC80, $0x38;
	[tilespmem:$0x1DE80] =	vst v63  }
0x60: {  	_ =	swait.ge [sflag:s16], $0xC80  }
0x61: {  	[sflag:s16] =	ssyncset.done $0x0  }
0x62: {  	s9 =	rddreg [dreg:$0x10];
	[sflag:s16] =	ssyncadd.s32 $0xFFFFF380  }
0x63: {  	[spmem:s9] =	stream.linear.scatter [tilespmem:s17], [sflag:$0x4], $0xC80, $0x38;
	[tilespmem:$0x1DE80] =	vst v63  }
0x64: {  	_ =	swait.ge [sflag:s16], $0xC80  }
0x65: {  	[sflag:s16] =	ssyncset.done $0x0  }
0x66: {  	s11 =	rddreg [dreg:$0x11];
	[sflag:s16] =	ssyncadd.s32 $0xFFFFF380  }
0x67: {  	[spmem:s11] =	stream.linear.scatter [tilespmem:s17], [sflag:$0x4], $0xC80, $0x38;
	[tilespmem:$0x1DE80] =	vst v63  }
0x68: {  	_ =	swait.ge [sflag:s16], $0xC80  }
0x69: {  	[sflag:s16] =	ssyncset.done $0x0  }
0x6a: {  	s12 =	rddreg [dreg:$0x14];
	[sflag:s16] =	ssyncadd.s32 $0xFFFFF380  }
0x6b: {  	[spmem:s12] =	stream.linear.scatter [tilespmem:s17], [sflag:$0x4], $0xC80, $0x38;
	[tilespmem:$0x1DE80] =	vst v63  }
0x6c: {  	_ =	swait.ge [sflag:s16], $0xC80  }
0x6d: {  	[sflag:s16] =	ssyncset.done $0x0  }
0x6e: {  	s13 =	rddreg [dreg:$0x15];
	[sflag:s16] =	ssyncadd.s32 $0xFFFFF380  }
0x6f: {  	[spmem:s13] =	stream.linear.scatter [tilespmem:s17], [sflag:$0x4], $0xC80, $0x38;
	[tilespmem:$0x1DE80] =	vst v63  }
0x70: {  	_ =	swait.ge [sflag:s16], $0xC80  }
0x71: {  	[sflag:s16] =	ssyncset.done $0x0  }
0x72: {  	s21 =	rddreg [dreg:$0x16];
	[sflag:s16] =	ssyncadd.s32 $0xFFFFF380  }
0x73: {  	[spmem:s21] =	stream.linear.scatter [tilespmem:s17], [sflag:$0x4], $0xC80, $0x38;
	[tilespmem:$0x1DE80] =	vst v63  }
0x74: {  	_ =	swait.ge [sflag:s16], $0xC80  }
0x75: {  	[sflag:s16] =	ssyncset.done $0x0  }
0x76: {  	s22 =	rddreg [dreg:$0x17];
	[sflag:s16] =	ssyncadd.s32 $0xFFFFF380  }
0x77: {  	[spmem:s22] =	stream.linear.scatter [tilespmem:s17], [sflag:$0x4], $0xC80, $0x38;
	[tilespmem:$0x1DE80] =	vst v63  }
0x78: {  	_ =	swait.ge [sflag:s16], $0xC80  }
0x79: {  	[sflag:s16] =	ssyncset.done $0x0  }
0x7a: {  	s24 =	rddreg [dreg:$0x18];
	[sflag:s16] =	ssyncadd.s32 $0xFFFFF380  }
0x7b: {  	[spmem:s24] =	stream.linear.scatter [tilespmem:s17], [sflag:$0x4], $0xC80, $0x38;
	[tilespmem:$0x1DE80] =	vst v63  }
0x7c: {  	_ =	swait.ge [sflag:s16], $0xC80  }
0x7d: {  	[sflag:s16] =	ssyncset.done $0x0  }
0x7e: {  	s25 =	rddreg [dreg:$0x19];
	[sflag:s16] =	ssyncadd.s32 $0xFFFFF380  }
0x7f: {  	[spmem:s25] =	stream.linear.scatter [tilespmem:s17], [sflag:$0x4], $0xC80, $0x38;
	[tilespmem:$0x1DE80] =	vst v63  }
0x80: {  	_ =	swait.ge [sflag:s16], $0xC80  }
0x81: {  	[sflag:s16] =	ssyncset.done $0x0  }
0x82: {  	s26 =	rddreg [dreg:$0x1a];
	[sflag:s16] =	ssyncadd.s32 $0xFFFFF380  }
0x83: {  	[spmem:s26] =	stream.linear.scatter [tilespmem:s17], [sflag:$0x4], $0xC80, $0x38;
	[tilespmem:$0x1DE80] =	vst v63  }
0x84: {  	_ =	swait.ge [sflag:s16], $0xC80  }
0x85: {  	[sflag:s16] =	ssyncset.done $0x0  }
0x86: {  	s28 =	rddreg [dreg:$0x1b];
	[sflag:s16] =	ssyncadd.s32 $0xFFFFF380  }
0x87: {  	[spmem:s28] =	stream.linear.scatter [tilespmem:s17], [sflag:$0x4], $0xC80, $0x38;
	[tilespmem:$0x1DE80] =	vst v63  }
0x88: {  	_ =	swait.ge [sflag:s16], $0xC80  }
0x89: {  	[sflag:s16] =	ssyncset.done $0x0  }
0x8a: {  	s29 =	rddreg [dreg:$0x1c];
	[sflag:s16] =	ssyncadd.s32 $0xFFFFF380  }
0x8b: {  	[spmem:s29] =	stream.linear.scatter [tilespmem:s17], [sflag:$0x4], $0xC80, $0x38;
	[tilespmem:$0x1DE80] =	vst v63  }
0x8c: {  	_ =	swait.ge [sflag:s16], $0xC80  }
0x8d: {  	[sflag:s16] =	ssyncset.done $0x0  }
0x8e: {  	s30 =	rddreg [dreg:$0x1d];
	[sflag:s16] =	ssyncadd.s32 $0xFFFFF380  }
0x8f: {  	[spmem:s30] =	stream.linear.scatter [tilespmem:s17], [sflag:$0x4], $0xC80, $0x38;
	[tilespmem:$0x1DE80] =	vst v63  }
0x90: {  	_ =	swait.ge [sflag:s16], $0xC80  }
0x91: {  	[sflag:s16] =	ssyncset.done $0x0  }
0x92: {  	s31 =	rddreg [dreg:$0x1e];
	[sflag:s16] =	ssyncadd.s32 $0xFFFFF380  }
0x93: {  	[spmem:s31] =	stream.linear.scatter [tilespmem:s17], [sflag:$0x4], $0xC80, $0x38;
	[tilespmem:$0x1DE80] =	vst v63  }
0x94: {  	_ =	swait.ge [sflag:s16], $0xC80  }
0x95: {  	[sflag:s16] =	ssyncset.done $0x0  }
0x96: {  	[sflag:s16] =	ssyncadd.s32 $0xFFFFF380  }
0x97: {  	[spmem:s14] =	stream.linear.scatter [tilespmem:s17], [sflag:$0x4], $0xC80, $0x38;
	[tilespmem:$0x1DE80] =	vst v63  }
.Ltmp1:
0x98: {  	_ =	swait.ge [sflag:s16], $0xC80;
	(pc) =	sbr.rel .LBB2_4-.Ltmp1, $4  }
0x99: {  	[sflag:s16] =	ssyncset.done $0x0  }
0x9a: {  	[sflag:s16] =	ssyncadd.s32 $0xFFFFF380  }
0x9b: {  	[bflag:$0x0] =	sbarrier.arrive $0xFFFF  }
0x9c: {  	s21 =	simm.s32 $0x0  }
.LBB2_10:
0x9d: {  	s21 =	sadd.s32 $0x1, s21  }
0x9e: {  	p0 =	sne.s32 s21, $0xFD  }
.Ltmp2:
0x9f: {  	_ = 	snop;
	(pc) =	sbr.rel @!p0 .LBB2_11-.Ltmp2, $1  }
0xa0: {  	_ =	sdelay $0x3  }
.LBB2_4:
0xa1: {  	p1 =	slt.u32 s21, $0x2  }
0xa2: {  	p2 =	seq.s32 @!p1 s21, $0xFC  }
0xa3: {  	p1 =	por p1, p2  }
.Ltmp3:
0xa4: {  	p0 =	slt.u32 s21, $0x3;
	(pc) =	sbr.rel @p1 .LBB2_6-.Ltmp3, $4  }
0xa5: {  	s0 =	simm.s32 @!p0 $0x3  }
0xa6: {  	_ =	swait.ge @!p0 [sflag:s0], $0x3C00  }
0xa7: {  	[sflag:s0] =	ssyncset.done @!p0 $0x0  }
0xa8: {  	[sflag:s0] =	ssyncadd.s32 @!p0 $0xFFFFC400  }
0xa9: {  	s0 =	sand.u32 $0x1, s21  }
0xaa: {  	p1 =	seq.s32 s0, $0x1  }
0xab: {  	s5 =	sadd.s32 $0xFE, s21;
	p2 =	por !p0, !p1  }
0xac: {  	s9 =	simm.s32 $0x1;
	s5 =	sshrl.u32 s5, $0x1;
	p2 =	por !p2, !p2  }
0xad: {  	s5 =	sand.u32 $0x7F, s5;
	s9 =	simm.s32 @!p2 $0x0  }
0xae: {  	s5 =	ssub.s32 s5, s9  }
0xaf: {  	s9 =	smul.u32 $0x56, s5;
	_ =	sdelay $0x1  }
0xb0: {  	s11 =	sshrl.u32 s9, $0xF  }
0xb1: {  	s9 =	sshrl.u32 s9, $0x8;
	s11 =	sand.u32 $0x1, s11  }
0xb2: {  	s9 =	sadd.s32 s11, s9  }
0xb3: {  	s9 =	smul.u32 $0x3, s9;
	_ =	sdelay $0x1  }
0xb4: {  	s5 =	ssub.s32 s5, s9  }
0xb5: {  	s5 =	sshll.u32 s5, $0x18  }
0xb6: {  	s5 =	sshra.s32 s5, $0x18  }
0xb7: {  	s22 =	smul.u32 $0xA0, s0;
	s9 =	simm.s32 @!p1 $0x2;
	s11 =	sshll.u32 s5, $0x7  }
0xb8: {  	_ =	swait.ge @!p1 [sflag:s9], $0x50;
	p2 =	slt.s32 s5, $0x0;
	s5 =	sadd.s32 $0x180, s11  }
0xb9: {  	s31 =	sshrl.u32 s22, $0x2;
	[sflag:s9] =	ssyncset.done @!p1 $0x0;
	s11 =	smov.u32 @p2 s5  }
0xba: {  	[sflag:s9] =	ssyncadd.s32 @!p1 $0xFFFFFFB0;
	s5 =	sor.u32 s31, s11  }
0xbb: {  	v2 =	vld [tilespmem:s5+$0x400];
	_ =	sdelay $0x4  }
0xbc: {  	v3 =	vshrl.u32 v2, $0x3  }
0xbd: {  	v3 =	vmul.u32 $0x18, v3  }
0xbe: {  	v2 =	vand.u32 $0x7, v2  }
0xbf: {  	v4 =	vshrl.u32 v1, $0x3;
	v2 =	vor.u32 v2, v3;
	v3 =	vand.u32 $0x7, v1  }
0xc0: {  	v4 =	vmul.u32 $0x8, v4;
	v5 =	vperm.xlane v2, v3;
	_ =	sdelay $0x1  }
0xc1: {  	v5 =	vadd.s32 v4, v5  }
0xc2: {  	v6 =	vor.u32 $0x8, v1;
	s0 =	smul.u32 $0xF000, s0  }
0xc3: {  	v2 =	vperm.xlane v2, v6  }
0xc4: {  	s0 =	sshrl.u32 s0, $0x2  }
0xc5: {  	s12 =	sadd.s32 $0x900, s0;
	v2 =	vadd.s32 v4, v2  }
0xc6: {  	[tilespmem:s12], [sflag:$0x3] =	stream.indirect_vreg.gather [hbm4b:s23+s4], $0x80, v5, vm0, $0xb8;
	[tilespmem:$0x1DE80] =	vst v63  }
0xc7: {  	s13 =	sadd.s32 $0x100, s23;
	s22 =	sadd.s32 $0x1100, s0  }
0xc8: {  	[tilespmem:s22], [sflag:$0x3] =	stream.indirect_vreg.gather [hbm4b:s13+s4], $0x80, v5, vm1, $0xb8;
	[tilespmem:$0x1DE80] =	vst v63  }
0xc9: {  	s24 =	sadd.s32 $0x1500, s0  }
0xca: {  	[tilespmem:s24], [sflag:$0x3] =	stream.indirect_vreg.gather [hbm4b:s23+s4], $0x80, v2, vm0, $0xb8;
	[tilespmem:$0x1DE80] =	vst v63  }
0xcb: {  	s25 =	sadd.s32 $0x1D00, s0  }
0xcc: {  	[tilespmem:s25], [sflag:$0x3] =	stream.indirect_vreg.gather [hbm4b:s13+s4], $0x80, v2, vm1, $0xb8;
	[tilespmem:$0x1DE80] =	vst v63  }
0xcd: {  	v2 =	vld [tilespmem:s5+$0x410];
	_ =	sdelay $0x4  }
0xce: {  	v62 =	vshrl.u32 v2, $0x3  }
0xcf: {  	v5 =	vmul.u32 $0x18, v62  }
0xd0: {  	v2 =	vand.u32 $0x7, v2  }
0xd1: {  	v2 =	vor.u32 v2, v5  }
0xd2: {  	v5 =	vperm.xlane v2, v3;
	_ =	sdelay $0x1  }
0xd3: {  	v5 =	vadd.s32 v4, v5;
	_ =	sdelay $0x1  }
0xd4: {  	v2 =	vperm.xlane v2, v6;
	_ =	sdelay $0x1  }
0xd5: {  	s26 =	sadd.s32 $0x2100, s0;
	v2 =	vadd.s32 v4, v2  }
0xd6: {  	[tilespmem:s26], [sflag:$0x3] =	stream.indirect_vreg.gather [hbm4b:s23+s4], $0x80, v5, vm0, $0xb8;
	[tilespmem:$0x1DE80] =	vst v63  }
0xd7: {  	s28 =	sadd.s32 $0x2900, s0  }
0xd8: {  	[tilespmem:s28], [sflag:$0x3] =	stream.indirect_vreg.gather [hbm4b:s13+s4], $0x80, v5, vm1, $0xb8;
	[tilespmem:$0x1DE80] =	vst v63  }
0xd9: {  	s29 =	sadd.s32 $0x2D00, s0  }
0xda: {  	[tilespmem:s29], [sflag:$0x3] =	stream.indirect_vreg.gather [hbm4b:s23+s4], $0x80, v2, vm0, $0xb8;
	[tilespmem:$0x1DE80] =	vst v63  }
0xdb: {  	s30 =	sadd.s32 $0x3500, s0  }
0xdc: {  	[tilespmem:s30], [sflag:$0x3] =	stream.indirect_vreg.gather [hbm4b:s13+s4], $0x80, v2, vm1, $0xb8;
	[tilespmem:$0x1DE80] =	vst v63  }
0xdd: {  	v2 =	vld.msk [tilespmem:s5+$0x420], $0xff;
	_ =	sdelay $0x4  }
0xde: {  	v63 =	vshrl.u32 v2, $0x3  }
0xdf: {  	v5 =	vmul.u32 $0x18, v63  }
0xe0: {  	v2 =	vand.u32 $0x7, v2  }
0xe1: {  	v2 =	vor.u32 v2, v5  }
0xe2: {  	v2 =	vperm.xlane v2, v3;
	_ =	sdelay $0x1  }
0xe3: {  	v2 =	vadd.s32 v4, v2;
	_ =	sdelay $0x3  }
0xe4: {  	s31 =	sadd.s32 $0x3900, s0  }
0xe5: {  	[tilespmem:s31], [sflag:$0x3] =	stream.indirect_vreg.gather [hbm4b:s23+s4], $0x80, v2, vm0, $0xb8;
	[tilespmem:$0x1DE80] =	vst v63  }
0xe6: {  	s0 =	sor.u32 $0x4100, s0  }
0xe7: {  	[tilespmem:s0], [sflag:$0x3] =	stream.indirect_vreg.gather [hbm4b:s13+s4], $0x80, v2, vm1, $0xb8;
	[tilespmem:$0x1DE80] =	vst v63  }
.LBB2_6:
0xe8: {  	s0 =	sand.u32 $0x1, s21  }
0xe9: {  	p2 =	sgt.u32 s21, $0xF9;
	p1 =	seq.s32 s0, $0x1  }
0xea: {  	p2 =	por !p1, p2  }
0xeb: {  	s5 =	simm.s32 @!p2 $0x1  }
0xec: {  	_ =	swait.ge @!p2 [sflag:s5], $0x50  }
0xed: {  	s9 =	sadd.s32 @!p2 $0xFFFFFFFF, s21;
	[sflag:s5] =	ssyncset.done @!p2 $0x0  }
0xee: {  	s11 =	sshrl.u32 @!p2 s9, $0x1;
	[sflag:s5] =	ssyncadd.s32 @!p2 $0xFFFFFFB0  }
0xef: {  	s22 =	smul.u32 @!p2 $0xAB, s11;
	_ =	swait.ge @!p2 [sflag:s5], $0x28  }
0xf0: {  	[sflag:s5] =	ssyncset.done @!p2 $0x0  }
0xf1: {  	s22 =	sshrl.u32 @!p2 s22, $0x9;
	[sflag:s5] =	ssyncadd.s32 @!p2 $0xFFFFFFD8  }
0xf2: {  	p1 =	sgt.u32 s21, $0xF8;
	s22 =	sand.u32 @!p2 $0x7F, s22;
	_ =	swait.ge @!p2 [sflag:s5], $0x28  }
0xf3: {  	p3 =	sne.s32 @!p1 s0, $0x0;
	s22 =	smul.u32 @!p2 $0x3, s22;
	[sflag:s5] =	ssyncset.done @!p2 $0x0  }
0xf4: {  	p1 =	por p3, p1;
	[sflag:s5] =	ssyncadd.s32 @!p2 $0xFFFFFFD8  }
0xf5: {  	s9 =	sshll.u32 @!p2 s9, $0x6;
	s0 =	ssub.s32 @!p2 s11, s22;
	_ =	swait.ge @!p2 [sflag:s5], $0xF0  }
0xf6: {  	s9 =	sand.u32 @!p2 $0x80, s9;
	s0 =	sand.u32 @!p2 $0xF7, s0;
	[sflag:s5] =	ssyncset.done @!p2 $0x0  }
0xf7: {  	s0 =	sshll.u32 @!p2 s0, $0x7;
	[sflag:s5] =	ssyncadd.s32 @!p2 $0xFFFFFF10;
	s5 =	sshrl.u32 @!p1 s21, $0x1  }
0xf8: {  	s11 =	simm.s32 @!p2 $0x50;
	s0 =	sor.u32 @!p2 $0x400, s0;
	s22 =	smul.u32 @!p1 $0xAB, s5  }
0xf9: {  	[tilespmem:s0], [sflag:$0x2] =	stream.indirect.gather @!p2 [hbm4b:s2+s11], $0x1, s9, s11, $0xb8;
	[tilespmem:$0x1DE80] =	vst v63  }
0xfa: {  	s0 =	sshrl.u32 @!p1 s22, $0x9  }
0xfb: {  	s9 =	smul.u32 @!p1 $0x50, s5;
	s0 =	sand.u32 @!p1 $0x7F, s0  }
0xfc: {  	s0 =	smul.u32 @!p1 $0x3, s0  }
0xfd: {  	s24 =	simm.s32 @!p1 $0x0  }
0xfe: {  	s0 =	ssub.s32 @!p1 s5, s0;
	s5 =	sadd.s32 @!p1 s15, s9;
	s9 =	sshll.u32 @!p1 s21, $0x6  }
0xff: {  	s0 =	sand.u32 @!p1 $0xFF, s0;
	s11 =	sshrl.u32 @!p1 s5, $0x3;
	s9 =	sand.u32 @!p1 $0x80, s9  }
0x100: {  	s0 =	sshll.u32 @!p1 s0, $0x8;
	s22 =	sadd.s32 @!p1 s6, s11;
	s11 =	sadd.s32 @!p1 s1, s11  }
0x101: {  	[tilespmem:s9], [sflag:$0x1] =	stream.linear.gather @!p1 [hbm4b:s22+s24], $0x50, $0x38;
	[tilespmem:$0x1DE80] =	vst v63  }
0x102: {  	s9 =	sadd.s32 @!p1 $0x28, s5;
	s22 =	sadd.s32 @!p1 $0x100, s0;
	s5 =	smul.u32 @!p1 $0x3, s5  }
0x103: {  	[tilespmem:s22], [sflag:$0x1] =	stream.linear.gather @!p1 [hbm4b:s11+s24], $0x28, $0x38;
	[tilespmem:$0x1DE80] =	vst v63  }
.Ltmp4:
0x104: {  	s9 =	sshrl.u32 @!p1 s9, $0x3;
	(pc) =	sbr.rel @p0 .LBB2_10-.Ltmp4, $4  }
0x105: {  	s11 =	sadd.s32 @!p1 $0x180, s0;
	s9 =	sadd.s32 @!p1 s1, s9;
	s5 =	sshrl.u32 @!p1 s5, $0x3  }
0x106: {  	[tilespmem:s11], [sflag:$0x1] =	stream.linear.gather @!p1 [hbm4b:s9+s24], $0x28, $0x38;
	[tilespmem:$0x1DE80] =	vst v63  }
0x107: {  	s0 =	sadd.s32 @!p1 $0x600, s0;
	s5 =	sadd.s32 @!p1 s7, s5  }
0x108: {  	[tilespmem:s0], [sflag:$0x1] =	stream.linear.gather @!p1 [hbm4b:s5+s24], $0xF0, $0x38;
	[tilespmem:$0x1DE80] =	vst v63  }
0x109: {  	s0 =	sadd.s32 $0xFFFFFFFD, s21  }
0x10a: {  	s5 =	sshrl.u32 s0, $0x1  }
0x10b: {  	s9 =	sand.u32 $0xFF, s5  }
0x10c: {  	s9 =	smul.u32 $0xAB, s9;
	_ =	sdelay $0x1  }
0x10d: {  	s9 =	sshrl.u32 s9, $0x9  }
0x10e: {  	s9 =	smul.u32 $0x3, s9  }
0x10f: {  	s22 =	sand.u32 $0x1, s0  }
0x110: {  	s28 =	smul.u32 $0x1E0, s22;
	s26 =	ssub.s32 s5, s9  }
0x111: {  	s0 =	sand.u32 $0xFF, s26  }
0x112: {  	s29 =	smul.u32 $0xF000, s22;
	s30 =	sshrl.u32 s28, $0x2;
	s24 =	sshll.u32 s0, $0x8  }
0x113: {  	s0 =	sor.u32 s30, s24  }
0x114: {  	s31 =	sshrl.u32 s29, $0x2;
	s0 =	sadd.s32 $0x600, s0  }
0x115: {  	s5 =	sadd.s32 $0x900, s31;
	v2 =	vmov s0  }
0x116: {  	s25 =	simm.s32 $0x0;
	v3 =	vmov s5  }
.LBB2_8:
0x117: {  	s0 =	smul.u32 $0xC, s25;
	s5 =	sshrl.u32 s25, $0x3  }
0x118: {  	s5 =	smul.u32 $0x3000, s5  }
0x119: {  	s13 =	sor.u32 $0x1, s25;
	s0 =	sshra.s32 s0, $0x2  }
0x11a: {  	s29 =	smul.u32 $0xC, s13;
	v4 =	vld.idx.msk [tilespmem:v2+s0+$0x0 ss:$0x1], $0xffff;
	s26 =	sshra.s32 s5, $0x2  }
0x11b: {  	v5 =	vld.idx.msk [tilespmem:v3+s26+$0x0 ss:$0x1], $0xffff  }
0x11c: {  	s9 =	sor.u32 $0x2, s25;
	s5 =	sshra.s32 s29, $0x2;
	v6 =	vld.idx.msk [tilespmem:v3+s26+$0x400 ss:$0x1], $0xffff  }
0x11d: {  	s30 =	smul.u32 $0xC, s9;
	v9 =	vld.idx.msk [tilespmem:v2+s5+$0x0 ss:$0x1], $0xffff  }
0x11e: {  	v7 =	vld.idx.msk [tilespmem:v3+s26+$0x800 ss:$0x1], $0xffff  }
0x11f: {  	v10 =	vld.idx.msk [tilespmem:v3+s26+$0x80 ss:$0x1], $0xffff;
	s5 =	sshra.s32 s30, $0x2  }
0x120: {  	v15 =	vld.idx.msk [tilespmem:v2+s5+$0x0 ss:$0x1], $0xffff  }
0x121: {  	v13 =	vld.idx.msk [tilespmem:v3+s26+$0x480 ss:$0x1], $0xffff;
	v12 =	vbroadcast v4, $0x0;
	v8 =	vbroadcast v4, $0x1  }
0x122: {  	v16 =	vld.idx.msk [tilespmem:v3+s26+$0x880 ss:$0x1], $0xffff;
	v11 =	vbroadcast v4, $0x2;
	v4 =	vbroadcast v9, $0x0  }
0x123: {  	v17 =	vld.idx.msk [tilespmem:v3+s26+$0x100 ss:$0x1], $0xffff;
	v14 =	vmul.f32 v5, v12;
	v6 =	vmul.f32 v6, v8  }
0x124: {  	v19 =	vld.idx.msk [tilespmem:v3+s26+$0x500 ss:$0x1], $0xffff;
	v5 =	vbroadcast v9, $0x1;
	v18 =	vmul.f32 v7, v11  }
0x125: {  	v7 =	vbroadcast v15, $0x0;
	v20 =	vmul.f32 v10, v4;
	v14 =	vadd.f32 v6, v14  }
0x126: {  	v21 =	vld.idx.msk [tilespmem:v3+s26+$0x900 ss:$0x1], $0xffff;
	v13 =	vmul.f32 v13, v5;
	v6 =	vbroadcast v9, $0x2  }
0x127: {  	s31 =	sshll.u32 s25, $0x7;
	v10 =	vbroadcast v15, $0x1;
	v50 =	vadd.f32 v18, v14  }
0x128: {  	s28 =	sand.u32 $0x3FFFFF80, s31;
	v52 =	vmul.f32 v17, v7;
	v13 =	vadd.f32 v13, v20;
	v51 =	vmul.f32 v16, v6  }
0x129: {  	v9 =	vbroadcast v15, $0x2;
	v53 =	vmul.f32 v19, v10;
	[tilespmem:s28+$0x8100] =	vst v50  }
0x12a: {  	s0 =	sshll.u32 s13, $0x7;
	v13 =	vadd.f32 v51, v13;
	v54 =	vld.idx.msk [tilespmem:v3+s26+$0x10 ss:$0x1], $0xffff  }
0x12b: {  	s29 =	sand.u32 $0x3FFFFF80, s0;
	v56 =	vmul.f32 v21, v9;
	v16 =	vadd.f32 v53, v52;
	v55 =	vld.idx.msk [tilespmem:v3+s26+$0x410 ss:$0x1], $0xffff  }
0x12c: {  	v57 =	vld.idx.msk [tilespmem:v3+s26+$0x810 ss:$0x1], $0xffff;
	[tilespmem:s29+$0x8100] =	vst v13  }
0x12d: {  	s9 =	sshll.u32 s9, $0x7;
	v16 =	vadd.f32 v56, v16;
	v13 =	vld.idx.msk [tilespmem:v3+s26+$0x90 ss:$0x1], $0xffff  }
0x12e: {  	s30 =	sand.u32 $0x3FFFFF80, s9;
	v58 =	vld.idx.msk [tilespmem:v3+s26+$0x490 ss:$0x1], $0xffff  }
0x12f: {  	v59 =	vld.idx.msk [tilespmem:v3+s26+$0x890 ss:$0x1], $0xffff;
	[tilespmem:s30+$0x8100] =	vst v16  }
0x130: {  	v16 =	vld.idx.msk [tilespmem:v3+s26+$0x110 ss:$0x1], $0xffff;
	v15 =	vmul.f32 v54, v12;
	v14 =	vmul.f32 v55, v8  }
0x131: {  	v60 =	vld.idx.msk [tilespmem:v3+s26+$0x510 ss:$0x1], $0xffff  }
0x132: {  	v61 =	vmul.f32 v57, v11;
	v14 =	vadd.f32 v14, v15  }
0x133: {  	v62 =	vld.idx.msk [tilespmem:v3+s26+$0x910 ss:$0x1], $0xffff;
	v13 =	vmul.f32 v13, v4;
	v17 =	vmul.f32 v58, v5  }
0x134: {  	v14 =	vadd.f32 v61, v14  }
0x135: {  	v63 =	vmul.f32 v59, v6;
	v13 =	vadd.f32 v17, v13  }
0x136: {  	v21 =	vmul.f32 v16, v7;
	v22 =	vmul.f32 v60, v10;
	[tilespmem:s28+$0x8110] =	vst v14  }
0x137: {  	v13 =	vadd.f32 v63, v13;
	v23 =	vld.idx.msk [tilespmem:v3+s26+$0x20 ss:$0x1], $0xffff  }
0x138: {  	v25 =	vmul.f32 v62, v9;
	v14 =	vadd.f32 v22, v21;
	v24 =	vld.idx.msk [tilespmem:v3+s26+$0x420 ss:$0x1], $0xffff  }
0x139: {  	v26 =	vld.idx.msk [tilespmem:v3+s26+$0x820 ss:$0x1], $0xffff;
	[tilespmem:s29+$0x8110] =	vst v13  }
0x13a: {  	v14 =	vadd.f32 v25, v14;
	v13 =	vld.idx.msk [tilespmem:v3+s26+$0xA0 ss:$0x1], $0xffff  }
0x13b: {  	v27 =	vld.idx.msk [tilespmem:v3+s26+$0x4A0 ss:$0x1], $0xffff  }
0x13c: {  	v28 =	vld.idx.msk [tilespmem:v3+s26+$0x8A0 ss:$0x1], $0xffff;
	[tilespmem:s30+$0x8110] =	vst v14  }
0x13d: {  	v30 =	vld.idx.msk [tilespmem:v3+s26+$0x120 ss:$0x1], $0xffff;
	v29 =	vmul.f32 v23, v12;
	v15 =	vmul.f32 v24, v8  }
0x13e: {  	s11 =	sor.u32 $0x3, s25;
	v31 =	vld.idx.msk [tilespmem:v3+s26+$0x520 ss:$0x1], $0xffff  }
0x13f: {  	s12 =	smul.u32 $0xC, s11;
	v32 =	vmul.f32 v26, v11;
	v14 =	vadd.f32 v15, v29  }
0x140: {  	v33 =	vld.idx.msk [tilespmem:v3+s26+$0x920 ss:$0x1], $0xffff;
	v13 =	vmul.f32 v13, v4;
	v16 =	vmul.f32 v27, v5  }
0x141: {  	s5 =	sshra.s32 s12, $0x2;
	v14 =	vadd.f32 v32, v14  }
0x142: {  	v44 =	vld.idx.msk [tilespmem:v2+s5+$0x0 ss:$0x1], $0xffff;
	v34 =	vmul.f32 v28, v6;
	v13 =	vadd.f32 v16, v13  }
0x143: {  	v22 =	vld.idx.msk [tilespmem:v3+s26+$0x180 ss:$0x1], $0xffff;
	v35 =	vmul.f32 v30, v7;
	v36 =	vmul.f32 v31, v10;
	[tilespmem:s28+$0x8120] =	vst v14  }
0x144: {  	v13 =	vadd.f32 v34, v13;
	v37 =	vld.idx.msk [tilespmem:v3+s26+$0x30 ss:$0x1], $0xffff  }
0x145: {  	v39 =	vmul.f32 v33, v9;
	v14 =	vadd.f32 v36, v35;
	v38 =	vld.idx.msk [tilespmem:v3+s26+$0x430 ss:$0x1], $0xffff  }
0x146: {  	v40 =	vld.idx.msk [tilespmem:v3+s26+$0x830 ss:$0x1], $0xffff;
	[tilespmem:s29+$0x8120] =	vst v13  }
0x147: {  	v14 =	vadd.f32 v39, v14;
	v13 =	vld.idx.msk [tilespmem:v3+s26+$0xB0 ss:$0x1], $0xffff  }
0x148: {  	v41 =	vld.idx.msk [tilespmem:v3+s26+$0x4B0 ss:$0x1], $0xffff  }
0x149: {  	v42 =	vld.idx.msk [tilespmem:v3+s26+$0x8B0 ss:$0x1], $0xffff;
	[tilespmem:s30+$0x8120] =	vst v14  }
0x14a: {  	v14 =	vld.idx.msk [tilespmem:v3+s26+$0x130 ss:$0x1], $0xffff;
	v17 =	vmul.f32 v37, v12;
	v15 =	vmul.f32 v38, v8  }
0x14b: {  	v43 =	vld.idx.msk [tilespmem:v3+s26+$0x530 ss:$0x1], $0xffff  }
0x14c: {  	v46 =	vld.idx.msk [tilespmem:v3+s26+$0x930 ss:$0x1], $0xffff;
	v45 =	vmul.f32 v40, v11;
	v15 =	vadd.f32 v15, v17  }
0x14d: {  	v47 =	vld.idx.msk [tilespmem:v3+s26+$0x580 ss:$0x1], $0xffff;
	v13 =	vmul.f32 v13, v4;
	v16 =	vmul.f32 v41, v5  }
0x14e: {  	v19 =	vmul.f32 v42, v6;
	v15 =	vadd.f32 v45, v15  }
0x14f: {  	v49 =	vld.idx.msk [tilespmem:v3+s26+$0x980 ss:$0x1], $0xffff;
	v16 =	vadd.f32 v16, v13;
	v23 =	vmul.f32 v14, v7;
	v13 =	vbroadcast v44, $0x0  }
0x150: {  	v48 =	vmul.f32 v43, v10;
	v14 =	vbroadcast v44, $0x1;
	[tilespmem:s28+$0x8130] =	vst v15  }
0x151: {  	v18 =	vmul.f32 v46, v9;
	v16 =	vadd.f32 v19, v16;
	v22 =	vmul.f32 v22, v13;
	v24 =	vld.idx.msk [tilespmem:v3+s26+$0x40 ss:$0x1], $0xffff  }
0x152: {  	v23 =	vadd.f32 v48, v23;
	v51 =	vmul.f32 v47, v14;
	v15 =	vbroadcast v44, $0x2;
	v50 =	vld.idx.msk [tilespmem:v3+s26+$0x440 ss:$0x1], $0xffff  }
0x153: {  	v25 =	vld.idx.msk [tilespmem:v3+s26+$0x840 ss:$0x1], $0xffff;
	[tilespmem:s29+$0x8130] =	vst v16  }
0x154: {  	v18 =	vadd.f32 v18, v23;
	v16 =	vadd.f32 v51, v22;
	v20 =	vmul.f32 v49, v15;
	v52 =	vld.idx.msk [tilespmem:v3+s26+$0xC0 ss:$0x1], $0xffff  }
0x155: {  	v53 =	vld.idx.msk [tilespmem:v3+s26+$0x4C0 ss:$0x1], $0xffff  }
0x156: {  	s0 =	sshll.u32 s11, $0x7;
	v54 =	vld.idx.msk [tilespmem:v3+s26+$0x8C0 ss:$0x1], $0xffff;
	[tilespmem:s30+$0x8130] =	vst v18;
	v16 =	vadd.f32 v20, v16  }
0x157: {  	s31 =	sand.u32 $0x3FFFFF80, s0;
	v56 =	vld.idx.msk [tilespmem:v3+s26+$0x140 ss:$0x1], $0xffff  }
0x158: {  	v57 =	vld.idx.msk [tilespmem:v3+s26+$0x540 ss:$0x1], $0xffff;
	v55 =	vmul.f32 v24, v12;
	v19 =	vmul.f32 v50, v8;
	[tilespmem:s31+$0x8100] =	vst v16  }
0x159: {  	v30 =	vld.idx.msk [tilespmem:v3+s26+$0x990 ss:$0x1], $0xffff  }
0x15a: {  	s0 =	sor.u32 $0x4, s25;
	v59 =	vld.idx.msk [tilespmem:v3+s26+$0x940 ss:$0x1], $0xffff;
	v58 =	vmul.f32 v25, v11;
	v18 =	vadd.f32 v19, v55  }
0x15b: {  	s13 =	smul.u32 $0xC, s0;
	v62 =	vld.idx.msk [tilespmem:v3+s26+$0x190 ss:$0x1], $0xffff  }
0x15c: {  	v63 =	vld.idx.msk [tilespmem:v3+s26+$0x590 ss:$0x1], $0xffff;
	v60 =	vmul.f32 v52, v4;
	v18 =	vadd.f32 v58, v18  }
0x15d: {  	s12 =	sshra.s32 s13, $0x2;
	v61 =	vmul.f32 v53, v5;
	v29 =	vmul.f32 v56, v7  }
0x15e: {  	s9 =	sor.u32 $0x6, s25;
	v20 =	vmul.f32 v57, v10;
	[tilespmem:s28+$0x8140] =	vst v18;
	v38 =	vmul.f32 v30, v15;
	v30 =	vld.idx.msk [tilespmem:v2+s12+$0x0 ss:$0x1], $0xffff  }
0x15f: {  	s13 =	smul.u32 $0xC, s9;
	v28 =	vmul.f32 v54, v6;
	v16 =	vadd.f32 v61, v60;
	v31 =	vld.idx.msk [tilespmem:v3+s26+$0x50 ss:$0x1], $0xffff  }
0x160: {  	v33 =	vmul.f32 v59, v9;
	v18 =	vadd.f32 v20, v29;
	v32 =	vld.idx.msk [tilespmem:v3+s26+$0x450 ss:$0x1], $0xffff  }
0x161: {  	s13 =	sshra.s32 s13, $0x2;
	v16 =	vadd.f32 v28, v16;
	v35 =	vmul.f32 v62, v13;
	v19 =	vmul.f32 v63, v14;
	v34 =	vld.idx.msk [tilespmem:v3+s26+$0x850 ss:$0x1], $0xffff  }
0x162: {  	v18 =	vadd.f32 v33, v18;
	v33 =	vld.idx.msk [tilespmem:v2+s13+$0x0 ss:$0x1], $0xffff  }
0x163: {  	[tilespmem:s29+$0x8140] =	vst v16;
	v16 =	vadd.f32 v19, v35;
	v35 =	vld.idx.msk [tilespmem:v3+s26+$0x680 ss:$0x1], $0xffff  }
0x164: {  	v36 =	vld.idx.msk [tilespmem:v3+s26+$0xD0 ss:$0x1], $0xffff  }
0x165: {  	v37 =	vld.idx.msk [tilespmem:v3+s26+$0x4D0 ss:$0x1], $0xffff  }
0x166: {  	v39 =	vld.idx.msk [tilespmem:v3+s26+$0x8D0 ss:$0x1], $0xffff;
	[tilespmem:s30+$0x8140] =	vst v18;
	v16 =	vadd.f32 v38, v16  }
0x167: {  	v41 =	vld.idx.msk [tilespmem:v3+s26+$0x150 ss:$0x1], $0xffff  }
0x168: {  	v42 =	vld.idx.msk [tilespmem:v3+s26+$0x550 ss:$0x1], $0xffff;
	[tilespmem:s31+$0x8110] =	vst v16  }
0x169: {  	s5 =	sor.u32 $0x5, s25;
	v46 =	vld.idx.msk [tilespmem:v3+s26+$0x1A0 ss:$0x1], $0xffff  }
0x16a: {  	s11 =	smul.u32 $0xC, s5;
	v40 =	vmul.f32 v31, v12;
	v17 =	vmul.f32 v32, v8;
	v47 =	vld.idx.msk [tilespmem:v3+s26+$0x5A0 ss:$0x1], $0xffff  }
0x16b: {  	v44 =	vld.idx.msk [tilespmem:v3+s26+$0x950 ss:$0x1], $0xffff;
	v45 =	vmul.f32 v36, v4;
	v20 =	vmul.f32 v37, v5  }
0x16c: {  	s12 =	sshra.s32 s11, $0x2;
	s11 =	sor.u32 $0x7, s25;
	v43 =	vmul.f32 v34, v11;
	v50 =	vld.idx.msk [tilespmem:v3+s26+$0x9A0 ss:$0x1], $0xffff;
	v17 =	vadd.f32 v17, v40  }
0x16d: {  	v31 =	vld.idx.msk [tilespmem:v2+s12+$0x0 ss:$0x1], $0xffff;
	s12 =	smul.u32 $0xC, s11;
	v48 =	vmul.f32 v39, v6;
	v16 =	vadd.f32 v20, v45  }
0x16e: {  	v32 =	vld.idx.msk [tilespmem:v3+s26+$0xA00 ss:$0x1], $0xffff;
	v17 =	vadd.f32 v43, v17  }
0x16f: {  	v34 =	vld.idx.msk [tilespmem:v3+s26+$0x280 ss:$0x1], $0xffff;
	s12 =	sshra.s32 s12, $0x2;
	v16 =	vadd.f32 v48, v16;
	v55 =	vmul.f32 v46, v13;
	v18 =	vmul.f32 v47, v14  }
0x170: {  	v36 =	vld.idx.msk [tilespmem:v2+s12+$0x0 ss:$0x1], $0xffff;
	[tilespmem:s28+$0x8150] =	vst v17  }
0x171: {  	v58 =	vmul.f32 v50, v15;
	v51 =	vld.idx.msk [tilespmem:v3+s26+$0x60 ss:$0x1], $0xffff;
	[tilespmem:s29+$0x8150] =	vst v16;
	v16 =	vadd.f32 v18, v55  }
0x172: {  	v52 =	vld.idx.msk [tilespmem:v3+s26+$0x460 ss:$0x1], $0xffff  }
0x173: {  	v54 =	vld.idx.msk [tilespmem:v3+s26+$0x860 ss:$0x1], $0xffff;
	v16 =	vadd.f32 v58, v16  }
0x174: {  	v56 =	vld.idx.msk [tilespmem:v3+s26+$0xE0 ss:$0x1], $0xffff  }
0x175: {  	v49 =	vmul.f32 v41, v7;
	v19 =	vmul.f32 v42, v10;
	v57 =	vld.idx.msk [tilespmem:v3+s26+$0x4E0 ss:$0x1], $0xffff;
	[tilespmem:s31+$0x8120] =	vst v16  }
0x176: {  	v63 =	vld.idx.msk [tilespmem:v3+s26+$0x1B0 ss:$0x1], $0xffff  }
0x177: {  	v53 =	vmul.f32 v44, v9;
	v17 =	vadd.f32 v19, v49;
	v26 =	vld.idx.msk [tilespmem:v3+s26+$0x5B0 ss:$0x1], $0xffff  }
0x178: {  	v59 =	vld.idx.msk [tilespmem:v3+s26+$0x8E0 ss:$0x1], $0xffff  }
0x179: {  	v17 =	vadd.f32 v53, v17;
	v40 =	vld.idx.msk [tilespmem:v3+s26+$0x9B0 ss:$0x1], $0xffff  }
0x17a: {  	v53 =	vld.idx.msk [tilespmem:v3+s26+$0x600 ss:$0x1], $0xffff;
	v62 =	vmul.f32 v51, v12  }
0x17b: {  	v55 =	vld.idx.msk [tilespmem:v3+s26+$0x700 ss:$0x1], $0xffff;
	[tilespmem:s30+$0x8150] =	vst v17;
	v21 =	vmul.f32 v56, v4;
	v19 =	vmul.f32 v57, v5  }
0x17c: {  	v17 =	vld.idx.msk [tilespmem:v3+s26+$0x160 ss:$0x1], $0xffff;
	v45 =	vmul.f32 v63, v13;
	v46 =	vmul.f32 v26, v14  }
0x17d: {  	v60 =	vld.idx.msk [tilespmem:v3+s26+$0x560 ss:$0x1], $0xffff;
	v20 =	vmul.f32 v52, v8;
	v41 =	vmul.f32 v59, v6  }
0x17e: {  	v61 =	vld.idx.msk [tilespmem:v3+s26+$0x960 ss:$0x1], $0xffff;
	v19 =	vadd.f32 v19, v21;
	v49 =	vmul.f32 v40, v15;
	v48 =	vadd.f32 v46, v45  }
0x17f: {  	v52 =	vld.idx.msk [tilespmem:v3+s26+$0x200 ss:$0x1], $0xffff;
	v16 =	vadd.f32 v20, v62  }
0x180: {  	v39 =	vmul.f32 v54, v11;
	v56 =	vld.idx.msk [tilespmem:v3+s26+$0x780 ss:$0x1], $0xffff;
	v44 =	vadd.f32 v41, v19;
	v19 =	vadd.f32 v49, v48  }
0x181: {  	v57 =	vld.idx.msk [tilespmem:v3+s26+$0xB80 ss:$0x1], $0xffff  }
0x182: {  	v16 =	vadd.f32 v39, v16;
	v39 =	vld.idx.msk [tilespmem:v3+s26+$0xA80 ss:$0x1], $0xffff;
	[tilespmem:s31+$0x8130] =	vst v19  }
0x183: {  	v19 =	vld.idx.msk [tilespmem:v3+s26+$0x1C0 ss:$0x1], $0xffff  }
0x184: {  	v50 =	vld.idx.msk [tilespmem:v3+s26+$0x5C0 ss:$0x1], $0xffff  }
0x185: {  	v42 =	vmul.f32 v17, v7;
	v43 =	vmul.f32 v60, v10;
	v40 =	vld.idx.msk [tilespmem:v3+s26+$0x300 ss:$0x1], $0xffff  }
0x186: {  	v51 =	vld.idx.msk [tilespmem:v3+s26+$0x9C0 ss:$0x1], $0xffff  }
0x187: {  	[tilespmem:s28+$0x8160] =	vst v16;
	v16 =	vadd.f32 v43, v42;
	v43 =	vld.idx.msk [tilespmem:v3+s26+$0xB00 ss:$0x1], $0xffff  }
0x188: {  	v29 =	vld.idx.msk [tilespmem:v3+s26+$0x70 ss:$0x1], $0xffff  }
0x189: {  	v27 =	vld.idx.msk [tilespmem:v3+s26+$0x470 ss:$0x1], $0xffff;
	v19 =	vmul.f32 v19, v13;
	v21 =	vmul.f32 v50, v14  }
0x18a: {  	v25 =	vbroadcast v30, $0x1;
	v47 =	vmul.f32 v61, v9;
	v28 =	vld.idx.msk [tilespmem:v3+s26+$0x870 ss:$0x1], $0xffff  }
0x18b: {  	[tilespmem:s29+$0x8160] =	vst v44;
	v44 =	vld.idx.msk [tilespmem:v3+s26+$0x380 ss:$0x1], $0xffff;
	v22 =	vmul.f32 v51, v15;
	v21 =	vadd.f32 v21, v19;
	v19 =	vbroadcast v30, $0x0  }
0x18c: {  	v54 =	vmul.f32 v53, v25;
	v26 =	vbroadcast v31, $0x1;
	v16 =	vadd.f32 v47, v16;
	v23 =	vld.idx.msk [tilespmem:v3+s26+$0xF0 ss:$0x1], $0xffff  }
0x18d: {  	v24 =	vld.idx.msk [tilespmem:v3+s26+$0x4F0 ss:$0x1], $0xffff;
	v37 =	vadd.f32 v22, v21;
	v38 =	vmul.f32 v52, v19;
	v21 =	vbroadcast v30, $0x2  }
0x18e: {  	v35 =	vmul.f32 v35, v26;
	v17 =	vld.idx.msk [tilespmem:v3+s26+$0x8F0 ss:$0x1], $0xffff;
	[tilespmem:s30+$0x8160] =	vst v16;
	v22 =	vbroadcast v31, $0x0  }
0x18f: {  	v18 =	vld.idx.msk [tilespmem:v3+s26+$0x170 ss:$0x1], $0xffff;
	v30 =	vbroadcast v33, $0x0;
	v42 =	vmul.f32 v32, v21;
	v38 =	vadd.f32 v54, v38  }
0x190: {  	v20 =	vld.idx.msk [tilespmem:v3+s26+$0x570 ss:$0x1], $0xffff;
	v34 =	vmul.f32 v34, v22;
	v32 =	vbroadcast v31, $0x2  }
0x191: {  	s0 =	sshll.u32 s0, $0x7;
	v16 =	vld.idx.msk [tilespmem:v3+s26+$0x970 ss:$0x1], $0xffff;
	[tilespmem:s31+$0x8140] =	vst v37;
	v31 =	vbroadcast v33, $0x1;
	v40 =	vmul.f32 v40, v30;
	v38 =	vadd.f32 v42, v38  }
0x192: {  	s0 =	sand.u32 $0x3FFFFF80, s0;
	v33 =	vbroadcast v33, $0x2;
	v41 =	vld.idx.msk [tilespmem:v3+s26+$0x1D0 ss:$0x1], $0xffff;
	v39 =	vmul.f32 v39, v32;
	v35 =	vadd.f32 v35, v34  }
0x193: {  	v45 =	vld.idx.msk [tilespmem:v3+s26+$0x5D0 ss:$0x1], $0xffff;
	v37 =	vmul.f32 v55, v31;
	v34 =	vbroadcast v36, $0x0;
	[tilespmem:s0+$0x8100] =	vst v38  }
0x194: {  	s5 =	sshll.u32 s5, $0x7;
	v39 =	vadd.f32 v39, v35;
	v35 =	vbroadcast v36, $0x1;
	v46 =	vld.idx.msk [tilespmem:v3+s26+$0x210 ss:$0x1], $0xffff  }
0x195: {  	s5 =	sand.u32 $0x3FFFFF80, s5;
	v58 =	vmul.f32 v43, v33;
	v37 =	vadd.f32 v37, v40;
	v59 =	vmul.f32 v44, v34;
	v47 =	vld.idx.msk [tilespmem:v3+s26+$0x610 ss:$0x1], $0xffff  }
0x196: {  	v36 =	vbroadcast v36, $0x2;
	v60 =	vld.idx.msk [tilespmem:v3+s26+$0xA10 ss:$0x1], $0xffff;
	[tilespmem:s5+$0x8100] =	vst v39;
	v61 =	vmul.f32 v56, v35  }
0x197: {  	s9 =	sshll.u32 s9, $0x7;
	v37 =	vadd.f32 v58, v37;
	v62 =	vld.idx.msk [tilespmem:v3+s26+$0x290 ss:$0x1], $0xffff  }
0x198: {  	s9 =	sand.u32 $0x3FFFFF80, s9;
	v38 =	vmul.f32 v57, v36;
	v63 =	vld.idx.msk [tilespmem:v3+s26+$0x690 ss:$0x1], $0xffff;
	v39 =	vadd.f32 v61, v59  }
0x199: {  	v48 =	vld.idx.msk [tilespmem:v3+s26+$0xA90 ss:$0x1], $0xffff;
	[tilespmem:s9+$0x8100] =	vst v37  }
0x19a: {  	s11 =	sshll.u32 s11, $0x7;
	v51 =	vld.idx.msk [tilespmem:v3+s26+$0x310 ss:$0x1], $0xffff;
	v49 =	vmul.f32 v46, v19;
	v50 =	vmul.f32 v47, v25;
	v38 =	vadd.f32 v38, v39  }
0x19b: {  	s11 =	sand.u32 $0x3FFFFF80, s11;
	v52 =	vld.idx.msk [tilespmem:v3+s26+$0x710 ss:$0x1], $0xffff  }
0x19c: {  	v53 =	vld.idx.msk [tilespmem:v3+s26+$0xB10 ss:$0x1], $0xffff;
	v44 =	vmul.f32 v60, v21;
	v37 =	vadd.f32 v50, v49;
	[tilespmem:s11+$0x8100] =	vst v38  }
0x19d: {  	v54 =	vmul.f32 v62, v22;
	v40 =	vmul.f32 v63, v26;
	v55 =	vld.idx.msk [tilespmem:v3+s26+$0x390 ss:$0x1], $0xffff  }
0x19e: {  	v56 =	vld.idx.msk [tilespmem:v3+s26+$0x790 ss:$0x1], $0xffff;
	v37 =	vadd.f32 v44, v37  }
0x19f: {  	v57 =	vld.idx.msk [tilespmem:v3+s26+$0x9D0 ss:$0x1], $0xffff;
	v43 =	vmul.f32 v48, v32;
	v38 =	vadd.f32 v40, v54  }
0x1a0: {  	v59 =	vld.idx.msk [tilespmem:v3+s26+$0xB90 ss:$0x1], $0xffff;
	v58 =	vmul.f32 v51, v30;
	v39 =	vmul.f32 v52, v31;
	[tilespmem:s0+$0x8110] =	vst v37  }
0x1a1: {  	v38 =	vadd.f32 v43, v38;
	v60 =	vld.idx.msk [tilespmem:v3+s26+$0x220 ss:$0x1], $0xffff  }
0x1a2: {  	v46 =	vmul.f32 v53, v33;
	v37 =	vadd.f32 v39, v58;
	v61 =	vld.idx.msk [tilespmem:v3+s26+$0x620 ss:$0x1], $0xffff  }
0x1a3: {  	v62 =	vld.idx.msk [tilespmem:v3+s26+$0xA20 ss:$0x1], $0xffff;
	[tilespmem:s5+$0x8110] =	vst v38;
	v42 =	vmul.f32 v55, v34;
	v44 =	vmul.f32 v56, v35  }
0x1a4: {  	v41 =	vmul.f32 v41, v13;
	v45 =	vmul.f32 v45, v14;
	v37 =	vadd.f32 v46, v37;
	v63 =	vld.idx.msk [tilespmem:v3+s26+$0x2A0 ss:$0x1], $0xffff  }
0x1a5: {  	v47 =	vmul.f32 v59, v36;
	v48 =	vld.idx.msk [tilespmem:v3+s26+$0x6A0 ss:$0x1], $0xffff;
	v42 =	vadd.f32 v44, v42  }
0x1a6: {  	v41 =	vadd.f32 v45, v41;
	v40 =	vmul.f32 v57, v15;
	v49 =	vld.idx.msk [tilespmem:v3+s26+$0xAA0 ss:$0x1], $0xffff;
	[tilespmem:s9+$0x8110] =	vst v37  }
0x1a7: {  	v51 =	vld.idx.msk [tilespmem:v3+s26+$0x320 ss:$0x1], $0xffff;
	v50 =	vmul.f32 v60, v19;
	v39 =	vmul.f32 v61, v25;
	v42 =	vadd.f32 v47, v42  }
0x1a8: {  	v40 =	vadd.f32 v40, v41;
	v52 =	vld.idx.msk [tilespmem:v3+s26+$0x720 ss:$0x1], $0xffff  }
0x1a9: {  	v53 =	vld.idx.msk [tilespmem:v3+s26+$0xB20 ss:$0x1], $0xffff;
	v38 =	vmul.f32 v62, v21;
	v37 =	vadd.f32 v39, v50;
	[tilespmem:s11+$0x8110] =	vst v42  }
0x1aa: {  	v54 =	vmul.f32 v63, v22;
	v44 =	vmul.f32 v48, v26;
	v55 =	vld.idx.msk [tilespmem:v3+s26+$0x3A0 ss:$0x1], $0xffff  }
0x1ab: {  	[tilespmem:s31+$0x8150] =	vst v40;
	v56 =	vld.idx.msk [tilespmem:v3+s26+$0x7A0 ss:$0x1], $0xffff;
	v37 =	vadd.f32 v38, v37  }
0x1ac: {  	v40 =	vld.idx.msk [tilespmem:v3+s26+$0x1E0 ss:$0x1], $0xffff;
	v57 =	vmul.f32 v49, v32;
	v42 =	vadd.f32 v44, v54  }
0x1ad: {  	v59 =	vld.idx.msk [tilespmem:v3+s26+$0xBA0 ss:$0x1], $0xffff;
	v58 =	vmul.f32 v51, v30;
	v41 =	vmul.f32 v52, v31;
	[tilespmem:s0+$0x8120] =	vst v37  }
0x1ae: {  	v42 =	vadd.f32 v57, v42;
	v60 =	vld.idx.msk [tilespmem:v3+s26+$0x230 ss:$0x1], $0xffff  }
0x1af: {  	v39 =	vmul.f32 v53, v33;
	v37 =	vadd.f32 v41, v58;
	v61 =	vld.idx.msk [tilespmem:v3+s26+$0x630 ss:$0x1], $0xffff  }
0x1b0: {  	v62 =	vld.idx.msk [tilespmem:v3+s26+$0xA30 ss:$0x1], $0xffff;
	[tilespmem:s5+$0x8120] =	vst v42;
	v63 =	vmul.f32 v55, v34;
	v38 =	vmul.f32 v56, v35  }
0x1b1: {  	v37 =	vadd.f32 v39, v37;
	v48 =	vld.idx.msk [tilespmem:v3+s26+$0x2B0 ss:$0x1], $0xffff  }
0x1b2: {  	v50 =	vmul.f32 v59, v36;
	v49 =	vld.idx.msk [tilespmem:v3+s26+$0x6B0 ss:$0x1], $0xffff;
	v38 =	vadd.f32 v38, v63  }
0x1b3: {  	v51 =	vld.idx.msk [tilespmem:v3+s26+$0xAB0 ss:$0x1], $0xffff;
	[tilespmem:s9+$0x8120] =	vst v37  }
0x1b4: {  	v53 =	vld.idx.msk [tilespmem:v3+s26+$0x330 ss:$0x1], $0xffff;
	v52 =	vmul.f32 v60, v19;
	v44 =	vmul.f32 v61, v25;
	v38 =	vadd.f32 v50, v38  }
0x1b5: {  	v54 =	vld.idx.msk [tilespmem:v3+s26+$0x730 ss:$0x1], $0xffff  }
0x1b6: {  	v55 =	vld.idx.msk [tilespmem:v3+s26+$0xB30 ss:$0x1], $0xffff;
	v41 =	vmul.f32 v62, v21;
	v37 =	vadd.f32 v44, v52;
	[tilespmem:s11+$0x8120] =	vst v38  }
0x1b7: {  	v56 =	vmul.f32 v48, v22;
	v39 =	vmul.f32 v49, v26;
	v57 =	vld.idx.msk [tilespmem:v3+s26+$0x3B0 ss:$0x1], $0xffff  }
0x1b8: {  	v58 =	vld.idx.msk [tilespmem:v3+s26+$0x7B0 ss:$0x1], $0xffff;
	v37 =	vadd.f32 v41, v37  }
0x1b9: {  	v47 =	vld.idx.msk [tilespmem:v3+s26+$0x5E0 ss:$0x1], $0xffff;
	v59 =	vmul.f32 v51, v32;
	v38 =	vadd.f32 v39, v56  }
0x1ba: {  	v61 =	vld.idx.msk [tilespmem:v3+s26+$0xBB0 ss:$0x1], $0xffff;
	v60 =	vmul.f32 v53, v30;
	v42 =	vmul.f32 v54, v31;
	[tilespmem:s0+$0x8130] =	vst v37  }
0x1bb: {  	v38 =	vadd.f32 v59, v38;
	v62 =	vld.idx.msk [tilespmem:v3+s26+$0x240 ss:$0x1], $0xffff  }
0x1bc: {  	v48 =	vmul.f32 v55, v33;
	v37 =	vadd.f32 v42, v60;
	v63 =	vld.idx.msk [tilespmem:v3+s26+$0x640 ss:$0x1], $0xffff  }
0x1bd: {  	v49 =	vld.idx.msk [tilespmem:v3+s26+$0xA40 ss:$0x1], $0xffff;
	[tilespmem:s5+$0x8130] =	vst v38;
	v50 =	vmul.f32 v57, v34;
	v41 =	vmul.f32 v58, v35  }
0x1be: {  	v37 =	vadd.f32 v48, v37;
	v51 =	vld.idx.msk [tilespmem:v3+s26+$0x2C0 ss:$0x1], $0xffff  }
0x1bf: {  	v53 =	vmul.f32 v61, v36;
	v52 =	vld.idx.msk [tilespmem:v3+s26+$0x6C0 ss:$0x1], $0xffff;
	v38 =	vadd.f32 v41, v50  }
0x1c0: {  	v54 =	vld.idx.msk [tilespmem:v3+s26+$0xAC0 ss:$0x1], $0xffff;
	[tilespmem:s9+$0x8130] =	vst v37  }
0x1c1: {  	v56 =	vld.idx.msk [tilespmem:v3+s26+$0x340 ss:$0x1], $0xffff;
	v55 =	vmul.f32 v62, v19;
	v39 =	vmul.f32 v63, v25;
	v38 =	vadd.f32 v53, v38  }
0x1c2: {  	v57 =	vld.idx.msk [tilespmem:v3+s26+$0x740 ss:$0x1], $0xffff  }
0x1c3: {  	v59 =	vld.idx.msk [tilespmem:v3+s26+$0xB40 ss:$0x1], $0xffff;
	v58 =	vmul.f32 v49, v21;
	v37 =	vadd.f32 v39, v55;
	[tilespmem:s11+$0x8130] =	vst v38  }
0x1c4: {  	v60 =	vmul.f32 v51, v22;
	v42 =	vmul.f32 v52, v26;
	v61 =	vld.idx.msk [tilespmem:v3+s26+$0x3C0 ss:$0x1], $0xffff  }
0x1c5: {  	v62 =	vld.idx.msk [tilespmem:v3+s26+$0x7C0 ss:$0x1], $0xffff;
	v37 =	vadd.f32 v58, v37  }
0x1c6: {  	v63 =	vld.idx.msk [tilespmem:v3+s26+$0x9E0 ss:$0x1], $0xffff;
	v43 =	vmul.f32 v54, v32;
	v38 =	vadd.f32 v42, v60  }
0x1c7: {  	v49 =	vld.idx.msk [tilespmem:v3+s26+$0xBC0 ss:$0x1], $0xffff;
	v48 =	vmul.f32 v56, v30;
	v41 =	vmul.f32 v57, v31;
	[tilespmem:s0+$0x8140] =	vst v37  }
0x1c8: {  	v38 =	vadd.f32 v43, v38;
	v50 =	vld.idx.msk [tilespmem:v3+s26+$0x250 ss:$0x1], $0xffff  }
0x1c9: {  	v44 =	vmul.f32 v59, v33;
	v37 =	vadd.f32 v41, v48;
	v51 =	vld.idx.msk [tilespmem:v3+s26+$0x650 ss:$0x1], $0xffff  }
0x1ca: {  	v52 =	vld.idx.msk [tilespmem:v3+s26+$0xA50 ss:$0x1], $0xffff;
	[tilespmem:s5+$0x8140] =	vst v38;
	v46 =	vmul.f32 v61, v34;
	v39 =	vmul.f32 v62, v35  }
0x1cb: {  	v40 =	vmul.f32 v40, v13;
	v47 =	vmul.f32 v47, v14;
	v37 =	vadd.f32 v44, v37;
	v53 =	vld.idx.msk [tilespmem:v3+s26+$0x2D0 ss:$0x1], $0xffff  }
0x1cc: {  	v45 =	vmul.f32 v49, v36;
	v54 =	vld.idx.msk [tilespmem:v3+s26+$0x6D0 ss:$0x1], $0xffff;
	v39 =	vadd.f32 v39, v46  }
0x1cd: {  	v40 =	vadd.f32 v47, v40;
	v42 =	vmul.f32 v63, v15;
	v55 =	vld.idx.msk [tilespmem:v3+s26+$0xAD0 ss:$0x1], $0xffff;
	[tilespmem:s9+$0x8140] =	vst v37  }
0x1ce: {  	v57 =	vld.idx.msk [tilespmem:v3+s26+$0x350 ss:$0x1], $0xffff;
	v56 =	vmul.f32 v50, v19;
	v41 =	vmul.f32 v51, v25;
	v39 =	vadd.f32 v45, v39  }
0x1cf: {  	v40 =	vadd.f32 v42, v40;
	v58 =	vld.idx.msk [tilespmem:v3+s26+$0x750 ss:$0x1], $0xffff  }
0x1d0: {  	v59 =	vld.idx.msk [tilespmem:v3+s26+$0xB50 ss:$0x1], $0xffff;
	v38 =	vmul.f32 v52, v21;
	v37 =	vadd.f32 v41, v56;
	[tilespmem:s11+$0x8140] =	vst v39  }
0x1d1: {  	v60 =	vmul.f32 v53, v22;
	v61 =	vmul.f32 v54, v26;
	v62 =	vld.idx.msk [tilespmem:v3+s26+$0x3D0 ss:$0x1], $0xffff  }
0x1d2: {  	[tilespmem:s31+$0x8160] =	vst v40;
	v63 =	vld.idx.msk [tilespmem:v3+s26+$0x7D0 ss:$0x1], $0xffff;
	v37 =	vadd.f32 v38, v37  }
0x1d3: {  	v40 =	vld.idx.msk [tilespmem:v3+s26+$0x1F0 ss:$0x1], $0xffff;
	v48 =	vmul.f32 v55, v32;
	v39 =	vadd.f32 v61, v60  }
0x1d4: {  	v50 =	vld.idx.msk [tilespmem:v3+s26+$0xBD0 ss:$0x1], $0xffff;
	v49 =	vmul.f32 v57, v30;
	v42 =	vmul.f32 v58, v31;
	[tilespmem:s0+$0x8150] =	vst v37  }
0x1d5: {  	v39 =	vadd.f32 v48, v39;
	v51 =	vld.idx.msk [tilespmem:v3+s26+$0x260 ss:$0x1], $0xffff  }
0x1d6: {  	v41 =	vmul.f32 v59, v33;
	v37 =	vadd.f32 v42, v49;
	v52 =	vld.idx.msk [tilespmem:v3+s26+$0x660 ss:$0x1], $0xffff  }
0x1d7: {  	v53 =	vld.idx.msk [tilespmem:v3+s26+$0xA60 ss:$0x1], $0xffff;
	[tilespmem:s5+$0x8150] =	vst v39;
	v54 =	vmul.f32 v62, v34;
	v38 =	vmul.f32 v63, v35  }
0x1d8: {  	v37 =	vadd.f32 v41, v37;
	v55 =	vld.idx.msk [tilespmem:v3+s26+$0x2E0 ss:$0x1], $0xffff  }
0x1d9: {  	v57 =	vmul.f32 v50, v36;
	v56 =	vld.idx.msk [tilespmem:v3+s26+$0x6E0 ss:$0x1], $0xffff;
	v38 =	vadd.f32 v38, v54  }
0x1da: {  	v58 =	vld.idx.msk [tilespmem:v3+s26+$0xAE0 ss:$0x1], $0xffff;
	[tilespmem:s9+$0x8150] =	vst v37  }
0x1db: {  	v37 =	vld.idx.msk [tilespmem:v3+s26+$0x360 ss:$0x1], $0xffff;
	v38 =	vadd.f32 v57, v38  }
0x1dc: {  	v60 =	vld.idx.msk [tilespmem:v3+s26+$0x760 ss:$0x1], $0xffff;
	v59 =	vmul.f32 v51, v19;
	v44 =	vmul.f32 v52, v25  }
0x1dd: {  	v61 =	vld.idx.msk [tilespmem:v3+s26+$0xB60 ss:$0x1], $0xffff;
	[tilespmem:s11+$0x8150] =	vst v38  }
0x1de: {  	v63 =	vmul.f32 v53, v21;
	v62 =	vadd.f32 v44, v59;
	v48 =	vld.idx.msk [tilespmem:v3+s26+$0x3E0 ss:$0x1], $0xffff  }
0x1df: {  	v49 =	vmul.f32 v55, v22;
	v41 =	vmul.f32 v56, v26;
	v50 =	vld.idx.msk [tilespmem:v3+s26+$0x7E0 ss:$0x1], $0xffff  }
0x1e0: {  	v51 =	vld.idx.msk [tilespmem:v3+s26+$0x5F0 ss:$0x1], $0xffff;
	v38 =	vadd.f32 v63, v62  }
0x1e1: {  	v43 =	vmul.f32 v58, v32;
	v52 =	vld.idx.msk [tilespmem:v3+s26+$0xBE0 ss:$0x1], $0xffff;
	v41 =	vadd.f32 v41, v49  }
0x1e2: {  	v53 =	vld.idx.msk [tilespmem:v3+s26+$0x9F0 ss:$0x1], $0xffff;
	v37 =	vmul.f32 v37, v30;
	v46 =	vmul.f32 v60, v31;
	[tilespmem:s0+$0x8160] =	vst v38  }
0x1e3: {  	v12 =	vmul.f32 v29, v12;
	v56 =	vmul.f32 v61, v33;
	v54 =	vadd.f32 v43, v41;
	v55 =	vld.idx.msk [tilespmem:v3+s26+$0x270 ss:$0x1], $0xffff  }
0x1e4: {  	v37 =	vadd.f32 v46, v37;
	v57 =	vld.idx.msk [tilespmem:v3+s26+$0x670 ss:$0x1], $0xffff;
	v42 =	vmul.f32 v48, v34;
	v45 =	vmul.f32 v50, v35  }
0x1e5: {  	v8 =	vmul.f32 v27, v8;
	v11 =	vmul.f32 v28, v11;
	v58 =	vld.idx.msk [tilespmem:v3+s26+$0xA70 ss:$0x1], $0xffff;
	[tilespmem:s5+$0x8160] =	vst v54  }
0x1e6: {  	v59 =	vadd.f32 v56, v37;
	v62 =	vmul.f32 v52, v36;
	v61 =	vld.idx.msk [tilespmem:v3+s26+$0x2F0 ss:$0x1], $0xffff;
	v60 =	vadd.f32 v45, v42  }
0x1e7: {  	v8 =	vadd.f32 v8, v12;
	v4 =	vmul.f32 v23, v4;
	v5 =	vmul.f32 v24, v5;
	v63 =	vld.idx.msk [tilespmem:v3+s26+$0x6F0 ss:$0x1], $0xffff  }
0x1e8: {  	[tilespmem:s9+$0x8160] =	vst v59;
	v42 =	vld.idx.msk [tilespmem:v3+s26+$0xAF0 ss:$0x1], $0xffff;
	v29 =	vadd.f32 v62, v60  }
0x1e9: {  	v8 =	vadd.f32 v11, v8;
	v4 =	vadd.f32 v5, v4;
	v5 =	vmul.f32 v17, v6;
	v43 =	vld.idx.msk [tilespmem:v3+s26+$0x370 ss:$0x1], $0xffff  }
0x1ea: {  	v7 =	vmul.f32 v18, v7;
	v10 =	vmul.f32 v20, v10;
	v44 =	vld.idx.msk [tilespmem:v3+s26+$0x770 ss:$0x1], $0xffff;
	[tilespmem:s11+$0x8160] =	vst v29  }
0x1eb: {  	v4 =	vadd.f32 v5, v4;
	v5 =	vmul.f32 v40, v13;
	v45 =	vmul.f32 v51, v14;
	v47 =	vld.idx.msk [tilespmem:v3+s26+$0x3F0 ss:$0x1], $0xffff  }
0x1ec: {  	v9 =	vmul.f32 v16, v9;
	v7 =	vadd.f32 v10, v7;
	v48 =	vmul.f32 v53, v15;
	v49 =	vld.idx.msk [tilespmem:v3+s26+$0x7F0 ss:$0x1], $0xffff  }
0x1ed: {  	v52 =	vld.idx.msk [tilespmem:v3+s26+$0xB70 ss:$0x1], $0xffff;
	v5 =	vadd.f32 v45, v5;
	v50 =	vmul.f32 v55, v19;
	v51 =	vmul.f32 v57, v25  }
0x1ee: {  	v7 =	vadd.f32 v9, v7;
	v54 =	vmul.f32 v58, v21;
	v55 =	vmul.f32 v61, v22;
	v53 =	vld.idx.msk [tilespmem:v3+s26+$0xBF0 ss:$0x1], $0xffff  }
0x1ef: {  	v5 =	vadd.f32 v48, v5;
	v56 =	vmul.f32 v63, v26;
	v57 =	vmul.f32 v42, v32  }
0x1f0: {  	[tilespmem:s28+$0x8170] =	vst v8;
	v58 =	vadd.f32 v51, v50;
	v6 =	vmul.f32 v43, v30;
	v11 =	vmul.f32 v44, v31  }
0x1f1: {  	[tilespmem:s29+$0x8170] =	vst v4;
	v4 =	vadd.f32 v56, v55;
	v59 =	vmul.f32 v47, v34;
	v60 =	vmul.f32 v49, v35  }
0x1f2: {  	p0 =	slt.u32 s25, $0x20;
	[tilespmem:s30+$0x8170] =	vst v7;
	v61 =	vadd.f32 v54, v58;
	v62 =	vmul.f32 v52, v33;
	v6 =	vadd.f32 v11, v6  }
.Ltmp5:
0x1f3: {  	[tilespmem:s31+$0x8170] =	vst v5;
	v4 =	vadd.f32 v57, v4;
	v63 =	vmul.f32 v53, v36;
	v5 =	vadd.f32 v60, v59;
	(pc) =	sbr.rel @p0 .LBB2_8-.Ltmp5, $4  }
0x1f4: {  	[tilespmem:s0+$0x8170] =	vst v61;
	v6 =	vadd.f32 v62, v6  }
0x1f5: {  	[tilespmem:s5+$0x8170] =	vst v4;
	v4 =	vadd.f32 v63, v5  }
0x1f6: {  	s31 =	sadd.s32 $0x8, s25;
	[tilespmem:s9+$0x8170] =	vst v6  }
0x1f7: {  	s25 =	smov.u32 s31;
	[tilespmem:s11+$0x8170] =	vst v4  }
0x1f8: {  	s0 =	sshll.u32 s22, $0x7  }
0x1f9: {  	s0 =	sadd.s32 s0, s24  }
.Ltmp6:
0x1fa: {  	s0 =	sadd.s32 $0x100, s0;
	(pc) =	sbr.rel .LBB2_10-.Ltmp6, $4  }
0x1fb: {  	[spmem:s3] =	stream.indirect.scatter.add.f32 [tilespmem:s19], [sflag:$0x4], $0x80, s0, s18, $0xb8;
	[tilespmem:$0x1DE80] =	vst v63  }
0x1fc: {  	_ =	swait.ge [sflag:s16], $0x1400  }
0x1fd: {  	[sflag:s16] =	ssyncset.done $0x0  }
0x1fe: {  	[sflag:s16] =	ssyncadd.s32 $0xFFFFEC00  }
.LBB2_11:
0x1ff: {  	v15 =	vimm.f32 $0.0e+00;
	v2 =	vimm.f32 $0.0e+00  }
0x200: {  	v12 =	vimm.f32 $0.0e+00;
	v13 =	vimm.f32 $0.0e+00;
	v11 =	vimm.f32 $0.0e+00  }
0x201: {  	[bflag:$0x0] =	sbarrier.arrive $0xFFFF;
	s21 =	simm.s32 $0x0;
	v14 =	vimm.f32 $0.0e+00;
	v16 =	vimm.f32 $0.0e+00;
	v17 =	vimm.f32 $0.0e+00  }
.LBB2_12:
0x202: {  	s0 =	smul.u32 $0x19, s21;
	_ =	sdelay $0x1  }
0x203: {  	s0 =	sadd.s32 s10, s0  }
0x204: {  	s0 =	sshll.u32 s0, $0x7  }
0x205: {  	s0 =	sand.u32 $0x3FFFFF80, s0  }
0x206: {  	s0 =	sadd.s32 s0, s3  }
0x207: {  	[tilespmem:s17], [sflag:$0x4] =	stream.linear.gather [spmem:s0], $0xC80, $0x38;
	[tilespmem:$0x1DE80] =	vst v63  }
0x208: {  	_ =	swait.ge [sflag:s16], $0xC80  }
0x209: {  	[sflag:s16] =	ssyncset.done $0x0  }
0x20a: {  	[sflag:s16] =	ssyncadd.s32 $0xFFFFF380  }
0x20b: {  	s29 =	simm.s32 $0x0;
	v10 =	vld [tilespmem:$0xA570]  }
0x20c: {  	v4 =	vld [tilespmem:s29+$0x9570]  }
0x20d: {  	v9 =	vld [tilespmem:$0xA500]  }
0x20e: {  	v8 =	vld [tilespmem:$0xA510]  }
0x20f: {  	v18 =	vld [tilespmem:s29+$0x9500]  }
0x210: {  	v7 =	vld [tilespmem:$0xA520]  }
0x211: {  	v6 =	vld [tilespmem:$0xA530];
	v4 =	vadd.f32 v10, v4  }
0x212: {  	v19 =	vld [tilespmem:s29+$0x9510]  }
0x213: {  	v20 =	vld [tilespmem:s29+$0x9520];
	v4 =	vadd.f32 v4, v4  }
0x214: {  	v21 =	vld [tilespmem:s29+$0x9530];
	v18 =	vadd.f32 v9, v18  }
0x215: {  	v5 =	vld [tilespmem:$0xA540];
	v4 =	vmul.f32 $1.442695020e+00, v4  }
0x216: {  	v3 =	vld [tilespmem:$0xA550];
	v18 =	vadd.f32 v18, v18  }
0x217: {  	v22 =	vld [tilespmem:s29+$0x9540];
	(erf) = vpow2.f32 v4;
	v4 =	vadd.f32 v8, v19  }
0x218: {  	v23 =	vld [tilespmem:s29+$0x9550];
	v18 =	vmul.f32 $1.442695020e+00, v18;
	v19 =	vadd.f32 v7, v20  }
0x219: {  	v24 =	vld [tilespmem:s29+$0x9560];
	v20 =	vadd.f32 v6, v21;
	v21 =	vadd.f32 v4, v4  }
0x21a: {  	(erf) = vpow2.f32 v18;
	v19 =	vadd.f32 v19, v19;
	v4 =	vld [tilespmem:$0xA560]  }
0x21b: {  	v20 =	vadd.f32 v20, v20;
	v21 =	vmul.f32 $1.442695020e+00, v21  }
0x21c: {  	v22 =	vadd.f32 v5, v22;
	v19 =	vmul.f32 $1.442695020e+00, v19  }
0x21d: {  	v23 =	vadd.f32 v3, v23;
	v20 =	vmul.f32 $1.442695020e+00, v20;
	(erf) = vpow2.f32 v21  }
0x21e: {  	v22 =	vadd.f32 v22, v22;
	(erf) = vpow2.f32 v19  }
0x21f: {  	v18 =	vadd.f32 v23, v23;
	(erf) = vpow2.f32 v20;
	v20 =	vadd.f32 v4, v24  }
0x220: {  	v21 =	vmul.f32 $1.442695020e+00, v22  }
0x221: {  	v18 =	vmul.f32 $1.442695020e+00, v18;
	v19 =	vpop (erf)  }
0x222: {  	(erf) = vpow2.f32 v21;
	v19 =	vadd.f32 $1.000000000e+00, v19  }
0x223: {  	s30 =	simm.s32 $0x80;
	(erf) = vpow2.f32 v18;
	v18 =	vadd.f32 v20, v20;
	v20 =	vpop (erf)  }
0x224: {  	v36 =	vld [tilespmem:s30+$0x9520];
	(erf) = vrcp.f32 v19;
	v20 =	vadd.f32 $1.000000000e+00, v20  }
0x225: {  	v19 =	vld [tilespmem:s30+$0x9570];
	v18 =	vmul.f32 $1.442695020e+00, v18  }
0x226: {  	v27 =	vld [tilespmem:s30+$0x9550];
	v22 =	vpop (erf)  }
0x227: {  	(erf) = vpow2.f32 v18;
	v22 =	vadd.f32 $1.000000000e+00, v22;
	v23 =	vpop (erf)  }
0x228: {  	v18 =	vld [tilespmem:s30+$0x9510];
	(erf) = vrcp.f32 v20;
	v23 =	vadd.f32 $1.000000000e+00, v23;
	v20 =	vpop (erf)  }
0x229: {  	v24 =	vadd.f32 v7, v36;
	v20 =	vadd.f32 $1.000000000e+00, v20  }
0x22a: {  	v21 =	vld [tilespmem:s30+$0x9500];
	v19 =	vadd.f32 v10, v19;
	(erf) = vrcp.f32 v22  }
0x22b: {  	v25 =	vld [tilespmem:s30+$0x9530];
	v38 =	vadd.f32 v3, v27;
	v24 =	vadd.f32 v24, v24;
	(erf) = vrcp.f32 v23;
	v22 =	vpop (erf)  }
0x22c: {  	v26 =	vld [tilespmem:s30+$0x9540];
	v19 =	vadd.f32 v19, v19;
	v22 =	vadd.f32 $1.000000000e+00, v22;
	v23 =	vpop (erf);
	(erf) = vrcp.f32 v20  }
0x22d: {  	v18 =	vadd.f32 v8, v18;
	v23 =	vadd.f32 $1.000000000e+00, v23;
	v20 =	vpop (erf)  }
0x22e: {  	v19 =	vmul.f32 $1.442695020e+00, v19;
	v20 =	vadd.f32 v20, v20;
	(erf) = vrcp.f32 v22  }
0x22f: {  	v21 =	vadd.f32 v9, v21;
	v18 =	vadd.f32 v18, v18;
	v22 =	vld [tilespmem:s30+$0x9560];
	(erf) = vrcp.f32 v23  }
0x230: {  	v23 =	vadd.f32 v6, v25;
	v20 =	vsub.f32 $1.000000000e+00, v20;
	(erf) = vpow2.f32 v19  }
0x231: {  	v24 =	vmul.f32 $1.442695020e+00, v24;
	v37 =	vpop (erf);
	v19 =	vadd.f32 v21, v21;
	v21 =	vadd.f32 v5, v26  }
0x232: {  	v18 =	vmul.f32 $1.442695020e+00, v18;
	v39 =	vpop (erf);
	v26 =	vadd.f32 v38, v38;
	v23 =	vadd.f32 v23, v23  }
0x233: {  	v41 =	vadd.f32 v39, v39;
	v19 =	vmul.f32 $1.442695020e+00, v19;
	v28 =	vpop (erf);
	v21 =	vadd.f32 v21, v21  }
0x234: {  	v15 =	vadd.f32 v20, v15;
	v22 =	vadd.f32 v4, v22;
	v29 =	vpop (erf);
	v23 =	vmul.f32 $1.442695020e+00, v23  }
0x235: {  	v43 =	vadd.f32 v28, v28;
	v21 =	vmul.f32 $1.442695020e+00, v21;
	(erf) = vpow2.f32 v19;
	v20 =	vpop (erf)  }
0x236: {  	v44 =	vadd.f32 v29, v29;
	(erf) = vpow2.f32 v18;
	v20 =	vadd.f32 v20, v20  }
0x237: {  	v19 =	vadd.f32 v22, v22;
	v22 =	vmul.f32 $1.442695020e+00, v26;
	(erf) = vpow2.f32 v24;
	v40 =	vpop (erf)  }
0x238: {  	v24 =	vsub.f32 $1.000000000e+00, v43;
	(erf) = vpow2.f32 v23;
	v42 =	vpop (erf);
	v20 =	vsub.f32 $1.000000000e+00, v20  }
0x239: {  	v23 =	vpop (erf);
	(erf) = vpow2.f32 v21;
	v21 =	vadd.f32 v40, v40;
	v45 =	vadd.f32 v42, v42  }
0x23a: {  	s31 =	simm.s32 $0x100;
	v23 =	vadd.f32 $1.000000000e+00, v23;
	(erf) = vpow2.f32 v22;
	v22 =	vsub.f32 $1.000000000e+00, v41  }
0x23b: {  	v11 =	vadd.f32 v20, v11;
	v20 =	vld [tilespmem:s31+$0x9500];
	v21 =	vsub.f32 $1.000000000e+00, v21  }
0x23c: {  	(erf) = vrcp.f32 v23;
	v23 =	vsub.f32 $1.000000000e+00, v44;
	v17 =	vadd.f32 v22, v17;
	v22 =	vld [tilespmem:s31+$0x9570]  }
0x23d: {  	v18 =	vadd.f32 $1.000000000e+00, v37;
	v46 =	vsub.f32 $1.000000000e+00, v45  }
0x23e: {  	v19 =	vmul.f32 $1.442695020e+00, v19;
	v16 =	vadd.f32 v24, v16;
	v13 =	vadd.f32 v21, v13  }
0x23f: {  	v47 =	vpop (erf);
	v21 =	vld [tilespmem:s31+$0x9510];
	v12 =	vadd.f32 v46, v12;
	v14 =	vadd.f32 v23, v14  }
0x240: {  	v52 =	vld [tilespmem:s31+$0x9550];
	(erf) = vpow2.f32 v19;
	v19 =	vadd.f32 $1.000000000e+00, v47;
	v20 =	vadd.f32 v9, v20;
	v23 =	vpop (erf)  }
0x241: {  	v54 =	vld [tilespmem:s31+$0x9560];
	(erf) = vrcp.f32 v18;
	v48 =	vpop (erf);
	v18 =	vadd.f32 $1.000000000e+00, v23;
	v22 =	vadd.f32 v10, v22  }
0x242: {  	(erf) = vrcp.f32 v19;
	v19 =	vld [tilespmem:s31+$0x9530];
	v20 =	vadd.f32 v20, v20;
	v49 =	vpop (erf);
	v24 =	vadd.f32 $1.000000000e+00, v48  }
0x243: {  	v23 =	vld [tilespmem:s31+$0x9520];
	v25 =	vadd.f32 $1.000000000e+00, v49;
	v50 =	vpop (erf);
	(erf) = vrcp.f32 v18;
	v22 =	vadd.f32 v22, v22  }
0x244: {  	v21 =	vadd.f32 v8, v21;
	v26 =	vadd.f32 $1.000000000e+00, v50;
	v51 =	vpop (erf);
	(erf) = vrcp.f32 v24  }
0x245: {  	v18 =	vld [tilespmem:s31+$0x9540];
	v27 =	vadd.f32 $1.000000000e+00, v51;
	(erf) = vrcp.f32 v25;
	v22 =	vmul.f32 $1.442695020e+00, v22  }
0x246: {  	v24 =	vadd.f32 v3, v52;
	v21 =	vadd.f32 v21, v21;
	(erf) = vrcp.f32 v26  }
0x247: {  	v53 =	vpop (erf);
	v19 =	vadd.f32 v6, v19;
	v25 =	vadd.f32 v4, v54;
	(erf) = vrcp.f32 v27  }
0x248: {  	v28 =	vadd.f32 v53, v53;
	v23 =	vadd.f32 v7, v23;
	(erf) = vpow2.f32 v22  }
0x249: {  	v20 =	vmul.f32 $1.442695020e+00, v20;
	v24 =	vadd.f32 v24, v24;
	v19 =	vadd.f32 v19, v19;
	v22 =	vpop (erf)  }
0x24a: {  	v21 =	vmul.f32 $1.442695020e+00, v21;
	v25 =	vadd.f32 v25, v25;
	v18 =	vadd.f32 v5, v18;
	v56 =	vpop (erf)  }
0x24b: {  	v55 =	vsub.f32 $1.000000000e+00, v28;
	v23 =	vadd.f32 v23, v23;
	v24 =	vmul.f32 $1.442695020e+00, v24;
	v57 =	vpop (erf)  }
0x24c: {  	v19 =	vmul.f32 $1.442695020e+00, v19;
	v25 =	vmul.f32 $1.442695020e+00, v25;
	v18 =	vadd.f32 v18, v18;
	v58 =	vpop (erf)  }
0x24d: {  	v15 =	vadd.f32 v55, v15;
	v23 =	vmul.f32 $1.442695020e+00, v23;
	v30 =	vadd.f32 $1.000000000e+00, v22;
	v59 =	vpop (erf)  }
0x24e: {  	v26 =	vadd.f32 v56, v56;
	v18 =	vmul.f32 $1.442695020e+00, v18;
	v22 =	vpop (erf);
	(erf) = vpow2.f32 v20  }
0x24f: {  	v20 =	vadd.f32 v57, v57;
	v61 =	vadd.f32 v59, v59;
	v60 =	vpop (erf);
	(erf) = vpow2.f32 v21  }
0x250: {  	v21 =	vadd.f32 v58, v58;
	v62 =	vpop (erf);
	(erf) = vpow2.f32 v23;
	v23 =	vadd.f32 v22, v22  }
0x251: {  	v27 =	vadd.f32 v60, v60;
	v31 =	vsub.f32 $1.000000000e+00, v20;
	(erf) = vpow2.f32 v19;
	v19 =	vpop (erf)  }
0x252: {  	v22 =	vsub.f32 $1.000000000e+00, v61;
	v19 =	vadd.f32 $1.000000000e+00, v19;
	(erf) = vpow2.f32 v18  }
0x253: {  	v29 =	vadd.f32 v62, v62;
	v63 =	vsub.f32 $1.000000000e+00, v21;
	(erf) = vpow2.f32 v24  }
0x254: {  	v21 =	vsub.f32 $1.000000000e+00, v23;
	v20 =	vsub.f32 $1.000000000e+00, v27;
	(erf) = vrcp.f32 v19  }
0x255: {  	v18 =	vsub.f32 $1.000000000e+00, v26;
	v17 =	vadd.f32 v31, v17;
	(erf) = vpow2.f32 v25  }
0x256: {  	s5 =	simm.s32 $0x180;
	s0 =	simm.s32 $0x800;
	v16 =	vadd.f32 v63, v16;
	v19 =	vsub.f32 $1.000000000e+00, v29;
	(erf) = vrcp.f32 v30  }
.LBB2_13:
0x257: {  	p0 =	sne.s32 s0, $0x3000;
	v23 =	vld [tilespmem:s5+$0x9570];
	v24 =	vpop (erf);
	v14 =	vadd.f32 v22, v14;
	v11 =	vadd.f32 v21, v11  }
0x258: {  	v13 =	vadd.f32 v20, v13;
	v21 =	vld [tilespmem:s5+$0x9500];
	v26 =	vadd.f32 $1.000000000e+00, v24;
	v24 =	vpop (erf)  }
0x259: {  	v12 =	vadd.f32 v19, v12;
	v20 =	vld [tilespmem:s5+$0x9510];
	v27 =	vadd.f32 $1.000000000e+00, v24;
	v25 =	vpop (erf)  }
0x25a: {  	v2 =	vadd.f32 v18, v2;
	v19 =	vld [tilespmem:s5+$0x9520];
	v28 =	vadd.f32 $1.000000000e+00, v25;
	(erf) = vrcp.f32 v26;
	v22 =	vpop (erf)  }
0x25b: {  	v18 =	vld [tilespmem:s5+$0x9530];
	v29 =	vadd.f32 $1.000000000e+00, v22;
	(erf) = vrcp.f32 v27;
	v24 =	vpop (erf)  }
0x25c: {  	v26 =	vld [tilespmem:s5+$0x9540];
	v23 =	vadd.f32 v10, v23;
	v30 =	vadd.f32 $1.000000000e+00, v24;
	(erf) = vrcp.f32 v28;
	v25 =	vpop (erf)  }
0x25d: {  	v21 =	vadd.f32 v9, v21;
	v27 =	vld [tilespmem:s5+$0x9550];
	v31 =	vadd.f32 $1.000000000e+00, v25;
	(erf) = vrcp.f32 v29;
	v22 =	vpop (erf)  }
0x25e: {  	v28 =	vld [tilespmem:s5+$0x9560];
	v23 =	vadd.f32 v23, v23;
	v22 =	vadd.f32 v22, v22;
	(erf) = vrcp.f32 v30;
	v24 =	vpop (erf)  }
0x25f: {  	v20 =	vadd.f32 v8, v20;
	v19 =	vadd.f32 v7, v19;
	(erf) = vrcp.f32 v31;
	v25 =	vpop (erf)  }
0x260: {  	v18 =	vadd.f32 v6, v18;
	v29 =	vmul.f32 $1.442695020e+00, v23;
	v22 =	vsub.f32 $1.000000000e+00, v22  }
0x261: {  	v21 =	vadd.f32 v21, v21;
	v26 =	vadd.f32 v5, v26  }
0x262: {  	v27 =	vadd.f32 v3, v27;
	(erf) = vpow2.f32 v29;
	v15 =	vadd.f32 v22, v15  }
0x263: {  	v20 =	vadd.f32 v20, v20;
	v21 =	vmul.f32 $1.442695020e+00, v21;
	v22 =	vadd.f32 v4, v28;
	v23 =	vpop (erf)  }
0x264: {  	v19 =	vadd.f32 v19, v19;
	v18 =	vadd.f32 v18, v18;
	v28 =	vpop (erf)  }
0x265: {  	v20 =	vmul.f32 $1.442695020e+00, v20;
	v26 =	vadd.f32 v26, v26;
	v27 =	vadd.f32 v27, v27;
	v29 =	vpop (erf)  }
0x266: {  	v19 =	vmul.f32 $1.442695020e+00, v19;
	v18 =	vmul.f32 $1.442695020e+00, v18;
	v33 =	vadd.f32 v22, v22;
	v30 =	vpop (erf)  }
0x267: {  	v24 =	vadd.f32 $1.000000000e+00, v24;
	v26 =	vmul.f32 $1.442695020e+00, v26;
	v27 =	vmul.f32 $1.442695020e+00, v27;
	v31 =	vpop (erf)  }
0x268: {  	v32 =	vmul.f32 $1.442695020e+00, v33;
	(erf) = vpow2.f32 v21;
	v21 =	vadd.f32 v23, v23;
	v22 =	vpop (erf)  }
0x269: {  	v23 =	vadd.f32 v29, v29;
	(erf) = vpow2.f32 v20;
	v20 =	vadd.f32 v28, v28  }
0x26a: {  	v28 =	vadd.f32 v31, v31;
	(erf) = vpow2.f32 v19;
	v19 =	vadd.f32 v30, v30  }
0x26b: {  	v25 =	vadd.f32 v25, v25;
	v29 =	vadd.f32 v22, v22;
	(erf) = vpow2.f32 v18;
	v18 =	vpop (erf)  }
.Ltmp7:
0x26c: {  	v18 =	vadd.f32 $1.000000000e+00, v18;
	(erf) = vpow2.f32 v26;
	v26 =	vsub.f32 $1.000000000e+00, v21;
	(pc) =	sbr.rel @p0 .LBB2_13-.Ltmp7, $4  }
0x26d: {  	v22 =	vsub.f32 $1.000000000e+00, v23;
	(erf) = vpow2.f32 v27;
	v27 =	vsub.f32 $1.000000000e+00, v20  }
0x26e: {  	v21 =	vsub.f32 $1.000000000e+00, v19;
	v20 =	vsub.f32 $1.000000000e+00, v28;
	(erf) = vrcp.f32 v18  }
0x26f: {  	v19 =	vsub.f32 $1.000000000e+00, v29;
	v18 =	vsub.f32 $1.000000000e+00, v25;
	(erf) = vpow2.f32 v32  }
0x270: {  	s5 =	sshra.s32 s0, $0x2;
	s0 =	sadd.s32 $0x200, s0;
	v17 =	vadd.f32 v26, v17;
	v16 =	vadd.f32 v27, v16;
	(erf) = vrcp.f32 v24  }
0x271: {  	v23 =	vld [tilespmem:s5+$0x9570];
	_ =	sdelay $0x1  }
0x272: {  	v24 =	vpop (erf);
	v25 =	vld [tilespmem:s5+$0x9500]  }
0x273: {  	v27 =	vld [tilespmem:s5+$0x9510];
	v26 =	vpop (erf)  }
0x274: {  	v24 =	vadd.f32 $1.000000000e+00, v24;
	v28 =	vpop (erf)  }
0x275: {  	v26 =	vadd.f32 $1.000000000e+00, v26;
	v40 =	vpop (erf);
	v10 =	vadd.f32 v10, v23  }
0x276: {  	v29 =	vld [tilespmem:s5+$0x9520];
	v28 =	vadd.f32 $1.000000000e+00, v28;
	(erf) = vrcp.f32 v24;
	v24 =	vadd.f32 $1.000000000e+00, v40;
	v42 =	vpop (erf)  }
0x277: {  	(erf) = vrcp.f32 v26;
	v26 =	vadd.f32 $1.000000000e+00, v42;
	v10 =	vadd.f32 v10, v10  }
0x278: {  	(erf) = vrcp.f32 v28;
	v43 =	vpop (erf);
	v9 =	vadd.f32 v9, v25;
	v8 =	vadd.f32 v8, v27  }
0x279: {  	v41 =	vld [tilespmem:s5+$0x9530];
	(erf) = vrcp.f32 v24;
	v45 =	vadd.f32 $1.000000000e+00, v43;
	v10 =	vmul.f32 $1.442695020e+00, v10  }
0x27a: {  	v30 =	vld [tilespmem:s5+$0x9540];
	(erf) = vrcp.f32 v26;
	v9 =	vadd.f32 v9, v9  }
0x27b: {  	v44 =	vld [tilespmem:s5+$0x9550];
	v7 =	vadd.f32 v7, v29;
	v8 =	vadd.f32 v8, v8;
	(erf) = vrcp.f32 v45  }
0x27c: {  	v46 =	vpop (erf);
	v9 =	vmul.f32 $1.442695020e+00, v9;
	(erf) = vpow2.f32 v10  }
0x27d: {  	v7 =	vadd.f32 v7, v7;
	v8 =	vmul.f32 $1.442695020e+00, v8;
	v10 =	vpop (erf)  }
0x27e: {  	v47 =	vld [tilespmem:s5+$0x9560];
	v6 =	vadd.f32 v6, v41;
	v48 =	vpop (erf)  }
0x27f: {  	v5 =	vadd.f32 v5, v30;
	v7 =	vmul.f32 $1.442695020e+00, v7;
	(erf) = vpow2.f32 v9;
	v49 =	vpop (erf)  }
0x280: {  	v3 =	vadd.f32 v3, v44;
	v6 =	vadd.f32 v6, v6;
	v9 =	vpop (erf);
	(erf) = vpow2.f32 v8  }
0x281: {  	v5 =	vadd.f32 v5, v5;
	v8 =	vpop (erf);
	(erf) = vpow2.f32 v7  }
0x282: {  	v50 =	vadd.f32 v22, v14;
	v3 =	vadd.f32 v3, v3;
	v6 =	vmul.f32 $1.442695020e+00, v6;
	v14 =	vpop (erf)  }
0x283: {  	v53 =	vadd.f32 v21, v11;
	v4 =	vadd.f32 v4, v47;
	v5 =	vmul.f32 $1.442695020e+00, v5;
	v52 =	vpop (erf)  }
0x284: {  	v11 =	vadd.f32 v20, v13;
	v3 =	vmul.f32 $1.442695020e+00, v3;
	(erf) = vpow2.f32 v6;
	v13 =	vpop (erf)  }
0x285: {  	v4 =	vadd.f32 v4, v4;
	(erf) = vpow2.f32 v5;
	v54 =	vpop (erf)  }
0x286: {  	v10 =	vadd.f32 $1.000000000e+00, v10;
	(erf) = vpow2.f32 v3;
	v6 =	vadd.f32 $1.000000000e+00, v54  }
0x287: {  	v4 =	vmul.f32 $1.442695020e+00, v4  }
0x288: {  	v12 =	vadd.f32 v19, v12;
	v2 =	vadd.f32 v18, v2;
	v55 =	vpop (erf);
	(erf) = vrcp.f32 v6  }
0x289: {  	v51 =	vadd.f32 v46, v46;
	v19 =	vadd.f32 v48, v48;
	(erf) = vpow2.f32 v4;
	v57 =	vpop (erf)  }
0x28a: {  	v9 =	vadd.f32 v9, v9;
	v8 =	vadd.f32 v8, v8;
	(erf) = vrcp.f32 v10;
	v10 =	vpop (erf)  }
0x28b: {  	v56 =	vadd.f32 $1.000000000e+00, v55;
	v10 =	vadd.f32 $1.000000000e+00, v10  }
0x28c: {  	v14 =	vadd.f32 v14, v14;
	v6 =	vadd.f32 $1.000000000e+00, v57  }
0x28d: {  	v9 =	vsub.f32 $1.000000000e+00, v9;
	v3 =	vsub.f32 $1.000000000e+00, v51;
	(erf) = vrcp.f32 v56;
	v58 =	vpop (erf)  }
0x28e: {  	v18 =	vadd.f32 v52, v52;
	v4 =	vadd.f32 $1.000000000e+00, v58;
	(erf) = vrcp.f32 v6;
	v59 =	vpop (erf)  }
0x28f: {  	v3 =	vadd.f32 v3, v15;
	v6 =	vadd.f32 $1.000000000e+00, v59;
	(erf) = vrcp.f32 v10;
	v10 =	vpop (erf)  }
0x290: {  	v15 =	vadd.f32 v49, v49;
	(erf) = vrcp.f32 v4;
	v10 =	vadd.f32 $1.000000000e+00, v10  }
0x291: {  	v61 =	vsub.f32 $1.000000000e+00, v8;
	v13 =	vadd.f32 v13, v13;
	(erf) = vrcp.f32 v6  }
0x292: {  	v8 =	vsub.f32 $1.000000000e+00, v14;
	v60 =	vsub.f32 $1.000000000e+00, v15;
	v14 =	vpop (erf);
	(erf) = vrcp.f32 v10  }
0x293: {  	v13 =	vsub.f32 $1.000000000e+00, v13;
	v14 =	vadd.f32 v14, v14  }
0x294: {  	v5 =	vadd.f32 v8, v53;
	v4 =	vadd.f32 v60, v17;
	v17 =	vpop (erf)  }
0x295: {  	v10 =	vsub.f32 $1.000000000e+00, v18;
	v18 =	vpop (erf);
	v17 =	vadd.f32 $1.000000000e+00, v17  }
0x296: {  	v15 =	vsub.f32 $1.000000000e+00, v19;
	v62 =	vpop (erf);
	v8 =	vsub.f32 $1.000000000e+00, v14  }
0x297: {  	v9 =	vadd.f32 v9, v16;
	v12 =	vadd.f32 v13, v12;
	(erf) = vrcp.f32 v17;
	v14 =	vpop (erf)  }
0x298: {  	v2 =	vadd.f32 v15, v2;
	v10 =	vadd.f32 v10, v11;
	v11 =	vpop (erf)  }
0x299: {  	v16 =	vadd.f32 v18, v18;
	v15 =	vadd.f32 v8, v3;
	v3 =	vpop (erf)  }
0x29a: {  	v6 =	vadd.f32 v61, v50;
	v7 =	vadd.f32 v62, v62;
	v8 =	vpop (erf)  }
0x29b: {  	v19 =	vsub.f32 $1.000000000e+00, v16;
	v13 =	vadd.f32 v14, v14;
	v14 =	vpop (erf)  }
0x29c: {  	v7 =	vsub.f32 $1.000000000e+00, v7;
	v14 =	vadd.f32 v14, v14  }
0x29d: {  	v11 =	vadd.f32 v11, v11;
	v2 =	vadd.f32 v19, v2  }
0x29e: {  	v3 =	vadd.f32 v3, v3;
	v13 =	vsub.f32 $1.000000000e+00, v13  }
0x29f: {  	s21 =	sadd.s32 $0x1, s21;
	v17 =	vadd.f32 v7, v4;
	v8 =	vadd.f32 v8, v8  }
0x2a0: {  	p0 =	sne.s32 s21, $0x19;
	v11 =	vsub.f32 $1.000000000e+00, v11;
	v18 =	vsub.f32 $1.000000000e+00, v14;
	v14 =	vpop (erf)  }
.Ltmp8:
0x2a1: {  	v8 =	vsub.f32 $1.000000000e+00, v8;
	v63 =	vadd.f32 v14, v14;
	(pc) =	sbr.rel @p0 .LBB2_12-.Ltmp8, $4  }
0x2a2: {  	v3 =	vsub.f32 $1.000000000e+00, v3;
	v16 =	vadd.f32 v13, v9  }
0x2a3: {  	v13 =	vadd.f32 v8, v10;
	v4 =	vsub.f32 $1.000000000e+00, v63  }
0x2a4: {  	v12 =	vadd.f32 v18, v12;
	v14 =	vadd.f32 v11, v6  }
0x2a5: {  	v11 =	vadd.f32 v3, v5;
	v2 =	vadd.f32 v4, v2  }
0x2a6: {  	v3 =	vadd.f32 v16, v17;
	_ =	sdelay $0x1  }
0x2a7: {  	v3 =	vadd.f32 v14, v3;
	_ =	sdelay $0x1  }
0x2a8: {  	v3 =	vadd.f32 v11, v3;
	_ =	sdelay $0x1  }
0x2a9: {  	v3 =	vadd.f32 v13, v3;
	_ =	sdelay $0x1  }
0x2aa: {  	v3 =	vadd.f32 v12, v3;
	_ =	sdelay $0x1  }
0x2ab: {  	v2 =	vadd.f32 v2, v3;
	_ =	sdelay $0x1  }
0x2ac: {  	v2 =	vadd.f32 v15, v2;
	_ =	sdelay $0x1  }
0x2ad: {  	v2 =	vmul.f32 $3.906249900e-07, v2;
	_ =	sdelay $0x1  }
0x2ae: {  	s0 =	rddreg [dreg:$0x12];
	s5 =	simm.s32 $0xA580;
	[tilespmem:$0xA580] =	vst v2  }
0x2af: {  	[hbm4b:s0+s4] =	stream.linear.scatter [tilespmem:s5], [sflag:$0x4], $0x80, $0x38;
	[tilespmem:$0x1DE80] =	vst v63  }
0x2b0: {  	_ =	swait.ge [sflag:s16], $0x80  }
0x2b1: {  	s20 =	sadd.s32 $0x1, s20;
	s31 =	rddreg [dreg:$0x13]  }
0x2b2: {  	p0 =	sne.s32 s20, s31  }
.Ltmp9:
0x2b3: {  	_ = 	snop;
	(pc) =	sbr.rel @p0 .LBB2_1-.Ltmp9, $3  }
0x2b4: {  	_ =	sdelay $0x1  }
0x2b5: {  	[sflag:s16] =	ssyncset.done $0x0  }
0x2b6: {  	[sflag:s16] =	ssyncadd.s32 $0xFFFFFF80  }
0x2b7: {  	_ =	sfence.sel $0x180000  }
0x2b8: {  	[bflag:$0x0] =	sbarrier.arrive $0xFFFF  }
0x2b9: {  	_ =	strace $0x90000047  }
0x2ba: {  	s0 =	stileid.u32;
	[bflag:$0x2] =	sbarrier.arrive $0xFFFF  }
0x2bb: {  	p0 =	sne.s32 s0, $0x0;
	s0 =	rddreg [dreg:$0x4]  }
0x2bc: {  	s0 =	sadd.s32 @!p0 $0x100000, s0  }
0x2bd: {  	[sflag:s0] =	ssyncadd.tile.s32 @!p0 $0x1;
	_ =	shalt  }
.Lfunc_end2:
_tile_overlayer_lowered:
.L_overlay_start_2:
0x2be: {  	(tag) =	ssettag $0x2  }
0x2bf: {  	s0 =	rddreg [dreg:$0x0];
	s2 =	stileid.u32  }
0x2c0: {  	s1 =	rddreg [dreg:$0x1];
	p0 =	sne.s32 s2, $0x0  }
0x2c1: {  	s3 =	rddreg [dreg:$0x2];
	[bflag:$0x3] =	sbarrier.arrive $0xFFFF;
	s2 =	simm.s32 @!p0 $0x1C04  }
0x2c2: {  	[timem:s3], [sflag:s2] =	dma.local @!p0 [hbm:s0], s1  }
0x2c3: {  	s0 =	simm.s32 @!p0 $0x4  }
0x2c4: {  	_ =	swait.ge @!p0 [sflag:s0], s1  }
0x2c5: {  	s1 =	ssub.s32 @!p0 $0x0, s1;
	[sflag:s0] =	ssyncset.done @!p0 $0x0  }
0x2c6: {  	[sflag:s0] =	ssyncadd.s32 @!p0 s1  }
0x2c7: {  	[bflag:$0x3] =	sbarrier.arrive $0xFFFF  }
0x2c8: {  	_ =	shalt  }

</sc_bundles>
